<compile_context>
chip_gen: v7x
topology: tpu7x:2x2x1
jax: 0.10.2.dev20260603
libtpu: 0.0.44.dev20260713+nightly
codegen_flags: <defaults>
</compile_context>

<pallas_src>
import jax
import jax.numpy as jnp
from jax import lax
from jax.experimental import pallas as pl
from jax.experimental.pallas import tpu as pltpu
from jax.experimental.pallas import tpu_sc as plsc

_DEPTH = 1000
_N = 4096
_J = 20
_NC = 2
_NS = 16
_NW = _NC * _NS
_IW = _N // _NW
_DC = 200
_NCHUNK = _DEPTH // _DC
_NUNIT = _J * _NCHUNK
_NBUF = 4


def _div5(g):
    return lax.shift_right_logical(g * 52429, 18)


def _body(x_hbm, out_hbm, xs, b0, b1, b2, b3, s0, s1, s2, s3):
    bufs = (b0, b1, b2, b3)
    sems = (s0, s1, s2, s3)
    wid = lax.axis_index("s") * _NC + lax.axis_index("c")

    iota = lax.iota(jnp.int32, 16)
    ones_v = jnp.full((16,), 1.0, jnp.float32)
    zeros_v = jnp.zeros((16,), jnp.float32)

    pltpu.sync_copy(x_hbm.at[pl.ds(wid * _IW, _IW), :], xs)

    def _scatter(b, g, val):
        j = _div5(g)
        d0 = (g - j * _NCHUNK) * _DC
        jv = jnp.zeros((16,), jnp.int32) + j
        for v in range(_IW // 16):
            col = iota + (v * 16)
            xi = plsc.load_gather(xs, [col, jv])
            u = xi - d0
            m = u.astype(jnp.uint32) < jnp.uint32(_DC)
            row = jnp.where(m, u, 0)
            plsc.store_scatter(bufs[b], [row, col], val, mask=m)

    def _start(b, g):
        j = _div5(g)
        d0 = (g - j * _NCHUNK) * _DC
        dst = out_hbm.at[j, pl.ds(d0, _DC), pl.ds(wid * _IW, _IW)]
        pltpu.async_copy(bufs[b], dst, sems[b])

    def _wait(b):
        dst = out_hbm.at[0, pl.ds(0, _DC), pl.ds(0, _IW)]
        pltpu.make_async_copy(bufs[b], dst, sems[b]).wait()

    def _zero(b):
        def zb(i, carry):
            for v in range(_IW // 16):
                bufs[b][i, pl.ds(v * 16, 16)] = zeros_v
            return carry

        lax.fori_loop(0, _DC, zb, 0)

    for b in range(_NBUF):
        _zero(b)
        _scatter(b, b, ones_v)
        _start(b, b)

    def _step(it, carry):
        for b in range(_NBUF):
            g = it * _NBUF + b
            _wait(b)
            _scatter(b, g - _NBUF, zeros_v)
            _scatter(b, g, ones_v)
            _start(b, g)
        return carry

    lax.fori_loop(1, _NUNIT // _NBUF, _step, 0)

    for b in range(_NBUF):
        _wait(b)


@jax.jit
def _one_hot_sc(x2d):
    mesh = plsc.VectorSubcoreMesh(core_axis_name="c", subcore_axis_name="s")
    f = pl.kernel(
        _body,
        out_type=jax.ShapeDtypeStruct((_J, _DEPTH, _N), jnp.float32),
        mesh=mesh,
        compiler_params=pltpu.CompilerParams(
            needs_layout_passes=False, use_tc_tiling_on_sc=True
        ),
        scratch_types=[pltpu.VMEM((_IW, _J), jnp.int32)]
        + [pltpu.VMEM((_DC, _IW), jnp.float32) for _ in range(_NBUF)]
        + [pltpu.SemaphoreType.DMA for _ in range(_NBUF)],
    )
    return f(x2d)


def kernel(X_in, ones):
    del ones
    out = _one_hot_sc(X_in.astype(jnp.int32))
    return jnp.transpose(out, (2, 1, 0))

# --- scband reference (transcript-rebuilt; emitter-appended) ---
"""Pipeline reference for scband-one-hot-42056319762985 (READ-ONLY COPY).

The authoritative reference and input builder live on the scoring server;
editing this copy changes nothing except your own understanding.
"""

import jax, jax.numpy as jnp
import numpy as np

DEPTH = 1000

def setup_inputs(seed: int = 0) -> dict:
    key = jax.random.key(seed)
    X_in = jax.random.randint(key, (4096, 20), 0, DEPTH)
    ones = jnp.eye(DEPTH, dtype=jnp.float32)
    return {"X_in": X_in, "ones": ones}

def reference(X_in, ones):
    # Faithful translation of One_Hot.forward
    n_dim = X_in.ndim
    output_size = tuple(X_in.shape) + (DEPTH,)
    num_element = X_in.size
    flat = X_in.reshape(num_element).astype(jnp.int32)
    out = jnp.take(ones, flat, axis=0).reshape(output_size)
    if n_dim > 1:
        # permute(0, -1, *range(1, n_dim))
        perm = (0, n_dim) + tuple(range(1, n_dim))
        out = jnp.transpose(out, perm)
        # squeeze(dim=2) only squeezes if that dim == 1
        if out.ndim > 2 and out.shape[2] == 1:
            out = jnp.squeeze(out, axis=2)
        return out.astype(jnp.float32)
    else:
        return out.astype(jnp.float32)

if __name__ == "__main__":
    import jax
    _d = setup_inputs()
    print(jax.jit(kernel)(*tuple(_d.values())))

</pallas_src>

<mosaic_0001>
#map = affine_map<(d0, d1) -> (0, 0)>
#map1 = affine_map<(d0, d1) -> (0, 0, 0)>
module attributes {stable_mosaic.version = 14 : i64} {
  func.func @_body(%arg0: i32, %arg1: i32, %arg2: memref<4096x20xi32, #tpu.memory_space<hbm>>, %arg3: memref<20x1000x4096xf32, #tpu.memory_space<hbm>>, %arg4: memref<128x20xi32, #tpu.memory_space<vmem>>, %arg5: memref<200x128xf32, #tpu.memory_space<vmem>>, %arg6: memref<200x128xf32, #tpu.memory_space<vmem>>, %arg7: memref<200x128xf32, #tpu.memory_space<vmem>>, %arg8: memref<200x128xf32, #tpu.memory_space<vmem>>, %arg9: memref<!tpu.dma_semaphore, #tpu.memory_space<semaphore_mem>>, %arg10: memref<!tpu.dma_semaphore, #tpu.memory_space<semaphore_mem>>, %arg11: memref<!tpu.dma_semaphore, #tpu.memory_space<semaphore_mem>>, %arg12: memref<!tpu.dma_semaphore, #tpu.memory_space<semaphore_mem>>) attributes {dimension_semantics = [#tpu.dimension_semantics<core_parallel>, #tpu.dimension_semantics<subcore_parallel>], iteration_bounds = array<i64: 2, 16>, scalar_prefetch = 0 : i64, scratch_operands = 9 : i64, tpu.core_type = #tpu.core_type<sc_vector_subcore>, window_params = [{transform_indices = #map}, {transform_indices = #map1}]} {
    %mul3A = arith.constant 2 : i32
    %mul3A_0 = arith.muli %arg1, %mul3A : i32
    %add3A = arith.addi %mul3A_0, %arg0 : i32
    %iota3A = tpu.iota {dimensions = array<i32: 0>} : vector<16xi32>
    %broadcast_in_dim3A = arith.constant 1.000000e+00 : f32
    %broadcast_in_dim3A_1 = vector.broadcast %broadcast_in_dim3A : f32 to vector<16xf32>
    %broadcast_in_dim3A_2 = arith.constant 0.000000e+00 : f32
    %broadcast_in_dim3A_3 = vector.broadcast %broadcast_in_dim3A_2 : f32 to vector<16xf32>
    %mul3A_4 = arith.constant 128 : i32
    %mul3A_5 = arith.muli %add3A, %mul3A_4 : i32
    "tpu.region"() ({
      %run_scoped3A = tpu.sem_alloc : memref<!tpu.dma_semaphore, #tpu.memory_space<semaphore_mem>>
      %dma_start3A_559 = arith.constant 0 : i32
      %dma_start3A_560 = tpu.memref_slice %arg2[%mul3A_5, %dma_start3A_559] : memref<4096x20xi32, #tpu.memory_space<hbm>> -> memref<128x20xi32, #tpu.memory_space<hbm>>
      %dma_start3A_561 = arith.constant 0 : i32
      %dma_start3A_562 = tpu.memref_slice %arg2[%mul3A_5, %dma_start3A_561] : memref<4096x20xi32, #tpu.memory_space<hbm>> -> memref<128x20xi32, #tpu.memory_space<hbm>>
      tpu.enqueue_dma source(%dma_start3A_562 : memref<128x20xi32, #tpu.memory_space<hbm>>) target(%arg4 : memref<128x20xi32, #tpu.memory_space<vmem>>) target_semaphore(%run_scoped3A : memref<!tpu.dma_semaphore, #tpu.memory_space<semaphore_mem>>)
      %dma_wait3A_563 = arith.constant 0 : i32
      %dma_wait3A_564 = tpu.memref_slice %arg2[%mul3A_5, %dma_wait3A_563] : memref<4096x20xi32, #tpu.memory_space<hbm>> -> memref<128x20xi32, #tpu.memory_space<hbm>>
      %dma_wait3A_565 = arith.constant 0 : i32
      %dma_wait3A_566 = tpu.memref_slice %arg2[%mul3A_5, %dma_wait3A_565] : memref<4096x20xi32, #tpu.memory_space<hbm>> -> memref<128x20xi32, #tpu.memory_space<hbm>>
      tpu.wait_dma2 semaphore(%run_scoped3A : memref<!tpu.dma_semaphore, #tpu.memory_space<semaphore_mem>>) src(%dma_wait3A_566 : memref<128x20xi32, #tpu.memory_space<hbm>>) dst(%arg4 : memref<128x20xi32, #tpu.memory_space<vmem>>)
      tpu.yield
    }) : () -> ()
    %scan3A = arith.constant 0 : i32
    %scan3A_6 = arith.constant 0 : i32
    %scan3A_7 = arith.constant 200 : i32
    %scan3A_8 = arith.addi %scan3A_6, %scan3A_7 : i32
    %scan3A_9 = arith.constant 1 : i32
    scf.for %scan3A_559 = %scan3A_6 to %scan3A_8 step %scan3A_9  : i32 {
      %swap3A = arith.index_cast %scan3A_559 : i32 to index
      %swap3A_560 = arith.constant 0 : index
      %swap3A_561 = tpu.vector_load %arg5[%swap3A, %swap3A_560] {strides = array<i32>} : memref<200x128xf32, #tpu.memory_space<vmem>>, vector<16xf32>,
      tpu.vector_store %arg5[%swap3A, %swap3A_560], %broadcast_in_dim3A_3 {strides = array<i32>} : memref<200x128xf32, #tpu.memory_space<vmem>>, vector<16xf32>,
      %swap3A_562 = arith.index_cast %scan3A_559 : i32 to index
      %swap3A_563 = arith.constant 16 : index
      %swap3A_564 = tpu.vector_load %arg5[%swap3A_562, %swap3A_563] {strides = array<i32>} : memref<200x128xf32, #tpu.memory_space<vmem>>, vector<16xf32>,
      tpu.vector_store %arg5[%swap3A_562, %swap3A_563], %broadcast_in_dim3A_3 {strides = array<i32>} : memref<200x128xf32, #tpu.memory_space<vmem>>, vector<16xf32>,
      %swap3A_565 = arith.index_cast %scan3A_559 : i32 to index
      %swap3A_566 = arith.constant 32 : index
      %swap3A_567 = tpu.vector_load %arg5[%swap3A_565, %swap3A_566] {strides = array<i32>} : memref<200x128xf32, #tpu.memory_space<vmem>>, vector<16xf32>,
      tpu.vector_store %arg5[%swap3A_565, %swap3A_566], %broadcast_in_dim3A_3 {strides = array<i32>} : memref<200x128xf32, #tpu.memory_space<vmem>>, vector<16xf32>,
      %swap3A_568 = arith.index_cast %scan3A_559 : i32 to index
      %swap3A_569 = arith.constant 48 : index
      %swap3A_570 = tpu.vector_load %arg5[%swap3A_568, %swap3A_569] {strides = array<i32>} : memref<200x128xf32, #tpu.memory_space<vmem>>, vector<16xf32>,
      tpu.vector_store %arg5[%swap3A_568, %swap3A_569], %broadcast_in_dim3A_3 {strides = array<i32>} : memref<200x128xf32, #tpu.memory_space<vmem>>, vector<16xf32>,
      %swap3A_571 = arith.index_cast %scan3A_559 : i32 to index
      %swap3A_572 = arith.constant 64 : index
      %swap3A_573 = tpu.vector_load %arg5[%swap3A_571, %swap3A_572] {strides = array<i32>} : memref<200x128xf32, #tpu.memory_space<vmem>>, vector<16xf32>,
      tpu.vector_store %arg5[%swap3A_571, %swap3A_572], %broadcast_in_dim3A_3 {strides = array<i32>} : memref<200x128xf32, #tpu.memory_space<vmem>>, vector<16xf32>,
      %swap3A_574 = arith.index_cast %scan3A_559 : i32 to index
      %swap3A_575 = arith.constant 80 : index
      %swap3A_576 = tpu.vector_load %arg5[%swap3A_574, %swap3A_575] {strides = array<i32>} : memref<200x128xf32, #tpu.memory_space<vmem>>, vector<16xf32>,
      tpu.vector_store %arg5[%swap3A_574, %swap3A_575], %broadcast_in_dim3A_3 {strides = array<i32>} : memref<200x128xf32, #tpu.memory_space<vmem>>, vector<16xf32>,
      %swap3A_577 = arith.index_cast %scan3A_559 : i32 to index
      %swap3A_578 = arith.constant 96 : index
      %swap3A_579 = tpu.vector_load %arg5[%swap3A_577, %swap3A_578] {strides = array<i32>} : memref<200x128xf32, #tpu.memory_space<vmem>>, vector<16xf32>,
      tpu.vector_store %arg5[%swap3A_577, %swap3A_578], %broadcast_in_dim3A_3 {strides = array<i32>} : memref<200x128xf32, #tpu.memory_space<vmem>>, vector<16xf32>,
      %swap3A_580 = arith.index_cast %scan3A_559 : i32 to index
      %swap3A_581 = arith.constant 112 : index
      %swap3A_582 = tpu.vector_load %arg5[%swap3A_580, %swap3A_581] {strides = array<i32>} : memref<200x128xf32, #tpu.memory_space<vmem>>, vector<16xf32>,
      tpu.vector_store %arg5[%swap3A_580, %swap3A_581], %broadcast_in_dim3A_3 {strides = array<i32>} : memref<200x128xf32, #tpu.memory_space<vmem>>, vector<16xf32>,
    }
    %scan3A_10 = arith.constant 200 : i32
    %shift_right_logical3A = arith.constant 0 : i32
    %shift_right_logical3A_11 = arith.constant 18 : i32
    %shift_right_logical3A_12 = arith.shrui %shift_right_logical3A, %shift_right_logical3A_11 : i32
    %mul3A_13 = arith.constant 5 : i32
    %mul3A_14 = arith.muli %shift_right_logical3A_12, %mul3A_13 : i32
    %sub3A = arith.constant 0 : i32
    %sub3A_15 = arith.subi %sub3A, %mul3A_14 : i32
    %mul3A_16 = arith.constant 200 : i32
    %mul3A_17 = arith.muli %sub3A_15, %mul3A_16 : i32
    %broadcast_in_dim3A_18 = arith.constant 0 : i32
    %broadcast_in_dim3A_19 = vector.broadcast %broadcast_in_dim3A_18 : i32 to vector<16xi32>
    %add3A_20 = vector.broadcast %shift_right_logical3A_12 : i32 to vector<16xi32>
    %add3A_21 = arith.addi %broadcast_in_dim3A_19, %add3A_20 : vector<16xi32>
    %add3A_22 = arith.constant 0 : i32
    %add3A_23 = vector.broadcast %add3A_22 : i32 to vector<16xi32>
    %add3A_24 = arith.addi %iota3A, %add3A_23 : vector<16xi32>
    %gather3A = tpu.vector_load_idx %arg4[%add3A_24, %add3A_21] : memref<128x20xi32, #tpu.memory_space<vmem>>[vector<16xi32>, vector<16xi32>], vector<16xi32>,
    %sub3A_25 = vector.broadcast %mul3A_17 : i32 to vector<16xi32>
    %sub3A_26 = arith.subi %gather3A, %sub3A_25 : vector<16xi32>
    %lt3A = arith.constant 200 : i32
    %lt3A_27 = vector.broadcast %lt3A : i32 to vector<16xi32>
    %lt3A_28 = arith.cmpi ult, %sub3A_26, %lt3A_27 : vector<16xi32>
    %jit3A = arith.constant 0 : i32
    %broadcast_in_dim3A_29 = vector.broadcast %jit3A : i32 to vector<16xi32>
    %select_n3A = arith.select %lt3A_28, %sub3A_26, %broadcast_in_dim3A_29 : vector<16xi1>, vector<16xi32>
    tpu.vector_store_idx %arg5[%select_n3A, %add3A_24], %broadcast_in_dim3A_1 masked %lt3A_28 : memref<200x128xf32, #tpu.memory_space<vmem>>[vector<16xi32>, vector<16xi32>], vector<16xf32>, vector<16xi1>
    %add3A_30 = arith.constant 16 : i32
    %add3A_31 = vector.broadcast %add3A_30 : i32 to vector<16xi32>
    %add3A_32 = arith.addi %iota3A, %add3A_31 : vector<16xi32>
    %gather3A_33 = tpu.vector_load_idx %arg4[%add3A_32, %add3A_21] : memref<128x20xi32, #tpu.memory_space<vmem>>[vector<16xi32>, vector<16xi32>], vector<16xi32>,
    %sub3A_34 = vector.broadcast %mul3A_17 : i32 to vector<16xi32>
    %sub3A_35 = arith.subi %gather3A_33, %sub3A_34 : vector<16xi32>
    %lt3A_36 = arith.constant 200 : i32
    %lt3A_37 = vector.broadcast %lt3A_36 : i32 to vector<16xi32>
    %lt3A_38 = arith.cmpi ult, %sub3A_35, %lt3A_37 : vector<16xi32>
    %jit3A_39 = arith.constant 0 : i32
    %broadcast_in_dim3A_40 = vector.broadcast %jit3A_39 : i32 to vector<16xi32>
    %select_n3A_41 = arith.select %lt3A_38, %sub3A_35, %broadcast_in_dim3A_40 : vector<16xi1>, vector<16xi32>
    tpu.vector_store_idx %arg5[%select_n3A_41, %add3A_32], %broadcast_in_dim3A_1 masked %lt3A_38 : memref<200x128xf32, #tpu.memory_space<vmem>>[vector<16xi32>, vector<16xi32>], vector<16xf32>, vector<16xi1>
    %add3A_42 = arith.constant 32 : i32
    %add3A_43 = vector.broadcast %add3A_42 : i32 to vector<16xi32>
    %add3A_44 = arith.addi %iota3A, %add3A_43 : vector<16xi32>
    %gather3A_45 = tpu.vector_load_idx %arg4[%add3A_44, %add3A_21] : memref<128x20xi32, #tpu.memory_space<vmem>>[vector<16xi32>, vector<16xi32>], vector<16xi32>,
    %sub3A_46 = vector.broadcast %mul3A_17 : i32 to vector<16xi32>
    %sub3A_47 = arith.subi %gather3A_45, %sub3A_46 : vector<16xi32>
    %lt3A_48 = arith.constant 200 : i32
    %lt3A_49 = vector.broadcast %lt3A_48 : i32 to vector<16xi32>
    %lt3A_50 = arith.cmpi ult, %sub3A_47, %lt3A_49 : vector<16xi32>
    %jit3A_51 = arith.constant 0 : i32
    %broadcast_in_dim3A_52 = vector.broadcast %jit3A_51 : i32 to vector<16xi32>
    %select_n3A_53 = arith.select %lt3A_50, %sub3A_47, %broadcast_in_dim3A_52 : vector<16xi1>, vector<16xi32>
    tpu.vector_store_idx %arg5[%select_n3A_53, %add3A_44], %broadcast_in_dim3A_1 masked %lt3A_50 : memref<200x128xf32, #tpu.memory_space<vmem>>[vector<16xi32>, vector<16xi32>], vector<16xf32>, vector<16xi1>
    %add3A_54 = arith.constant 48 : i32
    %add3A_55 = vector.broadcast %add3A_54 : i32 to vector<16xi32>
    %add3A_56 = arith.addi %iota3A, %add3A_55 : vector<16xi32>
    %gather3A_57 = tpu.vector_load_idx %arg4[%add3A_56, %add3A_21] : memref<128x20xi32, #tpu.memory_space<vmem>>[vector<16xi32>, vector<16xi32>], vector<16xi32>,
    %sub3A_58 = vector.broadcast %mul3A_17 : i32 to vector<16xi32>
    %sub3A_59 = arith.subi %gather3A_57, %sub3A_58 : vector<16xi32>
    %lt3A_60 = arith.constant 200 : i32
    %lt3A_61 = vector.broadcast %lt3A_60 : i32 to vector<16xi32>
    %lt3A_62 = arith.cmpi ult, %sub3A_59, %lt3A_61 : vector<16xi32>
    %jit3A_63 = arith.constant 0 : i32
    %broadcast_in_dim3A_64 = vector.broadcast %jit3A_63 : i32 to vector<16xi32>
    %select_n3A_65 = arith.select %lt3A_62, %sub3A_59, %broadcast_in_dim3A_64 : vector<16xi1>, vector<16xi32>
    tpu.vector_store_idx %arg5[%select_n3A_65, %add3A_56], %broadcast_in_dim3A_1 masked %lt3A_62 : memref<200x128xf32, #tpu.memory_space<vmem>>[vector<16xi32>, vector<16xi32>], vector<16xf32>, vector<16xi1>
    %add3A_66 = arith.constant 64 : i32
    %add3A_67 = vector.broadcast %add3A_66 : i32 to vector<16xi32>
    %add3A_68 = arith.addi %iota3A, %add3A_67 : vector<16xi32>
    %gather3A_69 = tpu.vector_load_idx %arg4[%add3A_68, %add3A_21] : memref<128x20xi32, #tpu.memory_space<vmem>>[vector<16xi32>, vector<16xi32>], vector<16xi32>,
    %sub3A_70 = vector.broadcast %mul3A_17 : i32 to vector<16xi32>
    %sub3A_71 = arith.subi %gather3A_69, %sub3A_70 : vector<16xi32>
    %lt3A_72 = arith.constant 200 : i32
    %lt3A_73 = vector.broadcast %lt3A_72 : i32 to vector<16xi32>
    %lt3A_74 = arith.cmpi ult, %sub3A_71, %lt3A_73 : vector<16xi32>
    %jit3A_75 = arith.constant 0 : i32
    %broadcast_in_dim3A_76 = vector.broadcast %jit3A_75 : i32 to vector<16xi32>
    %select_n3A_77 = arith.select %lt3A_74, %sub3A_71, %broadcast_in_dim3A_76 : vector<16xi1>, vector<16xi32>
    tpu.vector_store_idx %arg5[%select_n3A_77, %add3A_68], %broadcast_in_dim3A_1 masked %lt3A_74 : memref<200x128xf32, #tpu.memory_space<vmem>>[vector<16xi32>, vector<16xi32>], vector<16xf32>, vector<16xi1>
    %add3A_78 = arith.constant 80 : i32
    %add3A_79 = vector.broadcast %add3A_78 : i32 to vector<16xi32>
    %add3A_80 = arith.addi %iota3A, %add3A_79 : vector<16xi32>
    %gather3A_81 = tpu.vector_load_idx %arg4[%add3A_80, %add3A_21] : memref<128x20xi32, #tpu.memory_space<vmem>>[vector<16xi32>, vector<16xi32>], vector<16xi32>,
    %sub3A_82 = vector.broadcast %mul3A_17 : i32 to vector<16xi32>
    %sub3A_83 = arith.subi %gather3A_81, %sub3A_82 : vector<16xi32>
    %lt3A_84 = arith.constant 200 : i32
    %lt3A_85 = vector.broadcast %lt3A_84 : i32 to vector<16xi32>
    %lt3A_86 = arith.cmpi ult, %sub3A_83, %lt3A_85 : vector<16xi32>
    %jit3A_87 = arith.constant 0 : i32
    %broadcast_in_dim3A_88 = vector.broadcast %jit3A_87 : i32 to vector<16xi32>
    %select_n3A_89 = arith.select %lt3A_86, %sub3A_83, %broadcast_in_dim3A_88 : vector<16xi1>, vector<16xi32>
    tpu.vector_store_idx %arg5[%select_n3A_89, %add3A_80], %broadcast_in_dim3A_1 masked %lt3A_86 : memref<200x128xf32, #tpu.memory_space<vmem>>[vector<16xi32>, vector<16xi32>], vector<16xf32>, vector<16xi1>
    %add3A_90 = arith.constant 96 : i32
    %add3A_91 = vector.broadcast %add3A_90 : i32 to vector<16xi32>
    %add3A_92 = arith.addi %iota3A, %add3A_91 : vector<16xi32>
    %gather3A_93 = tpu.vector_load_idx %arg4[%add3A_92, %add3A_21] : memref<128x20xi32, #tpu.memory_space<vmem>>[vector<16xi32>, vector<16xi32>], vector<16xi32>,
    %sub3A_94 = vector.broadcast %mul3A_17 : i32 to vector<16xi32>
    %sub3A_95 = arith.subi %gather3A_93, %sub3A_94 : vector<16xi32>
    %lt3A_96 = arith.constant 200 : i32
    %lt3A_97 = vector.broadcast %lt3A_96 : i32 to vector<16xi32>
    %lt3A_98 = arith.cmpi ult, %sub3A_95, %lt3A_97 : vector<16xi32>
    %jit3A_99 = arith.constant 0 : i32
    %broadcast_in_dim3A_100 = vector.broadcast %jit3A_99 : i32 to vector<16xi32>
    %select_n3A_101 = arith.select %lt3A_98, %sub3A_95, %broadcast_in_dim3A_100 : vector<16xi1>, vector<16xi32>
    tpu.vector_store_idx %arg5[%select_n3A_101, %add3A_92], %broadcast_in_dim3A_1 masked %lt3A_98 : memref<200x128xf32, #tpu.memory_space<vmem>>[vector<16xi32>, vector<16xi32>], vector<16xf32>, vector<16xi1>
    %add3A_102 = arith.constant 112 : i32
    %add3A_103 = vector.broadcast %add3A_102 : i32 to vector<16xi32>
    %add3A_104 = arith.addi %iota3A, %add3A_103 : vector<16xi32>
    %gather3A_105 = tpu.vector_load_idx %arg4[%add3A_104, %add3A_21] : memref<128x20xi32, #tpu.memory_space<vmem>>[vector<16xi32>, vector<16xi32>], vector<16xi32>,
    %sub3A_106 = vector.broadcast %mul3A_17 : i32 to vector<16xi32>
    %sub3A_107 = arith.subi %gather3A_105, %sub3A_106 : vector<16xi32>
    %lt3A_108 = arith.constant 200 : i32
    %lt3A_109 = vector.broadcast %lt3A_108 : i32 to vector<16xi32>
    %lt3A_110 = arith.cmpi ult, %sub3A_107, %lt3A_109 : vector<16xi32>
    %jit3A_111 = arith.constant 0 : i32
    %broadcast_in_dim3A_112 = vector.broadcast %jit3A_111 : i32 to vector<16xi32>
    %select_n3A_113 = arith.select %lt3A_110, %sub3A_107, %broadcast_in_dim3A_112 : vector<16xi1>, vector<16xi32>
    tpu.vector_store_idx %arg5[%select_n3A_113, %add3A_104], %broadcast_in_dim3A_1 masked %lt3A_110 : memref<200x128xf32, #tpu.memory_space<vmem>>[vector<16xi32>, vector<16xi32>], vector<16xf32>, vector<16xi1>
    %shift_right_logical3A_114 = arith.constant 0 : i32
    %shift_right_logical3A_115 = arith.constant 18 : i32
    %shift_right_logical3A_116 = arith.shrui %shift_right_logical3A_114, %shift_right_logical3A_115 : i32
    %mul3A_117 = arith.constant 5 : i32
    %mul3A_118 = arith.muli %shift_right_logical3A_116, %mul3A_117 : i32
    %sub3A_119 = arith.constant 0 : i32
    %sub3A_120 = arith.subi %sub3A_119, %mul3A_118 : i32
    %mul3A_121 = arith.constant 200 : i32
    %mul3A_122 = arith.muli %sub3A_120, %mul3A_121 : i32
    %mul3A_123 = arith.constant 128 : i32
    %mul3A_124 = arith.muli %add3A, %mul3A_123 : i32
    %dma_start3A = tpu.memref_slice %arg3[%shift_right_logical3A_116, %mul3A_122, %mul3A_124] : memref<20x1000x4096xf32, #tpu.memory_space<hbm>> -> memref<1x200x128xf32, #tpu.memory_space<hbm>>
    %dma_start3A_125 = tpu.memref_squeeze %dma_start3A : memref<1x200x128xf32, #tpu.memory_space<hbm>> -> memref<200x128xf32, #tpu.memory_space<hbm>>
    %dma_start3A_126 = tpu.memref_slice %arg3[%shift_right_logical3A_116, %mul3A_122, %mul3A_124] : memref<20x1000x4096xf32, #tpu.memory_space<hbm>> -> memref<1x200x128xf32, #tpu.memory_space<hbm>>
    %dma_start3A_127 = tpu.memref_squeeze %dma_start3A_126 : memref<1x200x128xf32, #tpu.memory_space<hbm>> -> memref<200x128xf32, #tpu.memory_space<hbm>>
    tpu.enqueue_dma source(%arg5 : memref<200x128xf32, #tpu.memory_space<vmem>>) target(%dma_start3A_127 : memref<200x128xf32, #tpu.memory_space<hbm>>) target_semaphore(%arg9 : memref<!tpu.dma_semaphore, #tpu.memory_space<semaphore_mem>>)
    %scan3A_128 = arith.constant 0 : i32
    %scan3A_129 = arith.constant 0 : i32
    %scan3A_130 = arith.constant 200 : i32
    %scan3A_131 = arith.addi %scan3A_129, %scan3A_130 : i32
    %scan3A_132 = arith.constant 1 : i32
    scf.for %scan3A_559 = %scan3A_129 to %scan3A_131 step %scan3A_132  : i32 {
      %swap3A = arith.index_cast %scan3A_559 : i32 to index
      %swap3A_560 = arith.constant 0 : index
      %swap3A_561 = tpu.vector_load %arg6[%swap3A, %swap3A_560] {strides = array<i32>} : memref<200x128xf32, #tpu.memory_space<vmem>>, vector<16xf32>,
      tpu.vector_store %arg6[%swap3A, %swap3A_560], %broadcast_in_dim3A_3 {strides = array<i32>} : memref<200x128xf32, #tpu.memory_space<vmem>>, vector<16xf32>,
      %swap3A_562 = arith.index_cast %scan3A_559 : i32 to index
      %swap3A_563 = arith.constant 16 : index
      %swap3A_564 = tpu.vector_load %arg6[%swap3A_562, %swap3A_563] {strides = array<i32>} : memref<200x128xf32, #tpu.memory_space<vmem>>, vector<16xf32>,
      tpu.vector_store %arg6[%swap3A_562, %swap3A_563], %broadcast_in_dim3A_3 {strides = array<i32>} : memref<200x128xf32, #tpu.memory_space<vmem>>, vector<16xf32>,
      %swap3A_565 = arith.index_cast %scan3A_559 : i32 to index
      %swap3A_566 = arith.constant 32 : index
      %swap3A_567 = tpu.vector_load %arg6[%swap3A_565, %swap3A_566] {strides = array<i32>} : memref<200x128xf32, #tpu.memory_space<vmem>>, vector<16xf32>,
      tpu.vector_store %arg6[%swap3A_565, %swap3A_566], %broadcast_in_dim3A_3 {strides = array<i32>} : memref<200x128xf32, #tpu.memory_space<vmem>>, vector<16xf32>,
      %swap3A_568 = arith.index_cast %scan3A_559 : i32 to index
      %swap3A_569 = arith.constant 48 : index
      %swap3A_570 = tpu.vector_load %arg6[%swap3A_568, %swap3A_569] {strides = array<i32>} : memref<200x128xf32, #tpu.memory_space<vmem>>, vector<16xf32>,
      tpu.vector_store %arg6[%swap3A_568, %swap3A_569], %broadcast_in_dim3A_3 {strides = array<i32>} : memref<200x128xf32, #tpu.memory_space<vmem>>, vector<16xf32>,
      %swap3A_571 = arith.index_cast %scan3A_559 : i32 to index
      %swap3A_572 = arith.constant 64 : index
      %swap3A_573 = tpu.vector_load %arg6[%swap3A_571, %swap3A_572] {strides = array<i32>} : memref<200x128xf32, #tpu.memory_space<vmem>>, vector<16xf32>,
      tpu.vector_store %arg6[%swap3A_571, %swap3A_572], %broadcast_in_dim3A_3 {strides = array<i32>} : memref<200x128xf32, #tpu.memory_space<vmem>>, vector<16xf32>,
      %swap3A_574 = arith.index_cast %scan3A_559 : i32 to index
      %swap3A_575 = arith.constant 80 : index
      %swap3A_576 = tpu.vector_load %arg6[%swap3A_574, %swap3A_575] {strides = array<i32>} : memref<200x128xf32, #tpu.memory_space<vmem>>, vector<16xf32>,
      tpu.vector_store %arg6[%swap3A_574, %swap3A_575], %broadcast_in_dim3A_3 {strides = array<i32>} : memref<200x128xf32, #tpu.memory_space<vmem>>, vector<16xf32>,
      %swap3A_577 = arith.index_cast %scan3A_559 : i32 to index
      %swap3A_578 = arith.constant 96 : index
      %swap3A_579 = tpu.vector_load %arg6[%swap3A_577, %swap3A_578] {strides = array<i32>} : memref<200x128xf32, #tpu.memory_space<vmem>>, vector<16xf32>,
      tpu.vector_store %arg6[%swap3A_577, %swap3A_578], %broadcast_in_dim3A_3 {strides = array<i32>} : memref<200x128xf32, #tpu.memory_space<vmem>>, vector<16xf32>,
      %swap3A_580 = arith.index_cast %scan3A_559 : i32 to index
      %swap3A_581 = arith.constant 112 : index
      %swap3A_582 = tpu.vector_load %arg6[%swap3A_580, %swap3A_581] {strides = array<i32>} : memref<200x128xf32, #tpu.memory_space<vmem>>, vector<16xf32>,
      tpu.vector_store %arg6[%swap3A_580, %swap3A_581], %broadcast_in_dim3A_3 {strides = array<i32>} : memref<200x128xf32, #tpu.memory_space<vmem>>, vector<16xf32>,
    }
    %scan3A_133 = arith.constant 200 : i32
    %shift_right_logical3A_134 = arith.constant 52429 : i32
    %shift_right_logical3A_135 = arith.constant 18 : i32
    %shift_right_logical3A_136 = arith.shrui %shift_right_logical3A_134, %shift_right_logical3A_135 : i32
    %mul3A_137 = arith.constant 5 : i32
    %mul3A_138 = arith.muli %shift_right_logical3A_136, %mul3A_137 : i32
    %sub3A_139 = arith.constant 1 : i32
    %sub3A_140 = arith.subi %sub3A_139, %mul3A_138 : i32
    %mul3A_141 = arith.constant 200 : i32
    %mul3A_142 = arith.muli %sub3A_140, %mul3A_141 : i32
    %broadcast_in_dim3A_143 = arith.constant 0 : i32
    %broadcast_in_dim3A_144 = vector.broadcast %broadcast_in_dim3A_143 : i32 to vector<16xi32>
    %add3A_145 = vector.broadcast %shift_right_logical3A_136 : i32 to vector<16xi32>
    %add3A_146 = arith.addi %broadcast_in_dim3A_144, %add3A_145 : vector<16xi32>
    %add3A_147 = arith.constant 0 : i32
    %add3A_148 = vector.broadcast %add3A_147 : i32 to vector<16xi32>
    %add3A_149 = arith.addi %iota3A, %add3A_148 : vector<16xi32>
    %gather3A_150 = tpu.vector_load_idx %arg4[%add3A_149, %add3A_146] : memref<128x20xi32, #tpu.memory_space<vmem>>[vector<16xi32>, vector<16xi32>], vector<16xi32>,
    %sub3A_151 = vector.broadcast %mul3A_142 : i32 to vector<16xi32>
    %sub3A_152 = arith.subi %gather3A_150, %sub3A_151 : vector<16xi32>
    %lt3A_153 = arith.constant 200 : i32
    %lt3A_154 = vector.broadcast %lt3A_153 : i32 to vector<16xi32>
    %lt3A_155 = arith.cmpi ult, %sub3A_152, %lt3A_154 : vector<16xi32>
    %jit3A_156 = arith.constant 0 : i32
    %broadcast_in_dim3A_157 = vector.broadcast %jit3A_156 : i32 to vector<16xi32>
    %select_n3A_158 = arith.select %lt3A_155, %sub3A_152, %broadcast_in_dim3A_157 : vector<16xi1>, vector<16xi32>
    tpu.vector_store_idx %arg6[%select_n3A_158, %add3A_149], %broadcast_in_dim3A_1 masked %lt3A_155 : memref<200x128xf32, #tpu.memory_space<vmem>>[vector<16xi32>, vector<16xi32>], vector<16xf32>, vector<16xi1>
    %add3A_159 = arith.constant 16 : i32
    %add3A_160 = vector.broadcast %add3A_159 : i32 to vector<16xi32>
    %add3A_161 = arith.addi %iota3A, %add3A_160 : vector<16xi32>
    %gather3A_162 = tpu.vector_load_idx %arg4[%add3A_161, %add3A_146] : memref<128x20xi32, #tpu.memory_space<vmem>>[vector<16xi32>, vector<16xi32>], vector<16xi32>,
    %sub3A_163 = vector.broadcast %mul3A_142 : i32 to vector<16xi32>
    %sub3A_164 = arith.subi %gather3A_162, %sub3A_163 : vector<16xi32>
    %lt3A_165 = arith.constant 200 : i32
    %lt3A_166 = vector.broadcast %lt3A_165 : i32 to vector<16xi32>
    %lt3A_167 = arith.cmpi ult, %sub3A_164, %lt3A_166 : vector<16xi32>
    %jit3A_168 = arith.constant 0 : i32
    %broadcast_in_dim3A_169 = vector.broadcast %jit3A_168 : i32 to vector<16xi32>
    %select_n3A_170 = arith.select %lt3A_167, %sub3A_164, %broadcast_in_dim3A_169 : vector<16xi1>, vector<16xi32>
    tpu.vector_store_idx %arg6[%select_n3A_170, %add3A_161], %broadcast_in_dim3A_1 masked %lt3A_167 : memref<200x128xf32, #tpu.memory_space<vmem>>[vector<16xi32>, vector<16xi32>], vector<16xf32>, vector<16xi1>
    %add3A_171 = arith.constant 32 : i32
    %add3A_172 = vector.broadcast %add3A_171 : i32 to vector<16xi32>
    %add3A_173 = arith.addi %iota3A, %add3A_172 : vector<16xi32>
    %gather3A_174 = tpu.vector_load_idx %arg4[%add3A_173, %add3A_146] : memref<128x20xi32, #tpu.memory_space<vmem>>[vector<16xi32>, vector<16xi32>], vector<16xi32>,
    %sub3A_175 = vector.broadcast %mul3A_142 : i32 to vector<16xi32>
    %sub3A_176 = arith.subi %gather3A_174, %sub3A_175 : vector<16xi32>
    %lt3A_177 = arith.constant 200 : i32
    %lt3A_178 = vector.broadcast %lt3A_177 : i32 to vector<16xi32>
    %lt3A_179 = arith.cmpi ult, %sub3A_176, %lt3A_178 : vector<16xi32>
    %jit3A_180 = arith.constant 0 : i32
    %broadcast_in_dim3A_181 = vector.broadcast %jit3A_180 : i32 to vector<16xi32>
    %select_n3A_182 = arith.select %lt3A_179, %sub3A_176, %broadcast_in_dim3A_181 : vector<16xi1>, vector<16xi32>
    tpu.vector_store_idx %arg6[%select_n3A_182, %add3A_173], %broadcast_in_dim3A_1 masked %lt3A_179 : memref<200x128xf32, #tpu.memory_space<vmem>>[vector<16xi32>, vector<16xi32>], vector<16xf32>, vector<16xi1>
    %add3A_183 = arith.constant 48 : i32
    %add3A_184 = vector.broadcast %add3A_183 : i32 to vector<16xi32>
    %add3A_185 = arith.addi %iota3A, %add3A_184 : vector<16xi32>
    %gather3A_186 = tpu.vector_load_idx %arg4[%add3A_185, %add3A_146] : memref<128x20xi32, #tpu.memory_space<vmem>>[vector<16xi32>, vector<16xi32>], vector<16xi32>,
    %sub3A_187 = vector.broadcast %mul3A_142 : i32 to vector<16xi32>
    %sub3A_188 = arith.subi %gather3A_186, %sub3A_187 : vector<16xi32>
    %lt3A_189 = arith.constant 200 : i32
    %lt3A_190 = vector.broadcast %lt3A_189 : i32 to vector<16xi32>
    %lt3A_191 = arith.cmpi ult, %sub3A_188, %lt3A_190 : vector<16xi32>
    %jit3A_192 = arith.constant 0 : i32
    %broadcast_in_dim3A_193 = vector.broadcast %jit3A_192 : i32 to vector<16xi32>
    %select_n3A_194 = arith.select %lt3A_191, %sub3A_188, %broadcast_in_dim3A_193 : vector<16xi1>, vector<16xi32>
    tpu.vector_store_idx %arg6[%select_n3A_194, %add3A_185], %broadcast_in_dim3A_1 masked %lt3A_191 : memref<200x128xf32, #tpu.memory_space<vmem>>[vector<16xi32>, vector<16xi32>], vector<16xf32>, vector<16xi1>
    %add3A_195 = arith.constant 64 : i32
    %add3A_196 = vector.broadcast %add3A_195 : i32 to vector<16xi32>
    %add3A_197 = arith.addi %iota3A, %add3A_196 : vector<16xi32>
    %gather3A_198 = tpu.vector_load_idx %arg4[%add3A_197, %add3A_146] : memref<128x20xi32, #tpu.memory_space<vmem>>[vector<16xi32>, vector<16xi32>], vector<16xi32>,
    %sub3A_199 = vector.broadcast %mul3A_142 : i32 to vector<16xi32>
    %sub3A_200 = arith.subi %gather3A_198, %sub3A_199 : vector<16xi32>
    %lt3A_201 = arith.constant 200 : i32
    %lt3A_202 = vector.broadcast %lt3A_201 : i32 to vector<16xi32>
    %lt3A_203 = arith.cmpi ult, %sub3A_200, %lt3A_202 : vector<16xi32>
    %jit3A_204 = arith.constant 0 : i32
    %broadcast_in_dim3A_205 = vector.broadcast %jit3A_204 : i32 to vector<16xi32>
    %select_n3A_206 = arith.select %lt3A_203, %sub3A_200, %broadcast_in_dim3A_205 : vector<16xi1>, vector<16xi32>
    tpu.vector_store_idx %arg6[%select_n3A_206, %add3A_197], %broadcast_in_dim3A_1 masked %lt3A_203 : memref<200x128xf32, #tpu.memory_space<vmem>>[vector<16xi32>, vector<16xi32>], vector<16xf32>, vector<16xi1>
    %add3A_207 = arith.constant 80 : i32
    %add3A_208 = vector.broadcast %add3A_207 : i32 to vector<16xi32>
    %add3A_209 = arith.addi %iota3A, %add3A_208 : vector<16xi32>
    %gather3A_210 = tpu.vector_load_idx %arg4[%add3A_209, %add3A_146] : memref<128x20xi32, #tpu.memory_space<vmem>>[vector<16xi32>, vector<16xi32>], vector<16xi32>,
    %sub3A_211 = vector.broadcast %mul3A_142 : i32 to vector<16xi32>
    %sub3A_212 = arith.subi %gather3A_210, %sub3A_211 : vector<16xi32>
    %lt3A_213 = arith.constant 200 : i32
    %lt3A_214 = vector.broadcast %lt3A_213 : i32 to vector<16xi32>
    %lt3A_215 = arith.cmpi ult, %sub3A_212, %lt3A_214 : vector<16xi32>
    %jit3A_216 = arith.constant 0 : i32
    %broadcast_in_dim3A_217 = vector.broadcast %jit3A_216 : i32 to vector<16xi32>
    %select_n3A_218 = arith.select %lt3A_215, %sub3A_212, %broadcast_in_dim3A_217 : vector<16xi1>, vector<16xi32>
    tpu.vector_store_idx %arg6[%select_n3A_218, %add3A_209], %broadcast_in_dim3A_1 masked %lt3A_215 : memref<200x128xf32, #tpu.memory_space<vmem>>[vector<16xi32>, vector<16xi32>], vector<16xf32>, vector<16xi1>
    %add3A_219 = arith.constant 96 : i32
    %add3A_220 = vector.broadcast %add3A_219 : i32 to vector<16xi32>
    %add3A_221 = arith.addi %iota3A, %add3A_220 : vector<16xi32>
    %gather3A_222 = tpu.vector_load_idx %arg4[%add3A_221, %add3A_146] : memref<128x20xi32, #tpu.memory_space<vmem>>[vector<16xi32>, vector<16xi32>], vector<16xi32>,
    %sub3A_223 = vector.broadcast %mul3A_142 : i32 to vector<16xi32>
    %sub3A_224 = arith.subi %gather3A_222, %sub3A_223 : vector<16xi32>
    %lt3A_225 = arith.constant 200 : i32
    %lt3A_226 = vector.broadcast %lt3A_225 : i32 to vector<16xi32>
    %lt3A_227 = arith.cmpi ult, %sub3A_224, %lt3A_226 : vector<16xi32>
    %jit3A_228 = arith.constant 0 : i32
    %broadcast_in_dim3A_229 = vector.broadcast %jit3A_228 : i32 to vector<16xi32>
    %select_n3A_230 = arith.select %lt3A_227, %sub3A_224, %broadcast_in_dim3A_229 : vector<16xi1>, vector<16xi32>
    tpu.vector_store_idx %arg6[%select_n3A_230, %add3A_221], %broadcast_in_dim3A_1 masked %lt3A_227 : memref<200x128xf32, #tpu.memory_space<vmem>>[vector<16xi32>, vector<16xi32>], vector<16xf32>, vector<16xi1>
    %add3A_231 = arith.constant 112 : i32
    %add3A_232 = vector.broadcast %add3A_231 : i32 to vector<16xi32>
    %add3A_233 = arith.addi %iota3A, %add3A_232 : vector<16xi32>
    %gather3A_234 = tpu.vector_load_idx %arg4[%add3A_233, %add3A_146] : memref<128x20xi32, #tpu.memory_space<vmem>>[vector<16xi32>, vector<16xi32>], vector<16xi32>,
    %sub3A_235 = vector.broadcast %mul3A_142 : i32 to vector<16xi32>
    %sub3A_236 = arith.subi %gather3A_234, %sub3A_235 : vector<16xi32>
    %lt3A_237 = arith.constant 200 : i32
    %lt3A_238 = vector.broadcast %lt3A_237 : i32 to vector<16xi32>
    %lt3A_239 = arith.cmpi ult, %sub3A_236, %lt3A_238 : vector<16xi32>
    %jit3A_240 = arith.constant 0 : i32
    %broadcast_in_dim3A_241 = vector.broadcast %jit3A_240 : i32 to vector<16xi32>
    %select_n3A_242 = arith.select %lt3A_239, %sub3A_236, %broadcast_in_dim3A_241 : vector<16xi1>, vector<16xi32>
    tpu.vector_store_idx %arg6[%select_n3A_242, %add3A_233], %broadcast_in_dim3A_1 masked %lt3A_239 : memref<200x128xf32, #tpu.memory_space<vmem>>[vector<16xi32>, vector<16xi32>], vector<16xf32>, vector<16xi1>
    %shift_right_logical3A_243 = arith.constant 52429 : i32
    %shift_right_logical3A_244 = arith.constant 18 : i32
    %shift_right_logical3A_245 = arith.shrui %shift_right_logical3A_243, %shift_right_logical3A_244 : i32
    %mul3A_246 = arith.constant 5 : i32
    %mul3A_247 = arith.muli %shift_right_logical3A_245, %mul3A_246 : i32
    %sub3A_248 = arith.constant 1 : i32
    %sub3A_249 = arith.subi %sub3A_248, %mul3A_247 : i32
    %mul3A_250 = arith.constant 200 : i32
    %mul3A_251 = arith.muli %sub3A_249, %mul3A_250 : i32
    %mul3A_252 = arith.constant 128 : i32
    %mul3A_253 = arith.muli %add3A, %mul3A_252 : i32
    %dma_start3A_254 = tpu.memref_slice %arg3[%shift_right_logical3A_245, %mul3A_251, %mul3A_253] : memref<20x1000x4096xf32, #tpu.memory_space<hbm>> -> memref<1x200x128xf32, #tpu.memory_space<hbm>>
    %dma_start3A_255 = tpu.memref_squeeze %dma_start3A_254 : memref<1x200x128xf32, #tpu.memory_space<hbm>> -> memref<200x128xf32, #tpu.memory_space<hbm>>
    %dma_start3A_256 = tpu.memref_slice %arg3[%shift_right_logical3A_245, %mul3A_251, %mul3A_253] : memref<20x1000x4096xf32, #tpu.memory_space<hbm>> -> memref<1x200x128xf32, #tpu.memory_space<hbm>>
    %dma_start3A_257 = tpu.memref_squeeze %dma_start3A_256 : memref<1x200x128xf32, #tpu.memory_space<hbm>> -> memref<200x128xf32, #tpu.memory_space<hbm>>
    tpu.enqueue_dma source(%arg6 : memref<200x128xf32, #tpu.memory_space<vmem>>) target(%dma_start3A_257 : memref<200x128xf32, #tpu.memory_space<hbm>>) target_semaphore(%arg10 : memref<!tpu.dma_semaphore, #tpu.memory_space<semaphore_mem>>)
    %scan3A_258 = arith.constant 0 : i32
    %scan3A_259 = arith.constant 0 : i32
    %scan3A_260 = arith.constant 200 : i32
    %scan3A_261 = arith.addi %scan3A_259, %scan3A_260 : i32
    %scan3A_262 = arith.constant 1 : i32
    scf.for %scan3A_559 = %scan3A_259 to %scan3A_261 step %scan3A_262  : i32 {
      %swap3A = arith.index_cast %scan3A_559 : i32 to index
      %swap3A_560 = arith.constant 0 : index
      %swap3A_561 = tpu.vector_load %arg7[%swap3A, %swap3A_560] {strides = array<i32>} : memref<200x128xf32, #tpu.memory_space<vmem>>, vector<16xf32>,
      tpu.vector_store %arg7[%swap3A, %swap3A_560], %broadcast_in_dim3A_3 {strides = array<i32>} : memref<200x128xf32, #tpu.memory_space<vmem>>, vector<16xf32>,
      %swap3A_562 = arith.index_cast %scan3A_559 : i32 to index
      %swap3A_563 = arith.constant 16 : index
      %swap3A_564 = tpu.vector_load %arg7[%swap3A_562, %swap3A_563] {strides = array<i32>} : memref<200x128xf32, #tpu.memory_space<vmem>>, vector<16xf32>,
      tpu.vector_store %arg7[%swap3A_562, %swap3A_563], %broadcast_in_dim3A_3 {strides = array<i32>} : memref<200x128xf32, #tpu.memory_space<vmem>>, vector<16xf32>,
      %swap3A_565 = arith.index_cast %scan3A_559 : i32 to index
      %swap3A_566 = arith.constant 32 : index
      %swap3A_567 = tpu.vector_load %arg7[%swap3A_565, %swap3A_566] {strides = array<i32>} : memref<200x128xf32, #tpu.memory_space<vmem>>, vector<16xf32>,
      tpu.vector_store %arg7[%swap3A_565, %swap3A_566], %broadcast_in_dim3A_3 {strides = array<i32>} : memref<200x128xf32, #tpu.memory_space<vmem>>, vector<16xf32>,
      %swap3A_568 = arith.index_cast %scan3A_559 : i32 to index
      %swap3A_569 = arith.constant 48 : index
      %swap3A_570 = tpu.vector_load %arg7[%swap3A_568, %swap3A_569] {strides = array<i32>} : memref<200x128xf32, #tpu.memory_space<vmem>>, vector<16xf32>,
      tpu.vector_store %arg7[%swap3A_568, %swap3A_569], %broadcast_in_dim3A_3 {strides = array<i32>} : memref<200x128xf32, #tpu.memory_space<vmem>>, vector<16xf32>,
      %swap3A_571 = arith.index_cast %scan3A_559 : i32 to index
      %swap3A_572 = arith.constant 64 : index
      %swap3A_573 = tpu.vector_load %arg7[%swap3A_571, %swap3A_572] {strides = array<i32>} : memref<200x128xf32, #tpu.memory_space<vmem>>, vector<16xf32>,
      tpu.vector_store %arg7[%swap3A_571, %swap3A_572], %broadcast_in_dim3A_3 {strides = array<i32>} : memref<200x128xf32, #tpu.memory_space<vmem>>, vector<16xf32>,
      %swap3A_574 = arith.index_cast %scan3A_559 : i32 to index
      %swap3A_575 = arith.constant 80 : index
      %swap3A_576 = tpu.vector_load %arg7[%swap3A_574, %swap3A_575] {strides = array<i32>} : memref<200x128xf32, #tpu.memory_space<vmem>>, vector<16xf32>,
      tpu.vector_store %arg7[%swap3A_574, %swap3A_575], %broadcast_in_dim3A_3 {strides = array<i32>} : memref<200x128xf32, #tpu.memory_space<vmem>>, vector<16xf32>,
      %swap3A_577 = arith.index_cast %scan3A_559 : i32 to index
      %swap3A_578 = arith.constant 96 : index
      %swap3A_579 = tpu.vector_load %arg7[%swap3A_577, %swap3A_578] {strides = array<i32>} : memref<200x128xf32, #tpu.memory_space<vmem>>, vector<16xf32>,
      tpu.vector_store %arg7[%swap3A_577, %swap3A_578], %broadcast_in_dim3A_3 {strides = array<i32>} : memref<200x128xf32, #tpu.memory_space<vmem>>, vector<16xf32>,
      %swap3A_580 = arith.index_cast %scan3A_559 : i32 to index
      %swap3A_581 = arith.constant 112 : index
      %swap3A_582 = tpu.vector_load %arg7[%swap3A_580, %swap3A_581] {strides = array<i32>} : memref<200x128xf32, #tpu.memory_space<vmem>>, vector<16xf32>,
      tpu.vector_store %arg7[%swap3A_580, %swap3A_581], %broadcast_in_dim3A_3 {strides = array<i32>} : memref<200x128xf32, #tpu.memory_space<vmem>>, vector<16xf32>,
    }
    %scan3A_263 = arith.constant 200 : i32
    %shift_right_logical3A_264 = arith.constant 104858 : i32
    %shift_right_logical3A_265 = arith.constant 18 : i32
    %shift_right_logical3A_266 = arith.shrui %shift_right_logical3A_264, %shift_right_logical3A_265 : i32
    %mul3A_267 = arith.constant 5 : i32
    %mul3A_268 = arith.muli %shift_right_logical3A_266, %mul3A_267 : i32
    %sub3A_269 = arith.constant 2 : i32
    %sub3A_270 = arith.subi %sub3A_269, %mul3A_268 : i32
    %mul3A_271 = arith.constant 200 : i32
    %mul3A_272 = arith.muli %sub3A_270, %mul3A_271 : i32
    %broadcast_in_dim3A_273 = arith.constant 0 : i32
    %broadcast_in_dim3A_274 = vector.broadcast %broadcast_in_dim3A_273 : i32 to vector<16xi32>
    %add3A_275 = vector.broadcast %shift_right_logical3A_266 : i32 to vector<16xi32>
    %add3A_276 = arith.addi %broadcast_in_dim3A_274, %add3A_275 : vector<16xi32>
    %add3A_277 = arith.constant 0 : i32
    %add3A_278 = vector.broadcast %add3A_277 : i32 to vector<16xi32>
    %add3A_279 = arith.addi %iota3A, %add3A_278 : vector<16xi32>
    %gather3A_280 = tpu.vector_load_idx %arg4[%add3A_279, %add3A_276] : memref<128x20xi32, #tpu.memory_space<vmem>>[vector<16xi32>, vector<16xi32>], vector<16xi32>,
    %sub3A_281 = vector.broadcast %mul3A_272 : i32 to vector<16xi32>
    %sub3A_282 = arith.subi %gather3A_280, %sub3A_281 : vector<16xi32>
    %lt3A_283 = arith.constant 200 : i32
    %lt3A_284 = vector.broadcast %lt3A_283 : i32 to vector<16xi32>
    %lt3A_285 = arith.cmpi ult, %sub3A_282, %lt3A_284 : vector<16xi32>
    %jit3A_286 = arith.constant 0 : i32
    %broadcast_in_dim3A_287 = vector.broadcast %jit3A_286 : i32 to vector<16xi32>
    %select_n3A_288 = arith.select %lt3A_285, %sub3A_282, %broadcast_in_dim3A_287 : vector<16xi1>, vector<16xi32>
    tpu.vector_store_idx %arg7[%select_n3A_288, %add3A_279], %broadcast_in_dim3A_1 masked %lt3A_285 : memref<200x128xf32, #tpu.memory_space<vmem>>[vector<16xi32>, vector<16xi32>], vector<16xf32>, vector<16xi1>
    %add3A_289 = arith.constant 16 : i32
    %add3A_290 = vector.broadcast %add3A_289 : i32 to vector<16xi32>
    %add3A_291 = arith.addi %iota3A, %add3A_290 : vector<16xi32>
    %gather3A_292 = tpu.vector_load_idx %arg4[%add3A_291, %add3A_276] : memref<128x20xi32, #tpu.memory_space<vmem>>[vector<16xi32>, vector<16xi32>], vector<16xi32>,
    %sub3A_293 = vector.broadcast %mul3A_272 : i32 to vector<16xi32>
    %sub3A_294 = arith.subi %gather3A_292, %sub3A_293 : vector<16xi32>
    %lt3A_295 = arith.constant 200 : i32
    %lt3A_296 = vector.broadcast %lt3A_295 : i32 to vector<16xi32>
    %lt3A_297 = arith.cmpi ult, %sub3A_294, %lt3A_296 : vector<16xi32>
    %jit3A_298 = arith.constant 0 : i32
    %broadcast_in_dim3A_299 = vector.broadcast %jit3A_298 : i32 to vector<16xi32>
    %select_n3A_300 = arith.select %lt3A_297, %sub3A_294, %broadcast_in_dim3A_299 : vector<16xi1>, vector<16xi32>
    tpu.vector_store_idx %arg7[%select_n3A_300, %add3A_291], %broadcast_in_dim3A_1 masked %lt3A_297 : memref<200x128xf32, #tpu.memory_space<vmem>>[vector<16xi32>, vector<16xi32>], vector<16xf32>, vector<16xi1>
    %add3A_301 = arith.constant 32 : i32
    %add3A_302 = vector.broadcast %add3A_301 : i32 to vector<16xi32>
    %add3A_303 = arith.addi %iota3A, %add3A_302 : vector<16xi32>
    %gather3A_304 = tpu.vector_load_idx %arg4[%add3A_303, %add3A_276] : memref<128x20xi32, #tpu.memory_space<vmem>>[vector<16xi32>, vector<16xi32>], vector<16xi32>,
    %sub3A_305 = vector.broadcast %mul3A_272 : i32 to vector<16xi32>
    %sub3A_306 = arith.subi %gather3A_304, %sub3A_305 : vector<16xi32>
    %lt3A_307 = arith.constant 200 : i32
    %lt3A_308 = vector.broadcast %lt3A_307 : i32 to vector<16xi32>
    %lt3A_309 = arith.cmpi ult, %sub3A_306, %lt3A_308 : vector<16xi32>
    %jit3A_310 = arith.constant 0 : i32
    %broadcast_in_dim3A_311 = vector.broadcast %jit3A_310 : i32 to vector<16xi32>
    %select_n3A_312 = arith.select %lt3A_309, %sub3A_306, %broadcast_in_dim3A_311 : vector<16xi1>, vector<16xi32>
    tpu.vector_store_idx %arg7[%select_n3A_312, %add3A_303], %broadcast_in_dim3A_1 masked %lt3A_309 : memref<200x128xf32, #tpu.memory_space<vmem>>[vector<16xi32>, vector<16xi32>], vector<16xf32>, vector<16xi1>
    %add3A_313 = arith.constant 48 : i32
    %add3A_314 = vector.broadcast %add3A_313 : i32 to vector<16xi32>
    %add3A_315 = arith.addi %iota3A, %add3A_314 : vector<16xi32>
    %gather3A_316 = tpu.vector_load_idx %arg4[%add3A_315, %add3A_276] : memref<128x20xi32, #tpu.memory_space<vmem>>[vector<16xi32>, vector<16xi32>], vector<16xi32>,
    %sub3A_317 = vector.broadcast %mul3A_272 : i32 to vector<16xi32>
    %sub3A_318 = arith.subi %gather3A_316, %sub3A_317 : vector<16xi32>
    %lt3A_319 = arith.constant 200 : i32
    %lt3A_320 = vector.broadcast %lt3A_319 : i32 to vector<16xi32>
    %lt3A_321 = arith.cmpi ult, %sub3A_318, %lt3A_320 : vector<16xi32>
    %jit3A_322 = arith.constant 0 : i32
    %broadcast_in_dim3A_323 = vector.broadcast %jit3A_322 : i32 to vector<16xi32>
    %select_n3A_324 = arith.select %lt3A_321, %sub3A_318, %broadcast_in_dim3A_323 : vector<16xi1>, vector<16xi32>
    tpu.vector_store_idx %arg7[%select_n3A_324, %add3A_315], %broadcast_in_dim3A_1 masked %lt3A_321 : memref<200x128xf32, #tpu.memory_space<vmem>>[vector<16xi32>, vector<16xi32>], vector<16xf32>, vector<16xi1>
    %add3A_325 = arith.constant 64 : i32
    %add3A_326 = vector.broadcast %add3A_325 : i32 to vector<16xi32>
    %add3A_327 = arith.addi %iota3A, %add3A_326 : vector<16xi32>
    %gather3A_328 = tpu.vector_load_idx %arg4[%add3A_327, %add3A_276] : memref<128x20xi32, #tpu.memory_space<vmem>>[vector<16xi32>, vector<16xi32>], vector<16xi32>,
    %sub3A_329 = vector.broadcast %mul3A_272 : i32 to vector<16xi32>
    %sub3A_330 = arith.subi %gather3A_328, %sub3A_329 : vector<16xi32>
    %lt3A_331 = arith.constant 200 : i32
    %lt3A_332 = vector.broadcast %lt3A_331 : i32 to vector<16xi32>
    %lt3A_333 = arith.cmpi ult, %sub3A_330, %lt3A_332 : vector<16xi32>
    %jit3A_334 = arith.constant 0 : i32
    %broadcast_in_dim3A_335 = vector.broadcast %jit3A_334 : i32 to vector<16xi32>
    %select_n3A_336 = arith.select %lt3A_333, %sub3A_330, %broadcast_in_dim3A_335 : vector<16xi1>, vector<16xi32>
    tpu.vector_store_idx %arg7[%select_n3A_336, %add3A_327], %broadcast_in_dim3A_1 masked %lt3A_333 : memref<200x128xf32, #tpu.memory_space<vmem>>[vector<16xi32>, vector<16xi32>], vector<16xf32>, vector<16xi1>
    %add3A_337 = arith.constant 80 : i32
    %add3A_338 = vector.broadcast %add3A_337 : i32 to vector<16xi32>
    %add3A_339 = arith.addi %iota3A, %add3A_338 : vector<16xi32>
    %gather3A_340 = tpu.vector_load_idx %arg4[%add3A_339, %add3A_276] : memref<128x20xi32, #tpu.memory_space<vmem>>[vector<16xi32>, vector<16xi32>], vector<16xi32>,
    %sub3A_341 = vector.broadcast %mul3A_272 : i32 to vector<16xi32>
    %sub3A_342 = arith.subi %gather3A_340, %sub3A_341 : vector<16xi32>
    %lt3A_343 = arith.constant 200 : i32
    %lt3A_344 = vector.broadcast %lt3A_343 : i32 to vector<16xi32>
    %lt3A_345 = arith.cmpi ult, %sub3A_342, %lt3A_344 : vector<16xi32>
    %jit3A_346 = arith.constant 0 : i32
    %broadcast_in_dim3A_347 = vector.broadcast %jit3A_346 : i32 to vector<16xi32>
    %select_n3A_348 = arith.select %lt3A_345, %sub3A_342, %broadcast_in_dim3A_347 : vector<16xi1>, vector<16xi32>
    tpu.vector_store_idx %arg7[%select_n3A_348, %add3A_339], %broadcast_in_dim3A_1 masked %lt3A_345 : memref<200x128xf32, #tpu.memory_space<vmem>>[vector<16xi32>, vector<16xi32>], vector<16xf32>, vector<16xi1>
    %add3A_349 = arith.constant 96 : i32
    %add3A_350 = vector.broadcast %add3A_349 : i32 to vector<16xi32>
    %add3A_351 = arith.addi %iota3A, %add3A_350 : vector<16xi32>
    %gather3A_352 = tpu.vector_load_idx %arg4[%add3A_351, %add3A_276] : memref<128x20xi32, #tpu.memory_space<vmem>>[vector<16xi32>, vector<16xi32>], vector<16xi32>,
    %sub3A_353 = vector.broadcast %mul3A_272 : i32 to vector<16xi32>
    %sub3A_354 = arith.subi %gather3A_352, %sub3A_353 : vector<16xi32>
    %lt3A_355 = arith.constant 200 : i32
    %lt3A_356 = vector.broadcast %lt3A_355 : i32 to vector<16xi32>
    %lt3A_357 = arith.cmpi ult, %sub3A_354, %lt3A_356 : vector<16xi32>
    %jit3A_358 = arith.constant 0 : i32
    %broadcast_in_dim3A_359 = vector.broadcast %jit3A_358 : i32 to vector<16xi32>
    %select_n3A_360 = arith.select %lt3A_357, %sub3A_354, %broadcast_in_dim3A_359 : vector<16xi1>, vector<16xi32>
    tpu.vector_store_idx %arg7[%select_n3A_360, %add3A_351], %broadcast_in_dim3A_1 masked %lt3A_357 : memref<200x128xf32, #tpu.memory_space<vmem>>[vector<16xi32>, vector<16xi32>], vector<16xf32>, vector<16xi1>
    %add3A_361 = arith.constant 112 : i32
    %add3A_362 = vector.broadcast %add3A_361 : i32 to vector<16xi32>
    %add3A_363 = arith.addi %iota3A, %add3A_362 : vector<16xi32>
    %gather3A_364 = tpu.vector_load_idx %arg4[%add3A_363, %add3A_276] : memref<128x20xi32, #tpu.memory_space<vmem>>[vector<16xi32>, vector<16xi32>], vector<16xi32>,
    %sub3A_365 = vector.broadcast %mul3A_272 : i32 to vector<16xi32>
    %sub3A_366 = arith.subi %gather3A_364, %sub3A_365 : vector<16xi32>
    %lt3A_367 = arith.constant 200 : i32
    %lt3A_368 = vector.broadcast %lt3A_367 : i32 to vector<16xi32>
    %lt3A_369 = arith.cmpi ult, %sub3A_366, %lt3A_368 : vector<16xi32>
    %jit3A_370 = arith.constant 0 : i32
    %broadcast_in_dim3A_371 = vector.broadcast %jit3A_370 : i32 to vector<16xi32>
    %select_n3A_372 = arith.select %lt3A_369, %sub3A_366, %broadcast_in_dim3A_371 : vector<16xi1>, vector<16xi32>
    tpu.vector_store_idx %arg7[%select_n3A_372, %add3A_363], %broadcast_in_dim3A_1 masked %lt3A_369 : memref<200x128xf32, #tpu.memory_space<vmem>>[vector<16xi32>, vector<16xi32>], vector<16xf32>, vector<16xi1>
    %shift_right_logical3A_373 = arith.constant 104858 : i32
    %shift_right_logical3A_374 = arith.constant 18 : i32
    %shift_right_logical3A_375 = arith.shrui %shift_right_logical3A_373, %shift_right_logical3A_374 : i32
    %mul3A_376 = arith.constant 5 : i32
    %mul3A_377 = arith.muli %shift_right_logical3A_375, %mul3A_376 : i32
    %sub3A_378 = arith.constant 2 : i32
    %sub3A_379 = arith.subi %sub3A_378, %mul3A_377 : i32
    %mul3A_380 = arith.constant 200 : i32
    %mul3A_381 = arith.muli %sub3A_379, %mul3A_380 : i32
    %mul3A_382 = arith.constant 128 : i32
    %mul3A_383 = arith.muli %add3A, %mul3A_382 : i32
    %dma_start3A_384 = tpu.memref_slice %arg3[%shift_right_logical3A_375, %mul3A_381, %mul3A_383] : memref<20x1000x4096xf32, #tpu.memory_space<hbm>> -> memref<1x200x128xf32, #tpu.memory_space<hbm>>
    %dma_start3A_385 = tpu.memref_squeeze %dma_start3A_384 : memref<1x200x128xf32, #tpu.memory_space<hbm>> -> memref<200x128xf32, #tpu.memory_space<hbm>>
    %dma_start3A_386 = tpu.memref_slice %arg3[%shift_right_logical3A_375, %mul3A_381, %mul3A_383] : memref<20x1000x4096xf32, #tpu.memory_space<hbm>> -> memref<1x200x128xf32, #tpu.memory_space<hbm>>
    %dma_start3A_387 = tpu.memref_squeeze %dma_start3A_386 : memref<1x200x128xf32, #tpu.memory_space<hbm>> -> memref<200x128xf32, #tpu.memory_space<hbm>>
    tpu.enqueue_dma source(%arg7 : memref<200x128xf32, #tpu.memory_space<vmem>>) target(%dma_start3A_387 : memref<200x128xf32, #tpu.memory_space<hbm>>) target_semaphore(%arg11 : memref<!tpu.dma_semaphore, #tpu.memory_space<semaphore_mem>>)
    %scan3A_388 = arith.constant 0 : i32
    %scan3A_389 = arith.constant 0 : i32
    %scan3A_390 = arith.constant 200 : i32
    %scan3A_391 = arith.addi %scan3A_389, %scan3A_390 : i32
    %scan3A_392 = arith.constant 1 : i32
    scf.for %scan3A_559 = %scan3A_389 to %scan3A_391 step %scan3A_392  : i32 {
      %swap3A = arith.index_cast %scan3A_559 : i32 to index
      %swap3A_560 = arith.constant 0 : index
      %swap3A_561 = tpu.vector_load %arg8[%swap3A, %swap3A_560] {strides = array<i32>} : memref<200x128xf32, #tpu.memory_space<vmem>>, vector<16xf32>,
      tpu.vector_store %arg8[%swap3A, %swap3A_560], %broadcast_in_dim3A_3 {strides = array<i32>} : memref<200x128xf32, #tpu.memory_space<vmem>>, vector<16xf32>,
      %swap3A_562 = arith.index_cast %scan3A_559 : i32 to index
      %swap3A_563 = arith.constant 16 : index
      %swap3A_564 = tpu.vector_load %arg8[%swap3A_562, %swap3A_563] {strides = array<i32>} : memref<200x128xf32, #tpu.memory_space<vmem>>, vector<16xf32>,
      tpu.vector_store %arg8[%swap3A_562, %swap3A_563], %broadcast_in_dim3A_3 {strides = array<i32>} : memref<200x128xf32, #tpu.memory_space<vmem>>, vector<16xf32>,
      %swap3A_565 = arith.index_cast %scan3A_559 : i32 to index
      %swap3A_566 = arith.constant 32 : index
      %swap3A_567 = tpu.vector_load %arg8[%swap3A_565, %swap3A_566] {strides = array<i32>} : memref<200x128xf32, #tpu.memory_space<vmem>>, vector<16xf32>,
      tpu.vector_store %arg8[%swap3A_565, %swap3A_566], %broadcast_in_dim3A_3 {strides = array<i32>} : memref<200x128xf32, #tpu.memory_space<vmem>>, vector<16xf32>,
      %swap3A_568 = arith.index_cast %scan3A_559 : i32 to index
      %swap3A_569 = arith.constant 48 : index
      %swap3A_570 = tpu.vector_load %arg8[%swap3A_568, %swap3A_569] {strides = array<i32>} : memref<200x128xf32, #tpu.memory_space<vmem>>, vector<16xf32>,
      tpu.vector_store %arg8[%swap3A_568, %swap3A_569], %broadcast_in_dim3A_3 {strides = array<i32>} : memref<200x128xf32, #tpu.memory_space<vmem>>, vector<16xf32>,
      %swap3A_571 = arith.index_cast %scan3A_559 : i32 to index
      %swap3A_572 = arith.constant 64 : index
      %swap3A_573 = tpu.vector_load %arg8[%swap3A_571, %swap3A_572] {strides = array<i32>} : memref<200x128xf32, #tpu.memory_space<vmem>>, vector<16xf32>,
      tpu.vector_store %arg8[%swap3A_571, %swap3A_572], %broadcast_in_dim3A_3 {strides = array<i32>} : memref<200x128xf32, #tpu.memory_space<vmem>>, vector<16xf32>,
      %swap3A_574 = arith.index_cast %scan3A_559 : i32 to index
      %swap3A_575 = arith.constant 80 : index
      %swap3A_576 = tpu.vector_load %arg8[%swap3A_574, %swap3A_575] {strides = array<i32>} : memref<200x128xf32, #tpu.memory_space<vmem>>, vector<16xf32>,
      tpu.vector_store %arg8[%swap3A_574, %swap3A_575], %broadcast_in_dim3A_3 {strides = array<i32>} : memref<200x128xf32, #tpu.memory_space<vmem>>, vector<16xf32>,
      %swap3A_577 = arith.index_cast %scan3A_559 : i32 to index
      %swap3A_578 = arith.constant 96 : index
      %swap3A_579 = tpu.vector_load %arg8[%swap3A_577, %swap3A_578] {strides = array<i32>} : memref<200x128xf32, #tpu.memory_space<vmem>>, vector<16xf32>,
      tpu.vector_store %arg8[%swap3A_577, %swap3A_578], %broadcast_in_dim3A_3 {strides = array<i32>} : memref<200x128xf32, #tpu.memory_space<vmem>>, vector<16xf32>,
      %swap3A_580 = arith.index_cast %scan3A_559 : i32 to index
      %swap3A_581 = arith.constant 112 : index
      %swap3A_582 = tpu.vector_load %arg8[%swap3A_580, %swap3A_581] {strides = array<i32>} : memref<200x128xf32, #tpu.memory_space<vmem>>, vector<16xf32>,
      tpu.vector_store %arg8[%swap3A_580, %swap3A_581], %broadcast_in_dim3A_3 {strides = array<i32>} : memref<200x128xf32, #tpu.memory_space<vmem>>, vector<16xf32>,
    }
    %scan3A_393 = arith.constant 200 : i32
    %shift_right_logical3A_394 = arith.constant 157287 : i32
    %shift_right_logical3A_395 = arith.constant 18 : i32
    %shift_right_logical3A_396 = arith.shrui %shift_right_logical3A_394, %shift_right_logical3A_395 : i32
    %mul3A_397 = arith.constant 5 : i32
    %mul3A_398 = arith.muli %shift_right_logical3A_396, %mul3A_397 : i32
    %sub3A_399 = arith.constant 3 : i32
    %sub3A_400 = arith.subi %sub3A_399, %mul3A_398 : i32
    %mul3A_401 = arith.constant 200 : i32
    %mul3A_402 = arith.muli %sub3A_400, %mul3A_401 : i32
    %broadcast_in_dim3A_403 = arith.constant 0 : i32
    %broadcast_in_dim3A_404 = vector.broadcast %broadcast_in_dim3A_403 : i32 to vector<16xi32>
    %add3A_405 = vector.broadcast %shift_right_logical3A_396 : i32 to vector<16xi32>
    %add3A_406 = arith.addi %broadcast_in_dim3A_404, %add3A_405 : vector<16xi32>
    %add3A_407 = arith.constant 0 : i32
    %add3A_408 = vector.broadcast %add3A_407 : i32 to vector<16xi32>
    %add3A_409 = arith.addi %iota3A, %add3A_408 : vector<16xi32>
    %gather3A_410 = tpu.vector_load_idx %arg4[%add3A_409, %add3A_406] : memref<128x20xi32, #tpu.memory_space<vmem>>[vector<16xi32>, vector<16xi32>], vector<16xi32>,
    %sub3A_411 = vector.broadcast %mul3A_402 : i32 to vector<16xi32>
    %sub3A_412 = arith.subi %gather3A_410, %sub3A_411 : vector<16xi32>
    %lt3A_413 = arith.constant 200 : i32
    %lt3A_414 = vector.broadcast %lt3A_413 : i32 to vector<16xi32>
    %lt3A_415 = arith.cmpi ult, %sub3A_412, %lt3A_414 : vector<16xi32>
    %jit3A_416 = arith.constant 0 : i32
    %broadcast_in_dim3A_417 = vector.broadcast %jit3A_416 : i32 to vector<16xi32>
    %select_n3A_418 = arith.select %lt3A_415, %sub3A_412, %broadcast_in_dim3A_417 : vector<16xi1>, vector<16xi32>
    tpu.vector_store_idx %arg8[%select_n3A_418, %add3A_409], %broadcast_in_dim3A_1 masked %lt3A_415 : memref<200x128xf32, #tpu.memory_space<vmem>>[vector<16xi32>, vector<16xi32>], vector<16xf32>, vector<16xi1>
    %add3A_419 = arith.constant 16 : i32
    %add3A_420 = vector.broadcast %add3A_419 : i32 to vector<16xi32>
    %add3A_421 = arith.addi %iota3A, %add3A_420 : vector<16xi32>
    %gather3A_422 = tpu.vector_load_idx %arg4[%add3A_421, %add3A_406] : memref<128x20xi32, #tpu.memory_space<vmem>>[vector<16xi32>, vector<16xi32>], vector<16xi32>,
    %sub3A_423 = vector.broadcast %mul3A_402 : i32 to vector<16xi32>
    %sub3A_424 = arith.subi %gather3A_422, %sub3A_423 : vector<16xi32>
    %lt3A_425 = arith.constant 200 : i32
    %lt3A_426 = vector.broadcast %lt3A_425 : i32 to vector<16xi32>
    %lt3A_427 = arith.cmpi ult, %sub3A_424, %lt3A_426 : vector<16xi32>
    %jit3A_428 = arith.constant 0 : i32
    %broadcast_in_dim3A_429 = vector.broadcast %jit3A_428 : i32 to vector<16xi32>
    %select_n3A_430 = arith.select %lt3A_427, %sub3A_424, %broadcast_in_dim3A_429 : vector<16xi1>, vector<16xi32>
    tpu.vector_store_idx %arg8[%select_n3A_430, %add3A_421], %broadcast_in_dim3A_1 masked %lt3A_427 : memref<200x128xf32, #tpu.memory_space<vmem>>[vector<16xi32>, vector<16xi32>], vector<16xf32>, vector<16xi1>
    %add3A_431 = arith.constant 32 : i32
    %add3A_432 = vector.broadcast %add3A_431 : i32 to vector<16xi32>
    %add3A_433 = arith.addi %iota3A, %add3A_432 : vector<16xi32>
    %gather3A_434 = tpu.vector_load_idx %arg4[%add3A_433, %add3A_406] : memref<128x20xi32, #tpu.memory_space<vmem>>[vector<16xi32>, vector<16xi32>], vector<16xi32>,
    %sub3A_435 = vector.broadcast %mul3A_402 : i32 to vector<16xi32>
    %sub3A_436 = arith.subi %gather3A_434, %sub3A_435 : vector<16xi32>
    %lt3A_437 = arith.constant 200 : i32
    %lt3A_438 = vector.broadcast %lt3A_437 : i32 to vector<16xi32>
    %lt3A_439 = arith.cmpi ult, %sub3A_436, %lt3A_438 : vector<16xi32>
    %jit3A_440 = arith.constant 0 : i32
    %broadcast_in_dim3A_441 = vector.broadcast %jit3A_440 : i32 to vector<16xi32>
    %select_n3A_442 = arith.select %lt3A_439, %sub3A_436, %broadcast_in_dim3A_441 : vector<16xi1>, vector<16xi32>
    tpu.vector_store_idx %arg8[%select_n3A_442, %add3A_433], %broadcast_in_dim3A_1 masked %lt3A_439 : memref<200x128xf32, #tpu.memory_space<vmem>>[vector<16xi32>, vector<16xi32>], vector<16xf32>, vector<16xi1>
    %add3A_443 = arith.constant 48 : i32
    %add3A_444 = vector.broadcast %add3A_443 : i32 to vector<16xi32>
    %add3A_445 = arith.addi %iota3A, %add3A_444 : vector<16xi32>
    %gather3A_446 = tpu.vector_load_idx %arg4[%add3A_445, %add3A_406] : memref<128x20xi32, #tpu.memory_space<vmem>>[vector<16xi32>, vector<16xi32>], vector<16xi32>,
    %sub3A_447 = vector.broadcast %mul3A_402 : i32 to vector<16xi32>
    %sub3A_448 = arith.subi %gather3A_446, %sub3A_447 : vector<16xi32>
    %lt3A_449 = arith.constant 200 : i32
    %lt3A_450 = vector.broadcast %lt3A_449 : i32 to vector<16xi32>
    %lt3A_451 = arith.cmpi ult, %sub3A_448, %lt3A_450 : vector<16xi32>
    %jit3A_452 = arith.constant 0 : i32
    %broadcast_in_dim3A_453 = vector.broadcast %jit3A_452 : i32 to vector<16xi32>
    %select_n3A_454 = arith.select %lt3A_451, %sub3A_448, %broadcast_in_dim3A_453 : vector<16xi1>, vector<16xi32>
    tpu.vector_store_idx %arg8[%select_n3A_454, %add3A_445], %broadcast_in_dim3A_1 masked %lt3A_451 : memref<200x128xf32, #tpu.memory_space<vmem>>[vector<16xi32>, vector<16xi32>], vector<16xf32>, vector<16xi1>
    %add3A_455 = arith.constant 64 : i32
    %add3A_456 = vector.broadcast %add3A_455 : i32 to vector<16xi32>
    %add3A_457 = arith.addi %iota3A, %add3A_456 : vector<16xi32>
    %gather3A_458 = tpu.vector_load_idx %arg4[%add3A_457, %add3A_406] : memref<128x20xi32, #tpu.memory_space<vmem>>[vector<16xi32>, vector<16xi32>], vector<16xi32>,
    %sub3A_459 = vector.broadcast %mul3A_402 : i32 to vector<16xi32>
    %sub3A_460 = arith.subi %gather3A_458, %sub3A_459 : vector<16xi32>
    %lt3A_461 = arith.constant 200 : i32
    %lt3A_462 = vector.broadcast %lt3A_461 : i32 to vector<16xi32>
    %lt3A_463 = arith.cmpi ult, %sub3A_460, %lt3A_462 : vector<16xi32>
    %jit3A_464 = arith.constant 0 : i32
    %broadcast_in_dim3A_465 = vector.broadcast %jit3A_464 : i32 to vector<16xi32>
    %select_n3A_466 = arith.select %lt3A_463, %sub3A_460, %broadcast_in_dim3A_465 : vector<16xi1>, vector<16xi32>
    tpu.vector_store_idx %arg8[%select_n3A_466, %add3A_457], %broadcast_in_dim3A_1 masked %lt3A_463 : memref<200x128xf32, #tpu.memory_space<vmem>>[vector<16xi32>, vector<16xi32>], vector<16xf32>, vector<16xi1>
    %add3A_467 = arith.constant 80 : i32
    %add3A_468 = vector.broadcast %add3A_467 : i32 to vector<16xi32>
    %add3A_469 = arith.addi %iota3A, %add3A_468 : vector<16xi32>
    %gather3A_470 = tpu.vector_load_idx %arg4[%add3A_469, %add3A_406] : memref<128x20xi32, #tpu.memory_space<vmem>>[vector<16xi32>, vector<16xi32>], vector<16xi32>,
    %sub3A_471 = vector.broadcast %mul3A_402 : i32 to vector<16xi32>
    %sub3A_472 = arith.subi %gather3A_470, %sub3A_471 : vector<16xi32>
    %lt3A_473 = arith.constant 200 : i32
    %lt3A_474 = vector.broadcast %lt3A_473 : i32 to vector<16xi32>
    %lt3A_475 = arith.cmpi ult, %sub3A_472, %lt3A_474 : vector<16xi32>
    %jit3A_476 = arith.constant 0 : i32
    %broadcast_in_dim3A_477 = vector.broadcast %jit3A_476 : i32 to vector<16xi32>
    %select_n3A_478 = arith.select %lt3A_475, %sub3A_472, %broadcast_in_dim3A_477 : vector<16xi1>, vector<16xi32>
    tpu.vector_store_idx %arg8[%select_n3A_478, %add3A_469], %broadcast_in_dim3A_1 masked %lt3A_475 : memref<200x128xf32, #tpu.memory_space<vmem>>[vector<16xi32>, vector<16xi32>], vector<16xf32>, vector<16xi1>
    %add3A_479 = arith.constant 96 : i32
    %add3A_480 = vector.broadcast %add3A_479 : i32 to vector<16xi32>
    %add3A_481 = arith.addi %iota3A, %add3A_480 : vector<16xi32>
    %gather3A_482 = tpu.vector_load_idx %arg4[%add3A_481, %add3A_406] : memref<128x20xi32, #tpu.memory_space<vmem>>[vector<16xi32>, vector<16xi32>], vector<16xi32>,
    %sub3A_483 = vector.broadcast %mul3A_402 : i32 to vector<16xi32>
    %sub3A_484 = arith.subi %gather3A_482, %sub3A_483 : vector<16xi32>
    %lt3A_485 = arith.constant 200 : i32
    %lt3A_486 = vector.broadcast %lt3A_485 : i32 to vector<16xi32>
    %lt3A_487 = arith.cmpi ult, %sub3A_484, %lt3A_486 : vector<16xi32>
    %jit3A_488 = arith.constant 0 : i32
    %broadcast_in_dim3A_489 = vector.broadcast %jit3A_488 : i32 to vector<16xi32>
    %select_n3A_490 = arith.select %lt3A_487, %sub3A_484, %broadcast_in_dim3A_489 : vector<16xi1>, vector<16xi32>
    tpu.vector_store_idx %arg8[%select_n3A_490, %add3A_481], %broadcast_in_dim3A_1 masked %lt3A_487 : memref<200x128xf32, #tpu.memory_space<vmem>>[vector<16xi32>, vector<16xi32>], vector<16xf32>, vector<16xi1>
    %add3A_491 = arith.constant 112 : i32
    %add3A_492 = vector.broadcast %add3A_491 : i32 to vector<16xi32>
    %add3A_493 = arith.addi %iota3A, %add3A_492 : vector<16xi32>
    %gather3A_494 = tpu.vector_load_idx %arg4[%add3A_493, %add3A_406] : memref<128x20xi32, #tpu.memory_space<vmem>>[vector<16xi32>, vector<16xi32>], vector<16xi32>,
    %sub3A_495 = vector.broadcast %mul3A_402 : i32 to vector<16xi32>
    %sub3A_496 = arith.subi %gather3A_494, %sub3A_495 : vector<16xi32>
    %lt3A_497 = arith.constant 200 : i32
    %lt3A_498 = vector.broadcast %lt3A_497 : i32 to vector<16xi32>
    %lt3A_499 = arith.cmpi ult, %sub3A_496, %lt3A_498 : vector<16xi32>
    %jit3A_500 = arith.constant 0 : i32
    %broadcast_in_dim3A_501 = vector.broadcast %jit3A_500 : i32 to vector<16xi32>
    %select_n3A_502 = arith.select %lt3A_499, %sub3A_496, %broadcast_in_dim3A_501 : vector<16xi1>, vector<16xi32>
    tpu.vector_store_idx %arg8[%select_n3A_502, %add3A_493], %broadcast_in_dim3A_1 masked %lt3A_499 : memref<200x128xf32, #tpu.memory_space<vmem>>[vector<16xi32>, vector<16xi32>], vector<16xf32>, vector<16xi1>
    %shift_right_logical3A_503 = arith.constant 157287 : i32
    %shift_right_logical3A_504 = arith.constant 18 : i32
    %shift_right_logical3A_505 = arith.shrui %shift_right_logical3A_503, %shift_right_logical3A_504 : i32
    %mul3A_506 = arith.constant 5 : i32
    %mul3A_507 = arith.muli %shift_right_logical3A_505, %mul3A_506 : i32
    %sub3A_508 = arith.constant 3 : i32
    %sub3A_509 = arith.subi %sub3A_508, %mul3A_507 : i32
    %mul3A_510 = arith.constant 200 : i32
    %mul3A_511 = arith.muli %sub3A_509, %mul3A_510 : i32
    %mul3A_512 = arith.constant 128 : i32
    %mul3A_513 = arith.muli %add3A, %mul3A_512 : i32
    %dma_start3A_514 = tpu.memref_slice %arg3[%shift_right_logical3A_505, %mul3A_511, %mul3A_513] : memref<20x1000x4096xf32, #tpu.memory_space<hbm>> -> memref<1x200x128xf32, #tpu.memory_space<hbm>>
    %dma_start3A_515 = tpu.memref_squeeze %dma_start3A_514 : memref<1x200x128xf32, #tpu.memory_space<hbm>> -> memref<200x128xf32, #tpu.memory_space<hbm>>
    %dma_start3A_516 = tpu.memref_slice %arg3[%shift_right_logical3A_505, %mul3A_511, %mul3A_513] : memref<20x1000x4096xf32, #tpu.memory_space<hbm>> -> memref<1x200x128xf32, #tpu.memory_space<hbm>>
    %dma_start3A_517 = tpu.memref_squeeze %dma_start3A_516 : memref<1x200x128xf32, #tpu.memory_space<hbm>> -> memref<200x128xf32, #tpu.memory_space<hbm>>
    tpu.enqueue_dma source(%arg8 : memref<200x128xf32, #tpu.memory_space<vmem>>) target(%dma_start3A_517 : memref<200x128xf32, #tpu.memory_space<hbm>>) target_semaphore(%arg12 : memref<!tpu.dma_semaphore, #tpu.memory_space<semaphore_mem>>)
    %scan3A_518 = arith.constant 0 : i32
    %scan3A_519 = arith.constant 1 : i32
    %scan3A_520 = arith.constant 24 : i32
    %scan3A_521 = arith.addi %scan3A_519, %scan3A_520 : i32
    %scan3A_522 = arith.constant 1 : i32
    scf.for %scan3A_559 = %scan3A_519 to %scan3A_521 step %scan3A_522  : i32 {
      %mul3A_560 = arith.constant 4 : i32
      %mul3A_561 = arith.muli %scan3A_559, %mul3A_560 : i32
      %add3A_562 = arith.constant 0 : i32
      %add3A_563 = arith.addi %mul3A_561, %add3A_562 : i32
      %dma_wait3A_564 = arith.constant 0 : i32
      %dma_wait3A_565 = arith.constant 0 : i32
      %dma_wait3A_566 = arith.constant 0 : i32
      %dma_wait3A_567 = tpu.memref_slice %arg3[%dma_wait3A_564, %dma_wait3A_565, %dma_wait3A_566] : memref<20x1000x4096xf32, #tpu.memory_space<hbm>> -> memref<1x200x128xf32, #tpu.memory_space<hbm>>
      %dma_wait3A_568 = tpu.memref_squeeze %dma_wait3A_567 : memref<1x200x128xf32, #tpu.memory_space<hbm>> -> memref<200x128xf32, #tpu.memory_space<hbm>>
      %dma_wait3A_569 = arith.constant 0 : i32
      %dma_wait3A_570 = arith.constant 0 : i32
      %dma_wait3A_571 = tpu.memref_slice %arg3[%dma_wait3A_564, %dma_wait3A_569, %dma_wait3A_570] : memref<20x1000x4096xf32, #tpu.memory_space<hbm>> -> memref<1x200x128xf32, #tpu.memory_space<hbm>>
      %dma_wait3A_572 = tpu.memref_squeeze %dma_wait3A_571 : memref<1x200x128xf32, #tpu.memory_space<hbm>> -> memref<200x128xf32, #tpu.memory_space<hbm>>
      tpu.wait_dma2 semaphore(%arg9 : memref<!tpu.dma_semaphore, #tpu.memory_space<semaphore_mem>>) src(%arg5 : memref<200x128xf32, #tpu.memory_space<vmem>>) dst(%dma_wait3A_572 : memref<200x128xf32, #tpu.memory_space<hbm>>)
      %sub3A_573 = arith.constant 4 : i32
      %sub3A_574 = arith.subi %add3A_563, %sub3A_573 : i32
      %mul3A_575 = arith.constant 52429 : i32
      %mul3A_576 = arith.muli %sub3A_574, %mul3A_575 : i32
      %shift_right_logical3A_577 = arith.constant 18 : i32
      %shift_right_logical3A_578 = arith.shrui %mul3A_576, %shift_right_logical3A_577 : i32
      %mul3A_579 = arith.constant 5 : i32
      %mul3A_580 = arith.muli %shift_right_logical3A_578, %mul3A_579 : i32
      %sub3A_581 = arith.subi %sub3A_574, %mul3A_580 : i32
      %mul3A_582 = arith.constant 200 : i32
      %mul3A_583 = arith.muli %sub3A_581, %mul3A_582 : i32
      %broadcast_in_dim3A_584 = arith.constant 0 : i32
      %broadcast_in_dim3A_585 = vector.broadcast %broadcast_in_dim3A_584 : i32 to vector<16xi32>
      %add3A_586 = vector.broadcast %shift_right_logical3A_578 : i32 to vector<16xi32>
      %add3A_587 = arith.addi %broadcast_in_dim3A_585, %add3A_586 : vector<16xi32>
      %add3A_588 = arith.constant 0 : i32
      %add3A_589 = vector.broadcast %add3A_588 : i32 to vector<16xi32>
      %add3A_590 = arith.addi %iota3A, %add3A_589 : vector<16xi32>
      %gather3A_591 = tpu.vector_load_idx %arg4[%add3A_590, %add3A_587] : memref<128x20xi32, #tpu.memory_space<vmem>>[vector<16xi32>, vector<16xi32>], vector<16xi32>,
      %sub3A_592 = vector.broadcast %mul3A_583 : i32 to vector<16xi32>
      %sub3A_593 = arith.subi %gather3A_591, %sub3A_592 : vector<16xi32>
      %lt3A_594 = arith.constant 200 : i32
      %lt3A_595 = vector.broadcast %lt3A_594 : i32 to vector<16xi32>
      %lt3A_596 = arith.cmpi ult, %sub3A_593, %lt3A_595 : vector<16xi32>
      %jit3A_597 = arith.constant 0 : i32
      %broadcast_in_dim3A_598 = vector.broadcast %jit3A_597 : i32 to vector<16xi32>
      %select_n3A_599 = arith.select %lt3A_596, %sub3A_593, %broadcast_in_dim3A_598 : vector<16xi1>, vector<16xi32>
      tpu.vector_store_idx %arg5[%select_n3A_599, %add3A_590], %broadcast_in_dim3A_3 masked %lt3A_596 : memref<200x128xf32, #tpu.memory_space<vmem>>[vector<16xi32>, vector<16xi32>], vector<16xf32>, vector<16xi1>
      %add3A_600 = arith.constant 16 : i32
      %add3A_601 = vector.broadcast %add3A_600 : i32 to vector<16xi32>
      %add3A_602 = arith.addi %iota3A, %add3A_601 : vector<16xi32>
      %gather3A_603 = tpu.vector_load_idx %arg4[%add3A_602, %add3A_587] : memref<128x20xi32, #tpu.memory_space<vmem>>[vector<16xi32>, vector<16xi32>], vector<16xi32>,
      %sub3A_604 = vector.broadcast %mul3A_583 : i32 to vector<16xi32>
      %sub3A_605 = arith.subi %gather3A_603, %sub3A_604 : vector<16xi32>
      %lt3A_606 = arith.constant 200 : i32
      %lt3A_607 = vector.broadcast %lt3A_606 : i32 to vector<16xi32>
      %lt3A_608 = arith.cmpi ult, %sub3A_605, %lt3A_607 : vector<16xi32>
      %jit3A_609 = arith.constant 0 : i32
      %broadcast_in_dim3A_610 = vector.broadcast %jit3A_609 : i32 to vector<16xi32>
      %select_n3A_611 = arith.select %lt3A_608, %sub3A_605, %broadcast_in_dim3A_610 : vector<16xi1>, vector<16xi32>
      tpu.vector_store_idx %arg5[%select_n3A_611, %add3A_602], %broadcast_in_dim3A_3 masked %lt3A_608 : memref<200x128xf32, #tpu.memory_space<vmem>>[vector<16xi32>, vector<16xi32>], vector<16xf32>, vector<16xi1>
      %add3A_612 = arith.constant 32 : i32
      %add3A_613 = vector.broadcast %add3A_612 : i32 to vector<16xi32>
      %add3A_614 = arith.addi %iota3A, %add3A_613 : vector<16xi32>
      %gather3A_615 = tpu.vector_load_idx %arg4[%add3A_614, %add3A_587] : memref<128x20xi32, #tpu.memory_space<vmem>>[vector<16xi32>, vector<16xi32>], vector<16xi32>,
      %sub3A_616 = vector.broadcast %mul3A_583 : i32 to vector<16xi32>
      %sub3A_617 = arith.subi %gather3A_615, %sub3A_616 : vector<16xi32>
      %lt3A_618 = arith.constant 200 : i32
      %lt3A_619 = vector.broadcast %lt3A_618 : i32 to vector<16xi32>
      %lt3A_620 = arith.cmpi ult, %sub3A_617, %lt3A_619 : vector<16xi32>
      %jit3A_621 = arith.constant 0 : i32
      %broadcast_in_dim3A_622 = vector.broadcast %jit3A_621 : i32 to vector<16xi32>
      %select_n3A_623 = arith.select %lt3A_620, %sub3A_617, %broadcast_in_dim3A_622 : vector<16xi1>, vector<16xi32>
      tpu.vector_store_idx %arg5[%select_n3A_623, %add3A_614], %broadcast_in_dim3A_3 masked %lt3A_620 : memref<200x128xf32, #tpu.memory_space<vmem>>[vector<16xi32>, vector<16xi32>], vector<16xf32>, vector<16xi1>
      %add3A_624 = arith.constant 48 : i32
      %add3A_625 = vector.broadcast %add3A_624 : i32 to vector<16xi32>
      %add3A_626 = arith.addi %iota3A, %add3A_625 : vector<16xi32>
      %gather3A_627 = tpu.vector_load_idx %arg4[%add3A_626, %add3A_587] : memref<128x20xi32, #tpu.memory_space<vmem>>[vector<16xi32>, vector<16xi32>], vector<16xi32>,
      %sub3A_628 = vector.broadcast %mul3A_583 : i32 to vector<16xi32>
      %sub3A_629 = arith.subi %gather3A_627, %sub3A_628 : vector<16xi32>
      %lt3A_630 = arith.constant 200 : i32
      %lt3A_631 = vector.broadcast %lt3A_630 : i32 to vector<16xi32>
      %lt3A_632 = arith.cmpi ult, %sub3A_629, %lt3A_631 : vector<16xi32>
      %jit3A_633 = arith.constant 0 : i32
      %broadcast_in_dim3A_634 = vector.broadcast %jit3A_633 : i32 to vector<16xi32>
      %select_n3A_635 = arith.select %lt3A_632, %sub3A_629, %broadcast_in_dim3A_634 : vector<16xi1>, vector<16xi32>
      tpu.vector_store_idx %arg5[%select_n3A_635, %add3A_626], %broadcast_in_dim3A_3 masked %lt3A_632 : memref<200x128xf32, #tpu.memory_space<vmem>>[vector<16xi32>, vector<16xi32>], vector<16xf32>, vector<16xi1>
      %add3A_636 = arith.constant 64 : i32
      %add3A_637 = vector.broadcast %add3A_636 : i32 to vector<16xi32>
      %add3A_638 = arith.addi %iota3A, %add3A_637 : vector<16xi32>
      %gather3A_639 = tpu.vector_load_idx %arg4[%add3A_638, %add3A_587] : memref<128x20xi32, #tpu.memory_space<vmem>>[vector<16xi32>, vector<16xi32>], vector<16xi32>,
      %sub3A_640 = vector.broadcast %mul3A_583 : i32 to vector<16xi32>
      %sub3A_641 = arith.subi %gather3A_639, %sub3A_640 : vector<16xi32>
      %lt3A_642 = arith.constant 200 : i32
      %lt3A_643 = vector.broadcast %lt3A_642 : i32 to vector<16xi32>
      %lt3A_644 = arith.cmpi ult, %sub3A_641, %lt3A_643 : vector<16xi32>
      %jit3A_645 = arith.constant 0 : i32
      %broadcast_in_dim3A_646 = vector.broadcast %jit3A_645 : i32 to vector<16xi32>
      %select_n3A_647 = arith.select %lt3A_644, %sub3A_641, %broadcast_in_dim3A_646 : vector<16xi1>, vector<16xi32>
      tpu.vector_store_idx %arg5[%select_n3A_647, %add3A_638], %broadcast_in_dim3A_3 masked %lt3A_644 : memref<200x128xf32, #tpu.memory_space<vmem>>[vector<16xi32>, vector<16xi32>], vector<16xf32>, vector<16xi1>
      %add3A_648 = arith.constant 80 : i32
      %add3A_649 = vector.broadcast %add3A_648 : i32 to vector<16xi32>
      %add3A_650 = arith.addi %iota3A, %add3A_649 : vector<16xi32>
      %gather3A_651 = tpu.vector_load_idx %arg4[%add3A_650, %add3A_587] : memref<128x20xi32, #tpu.memory_space<vmem>>[vector<16xi32>, vector<16xi32>], vector<16xi32>,
      %sub3A_652 = vector.broadcast %mul3A_583 : i32 to vector<16xi32>
      %sub3A_653 = arith.subi %gather3A_651, %sub3A_652 : vector<16xi32>
      %lt3A_654 = arith.constant 200 : i32
      %lt3A_655 = vector.broadcast %lt3A_654 : i32 to vector<16xi32>
      %lt3A_656 = arith.cmpi ult, %sub3A_653, %lt3A_655 : vector<16xi32>
      %jit3A_657 = arith.constant 0 : i32
      %broadcast_in_dim3A_658 = vector.broadcast %jit3A_657 : i32 to vector<16xi32>
      %select_n3A_659 = arith.select %lt3A_656, %sub3A_653, %broadcast_in_dim3A_658 : vector<16xi1>, vector<16xi32>
      tpu.vector_store_idx %arg5[%select_n3A_659, %add3A_650], %broadcast_in_dim3A_3 masked %lt3A_656 : memref<200x128xf32, #tpu.memory_space<vmem>>[vector<16xi32>, vector<16xi32>], vector<16xf32>, vector<16xi1>
      %add3A_660 = arith.constant 96 : i32
      %add3A_661 = vector.broadcast %add3A_660 : i32 to vector<16xi32>
      %add3A_662 = arith.addi %iota3A, %add3A_661 : vector<16xi32>
      %gather3A_663 = tpu.vector_load_idx %arg4[%add3A_662, %add3A_587] : memref<128x20xi32, #tpu.memory_space<vmem>>[vector<16xi32>, vector<16xi32>], vector<16xi32>,
      %sub3A_664 = vector.broadcast %mul3A_583 : i32 to vector<16xi32>
      %sub3A_665 = arith.subi %gather3A_663, %sub3A_664 : vector<16xi32>
      %lt3A_666 = arith.constant 200 : i32
      %lt3A_667 = vector.broadcast %lt3A_666 : i32 to vector<16xi32>
      %lt3A_668 = arith.cmpi ult, %sub3A_665, %lt3A_667 : vector<16xi32>
      %jit3A_669 = arith.constant 0 : i32
      %broadcast_in_dim3A_670 = vector.broadcast %jit3A_669 : i32 to vector<16xi32>
      %select_n3A_671 = arith.select %lt3A_668, %sub3A_665, %broadcast_in_dim3A_670 : vector<16xi1>, vector<16xi32>
      tpu.vector_store_idx %arg5[%select_n3A_671, %add3A_662], %broadcast_in_dim3A_3 masked %lt3A_668 : memref<200x128xf32, #tpu.memory_space<vmem>>[vector<16xi32>, vector<16xi32>], vector<16xf32>, vector<16xi1>
      %add3A_672 = arith.constant 112 : i32
      %add3A_673 = vector.broadcast %add3A_672 : i32 to vector<16xi32>
      %add3A_674 = arith.addi %iota3A, %add3A_673 : vector<16xi32>
      %gather3A_675 = tpu.vector_load_idx %arg4[%add3A_674, %add3A_587] : memref<128x20xi32, #tpu.memory_space<vmem>>[vector<16xi32>, vector<16xi32>], vector<16xi32>,
      %sub3A_676 = vector.broadcast %mul3A_583 : i32 to vector<16xi32>
      %sub3A_677 = arith.subi %gather3A_675, %sub3A_676 : vector<16xi32>
      %lt3A_678 = arith.constant 200 : i32
      %lt3A_679 = vector.broadcast %lt3A_678 : i32 to vector<16xi32>
      %lt3A_680 = arith.cmpi ult, %sub3A_677, %lt3A_679 : vector<16xi32>
      %jit3A_681 = arith.constant 0 : i32
      %broadcast_in_dim3A_682 = vector.broadcast %jit3A_681 : i32 to vector<16xi32>
      %select_n3A_683 = arith.select %lt3A_680, %sub3A_677, %broadcast_in_dim3A_682 : vector<16xi1>, vector<16xi32>
      tpu.vector_store_idx %arg5[%select_n3A_683, %add3A_674], %broadcast_in_dim3A_3 masked %lt3A_680 : memref<200x128xf32, #tpu.memory_space<vmem>>[vector<16xi32>, vector<16xi32>], vector<16xf32>, vector<16xi1>
      %mul3A_684 = arith.constant 52429 : i32
      %mul3A_685 = arith.muli %add3A_563, %mul3A_684 : i32
      %shift_right_logical3A_686 = arith.constant 18 : i32
      %shift_right_logical3A_687 = arith.shrui %mul3A_685, %shift_right_logical3A_686 : i32
      %mul3A_688 = arith.constant 5 : i32
      %mul3A_689 = arith.muli %shift_right_logical3A_687, %mul3A_688 : i32
      %sub3A_690 = arith.subi %add3A_563, %mul3A_689 : i32
      %mul3A_691 = arith.constant 200 : i32
      %mul3A_692 = arith.muli %sub3A_690, %mul3A_691 : i32
      %broadcast_in_dim3A_693 = arith.constant 0 : i32
      %broadcast_in_dim3A_694 = vector.broadcast %broadcast_in_dim3A_693 : i32 to vector<16xi32>
      %add3A_695 = vector.broadcast %shift_right_logical3A_687 : i32 to vector<16xi32>
      %add3A_696 = arith.addi %broadcast_in_dim3A_694, %add3A_695 : vector<16xi32>
      %add3A_697 = arith.constant 0 : i32
      %add3A_698 = vector.broadcast %add3A_697 : i32 to vector<16xi32>
      %add3A_699 = arith.addi %iota3A, %add3A_698 : vector<16xi32>
      %gather3A_700 = tpu.vector_load_idx %arg4[%add3A_699, %add3A_696] : memref<128x20xi32, #tpu.memory_space<vmem>>[vector<16xi32>, vector<16xi32>], vector<16xi32>,
      %sub3A_701 = vector.broadcast %mul3A_692 : i32 to vector<16xi32>
      %sub3A_702 = arith.subi %gather3A_700, %sub3A_701 : vector<16xi32>
      %lt3A_703 = arith.constant 200 : i32
      %lt3A_704 = vector.broadcast %lt3A_703 : i32 to vector<16xi32>
      %lt3A_705 = arith.cmpi ult, %sub3A_702, %lt3A_704 : vector<16xi32>
      %jit3A_706 = arith.constant 0 : i32
      %broadcast_in_dim3A_707 = vector.broadcast %jit3A_706 : i32 to vector<16xi32>
      %select_n3A_708 = arith.select %lt3A_705, %sub3A_702, %broadcast_in_dim3A_707 : vector<16xi1>, vector<16xi32>
      tpu.vector_store_idx %arg5[%select_n3A_708, %add3A_699], %broadcast_in_dim3A_1 masked %lt3A_705 : memref<200x128xf32, #tpu.memory_space<vmem>>[vector<16xi32>, vector<16xi32>], vector<16xf32>, vector<16xi1>
      %add3A_709 = arith.constant 16 : i32
      %add3A_710 = vector.broadcast %add3A_709 : i32 to vector<16xi32>
      %add3A_711 = arith.addi %iota3A, %add3A_710 : vector<16xi32>
      %gather3A_712 = tpu.vector_load_idx %arg4[%add3A_711, %add3A_696] : memref<128x20xi32, #tpu.memory_space<vmem>>[vector<16xi32>, vector<16xi32>], vector<16xi32>,
      %sub3A_713 = vector.broadcast %mul3A_692 : i32 to vector<16xi32>
      %sub3A_714 = arith.subi %gather3A_712, %sub3A_713 : vector<16xi32>
      %lt3A_715 = arith.constant 200 : i32
      %lt3A_716 = vector.broadcast %lt3A_715 : i32 to vector<16xi32>
      %lt3A_717 = arith.cmpi ult, %sub3A_714, %lt3A_716 : vector<16xi32>
      %jit3A_718 = arith.constant 0 : i32
      %broadcast_in_dim3A_719 = vector.broadcast %jit3A_718 : i32 to vector<16xi32>
      %select_n3A_720 = arith.select %lt3A_717, %sub3A_714, %broadcast_in_dim3A_719 : vector<16xi1>, vector<16xi32>
      tpu.vector_store_idx %arg5[%select_n3A_720, %add3A_711], %broadcast_in_dim3A_1 masked %lt3A_717 : memref<200x128xf32, #tpu.memory_space<vmem>>[vector<16xi32>, vector<16xi32>], vector<16xf32>, vector<16xi1>
      %add3A_721 = arith.constant 32 : i32
      %add3A_722 = vector.broadcast %add3A_721 : i32 to vector<16xi32>
      %add3A_723 = arith.addi %iota3A, %add3A_722 : vector<16xi32>
      %gather3A_724 = tpu.vector_load_idx %arg4[%add3A_723, %add3A_696] : memref<128x20xi32, #tpu.memory_space<vmem>>[vector<16xi32>, vector<16xi32>], vector<16xi32>,
      %sub3A_725 = vector.broadcast %mul3A_692 : i32 to vector<16xi32>
      %sub3A_726 = arith.subi %gather3A_724, %sub3A_725 : vector<16xi32>
      %lt3A_727 = arith.constant 200 : i32
      %lt3A_728 = vector.broadcast %lt3A_727 : i32 to vector<16xi32>
      %lt3A_729 = arith.cmpi ult, %sub3A_726, %lt3A_728 : vector<16xi32>
      %jit3A_730 = arith.constant 0 : i32
      %broadcast_in_dim3A_731 = vector.broadcast %jit3A_730 : i32 to vector<16xi32>
      %select_n3A_732 = arith.select %lt3A_729, %sub3A_726, %broadcast_in_dim3A_731 : vector<16xi1>, vector<16xi32>
      tpu.vector_store_idx %arg5[%select_n3A_732, %add3A_723], %broadcast_in_dim3A_1 masked %lt3A_729 : memref<200x128xf32, #tpu.memory_space<vmem>>[vector<16xi32>, vector<16xi32>], vector<16xf32>, vector<16xi1>
      %add3A_733 = arith.constant 48 : i32
      %add3A_734 = vector.broadcast %add3A_733 : i32 to vector<16xi32>
      %add3A_735 = arith.addi %iota3A, %add3A_734 : vector<16xi32>
      %gather3A_736 = tpu.vector_load_idx %arg4[%add3A_735, %add3A_696] : memref<128x20xi32, #tpu.memory_space<vmem>>[vector<16xi32>, vector<16xi32>], vector<16xi32>,
      %sub3A_737 = vector.broadcast %mul3A_692 : i32 to vector<16xi32>
      %sub3A_738 = arith.subi %gather3A_736, %sub3A_737 : vector<16xi32>
      %lt3A_739 = arith.constant 200 : i32
      %lt3A_740 = vector.broadcast %lt3A_739 : i32 to vector<16xi32>
      %lt3A_741 = arith.cmpi ult, %sub3A_738, %lt3A_740 : vector<16xi32>
      %jit3A_742 = arith.constant 0 : i32
      %broadcast_in_dim3A_743 = vector.broadcast %jit3A_742 : i32 to vector<16xi32>
      %select_n3A_744 = arith.select %lt3A_741, %sub3A_738, %broadcast_in_dim3A_743 : vector<16xi1>, vector<16xi32>
      tpu.vector_store_idx %arg5[%select_n3A_744, %add3A_735], %broadcast_in_dim3A_1 masked %lt3A_741 : memref<200x128xf32, #tpu.memory_space<vmem>>[vector<16xi32>, vector<16xi32>], vector<16xf32>, vector<16xi1>
      %add3A_745 = arith.constant 64 : i32
      %add3A_746 = vector.broadcast %add3A_745 : i32 to vector<16xi32>
      %add3A_747 = arith.addi %iota3A, %add3A_746 : vector<16xi32>
      %gather3A_748 = tpu.vector_load_idx %arg4[%add3A_747, %add3A_696] : memref<128x20xi32, #tpu.memory_space<vmem>>[vector<16xi32>, vector<16xi32>], vector<16xi32>,
      %sub3A_749 = vector.broadcast %mul3A_692 : i32 to vector<16xi32>
      %sub3A_750 = arith.subi %gather3A_748, %sub3A_749 : vector<16xi32>
      %lt3A_751 = arith.constant 200 : i32
      %lt3A_752 = vector.broadcast %lt3A_751 : i32 to vector<16xi32>
      %lt3A_753 = arith.cmpi ult, %sub3A_750, %lt3A_752 : vector<16xi32>
      %jit3A_754 = arith.constant 0 : i32
      %broadcast_in_dim3A_755 = vector.broadcast %jit3A_754 : i32 to vector<16xi32>
      %select_n3A_756 = arith.select %lt3A_753, %sub3A_750, %broadcast_in_dim3A_755 : vector<16xi1>, vector<16xi32>
      tpu.vector_store_idx %arg5[%select_n3A_756, %add3A_747], %broadcast_in_dim3A_1 masked %lt3A_753 : memref<200x128xf32, #tpu.memory_space<vmem>>[vector<16xi32>, vector<16xi32>], vector<16xf32>, vector<16xi1>
      %add3A_757 = arith.constant 80 : i32
      %add3A_758 = vector.broadcast %add3A_757 : i32 to vector<16xi32>
      %add3A_759 = arith.addi %iota3A, %add3A_758 : vector<16xi32>
      %gather3A_760 = tpu.vector_load_idx %arg4[%add3A_759, %add3A_696] : memref<128x20xi32, #tpu.memory_space<vmem>>[vector<16xi32>, vector<16xi32>], vector<16xi32>,
      %sub3A_761 = vector.broadcast %mul3A_692 : i32 to vector<16xi32>
      %sub3A_762 = arith.subi %gather3A_760, %sub3A_761 : vector<16xi32>
      %lt3A_763 = arith.constant 200 : i32
      %lt3A_764 = vector.broadcast %lt3A_763 : i32 to vector<16xi32>
      %lt3A_765 = arith.cmpi ult, %sub3A_762, %lt3A_764 : vector<16xi32>
      %jit3A_766 = arith.constant 0 : i32
      %broadcast_in_dim3A_767 = vector.broadcast %jit3A_766 : i32 to vector<16xi32>
      %select_n3A_768 = arith.select %lt3A_765, %sub3A_762, %broadcast_in_dim3A_767 : vector<16xi1>, vector<16xi32>
      tpu.vector_store_idx %arg5[%select_n3A_768, %add3A_759], %broadcast_in_dim3A_1 masked %lt3A_765 : memref<200x128xf32, #tpu.memory_space<vmem>>[vector<16xi32>, vector<16xi32>], vector<16xf32>, vector<16xi1>
      %add3A_769 = arith.constant 96 : i32
      %add3A_770 = vector.broadcast %add3A_769 : i32 to vector<16xi32>
      %add3A_771 = arith.addi %iota3A, %add3A_770 : vector<16xi32>
      %gather3A_772 = tpu.vector_load_idx %arg4[%add3A_771, %add3A_696] : memref<128x20xi32, #tpu.memory_space<vmem>>[vector<16xi32>, vector<16xi32>], vector<16xi32>,
      %sub3A_773 = vector.broadcast %mul3A_692 : i32 to vector<16xi32>
      %sub3A_774 = arith.subi %gather3A_772, %sub3A_773 : vector<16xi32>
      %lt3A_775 = arith.constant 200 : i32
      %lt3A_776 = vector.broadcast %lt3A_775 : i32 to vector<16xi32>
      %lt3A_777 = arith.cmpi ult, %sub3A_774, %lt3A_776 : vector<16xi32>
      %jit3A_778 = arith.constant 0 : i32
      %broadcast_in_dim3A_779 = vector.broadcast %jit3A_778 : i32 to vector<16xi32>
      %select_n3A_780 = arith.select %lt3A_777, %sub3A_774, %broadcast_in_dim3A_779 : vector<16xi1>, vector<16xi32>
      tpu.vector_store_idx %arg5[%select_n3A_780, %add3A_771], %broadcast_in_dim3A_1 masked %lt3A_777 : memref<200x128xf32, #tpu.memory_space<vmem>>[vector<16xi32>, vector<16xi32>], vector<16xf32>, vector<16xi1>
      %add3A_781 = arith.constant 112 : i32
      %add3A_782 = vector.broadcast %add3A_781 : i32 to vector<16xi32>
      %add3A_783 = arith.addi %iota3A, %add3A_782 : vector<16xi32>
      %gather3A_784 = tpu.vector_load_idx %arg4[%add3A_783, %add3A_696] : memref<128x20xi32, #tpu.memory_space<vmem>>[vector<16xi32>, vector<16xi32>], vector<16xi32>,
      %sub3A_785 = vector.broadcast %mul3A_692 : i32 to vector<16xi32>
      %sub3A_786 = arith.subi %gather3A_784, %sub3A_785 : vector<16xi32>
      %lt3A_787 = arith.constant 200 : i32
      %lt3A_788 = vector.broadcast %lt3A_787 : i32 to vector<16xi32>
      %lt3A_789 = arith.cmpi ult, %sub3A_786, %lt3A_788 : vector<16xi32>
      %jit3A_790 = arith.constant 0 : i32
      %broadcast_in_dim3A_791 = vector.broadcast %jit3A_790 : i32 to vector<16xi32>
      %select_n3A_792 = arith.select %lt3A_789, %sub3A_786, %broadcast_in_dim3A_791 : vector<16xi1>, vector<16xi32>
      tpu.vector_store_idx %arg5[%select_n3A_792, %add3A_783], %broadcast_in_dim3A_1 masked %lt3A_789 : memref<200x128xf32, #tpu.memory_space<vmem>>[vector<16xi32>, vector<16xi32>], vector<16xf32>, vector<16xi1>
      %mul3A_793 = arith.constant 52429 : i32
      %mul3A_794 = arith.muli %add3A_563, %mul3A_793 : i32
      %shift_right_logical3A_795 = arith.constant 18 : i32
      %shift_right_logical3A_796 = arith.shrui %mul3A_794, %shift_right_logical3A_795 : i32
      %mul3A_797 = arith.constant 5 : i32
      %mul3A_798 = arith.muli %shift_right_logical3A_796, %mul3A_797 : i32
      %sub3A_799 = arith.subi %add3A_563, %mul3A_798 : i32
      %mul3A_800 = arith.constant 200 : i32
      %mul3A_801 = arith.muli %sub3A_799, %mul3A_800 : i32
      %mul3A_802 = arith.constant 128 : i32
      %mul3A_803 = arith.muli %add3A, %mul3A_802 : i32
      %dma_start3A_804 = tpu.memref_slice %arg3[%shift_right_logical3A_796, %mul3A_801, %mul3A_803] : memref<20x1000x4096xf32, #tpu.memory_space<hbm>> -> memref<1x200x128xf32, #tpu.memory_space<hbm>>
      %dma_start3A_805 = tpu.memref_squeeze %dma_start3A_804 : memref<1x200x128xf32, #tpu.memory_space<hbm>> -> memref<200x128xf32, #tpu.memory_space<hbm>>
      %dma_start3A_806 = tpu.memref_slice %arg3[%shift_right_logical3A_796, %mul3A_801, %mul3A_803] : memref<20x1000x4096xf32, #tpu.memory_space<hbm>> -> memref<1x200x128xf32, #tpu.memory_space<hbm>>
      %dma_start3A_807 = tpu.memref_squeeze %dma_start3A_806 : memref<1x200x128xf32, #tpu.memory_space<hbm>> -> memref<200x128xf32, #tpu.memory_space<hbm>>
      tpu.enqueue_dma source(%arg5 : memref<200x128xf32, #tpu.memory_space<vmem>>) target(%dma_start3A_807 : memref<200x128xf32, #tpu.memory_space<hbm>>) target_semaphore(%arg9 : memref<!tpu.dma_semaphore, #tpu.memory_space<semaphore_mem>>)
      %mul3A_808 = arith.constant 4 : i32
      %mul3A_809 = arith.muli %scan3A_559, %mul3A_808 : i32
      %add3A_810 = arith.constant 1 : i32
      %add3A_811 = arith.addi %mul3A_809, %add3A_810 : i32
      %dma_wait3A_812 = arith.constant 0 : i32
      %dma_wait3A_813 = arith.constant 0 : i32
      %dma_wait3A_814 = arith.constant 0 : i32
      %dma_wait3A_815 = tpu.memref_slice %arg3[%dma_wait3A_812, %dma_wait3A_813, %dma_wait3A_814] : memref<20x1000x4096xf32, #tpu.memory_space<hbm>> -> memref<1x200x128xf32, #tpu.memory_space<hbm>>
      %dma_wait3A_816 = tpu.memref_squeeze %dma_wait3A_815 : memref<1x200x128xf32, #tpu.memory_space<hbm>> -> memref<200x128xf32, #tpu.memory_space<hbm>>
      %dma_wait3A_817 = arith.constant 0 : i32
      %dma_wait3A_818 = arith.constant 0 : i32
      %dma_wait3A_819 = tpu.memref_slice %arg3[%dma_wait3A_812, %dma_wait3A_817, %dma_wait3A_818] : memref<20x1000x4096xf32, #tpu.memory_space<hbm>> -> memref<1x200x128xf32, #tpu.memory_space<hbm>>
      %dma_wait3A_820 = tpu.memref_squeeze %dma_wait3A_819 : memref<1x200x128xf32, #tpu.memory_space<hbm>> -> memref<200x128xf32, #tpu.memory_space<hbm>>
      tpu.wait_dma2 semaphore(%arg10 : memref<!tpu.dma_semaphore, #tpu.memory_space<semaphore_mem>>) src(%arg6 : memref<200x128xf32, #tpu.memory_space<vmem>>) dst(%dma_wait3A_820 : memref<200x128xf32, #tpu.memory_space<hbm>>)
      %sub3A_821 = arith.constant 4 : i32
      %sub3A_822 = arith.subi %add3A_811, %sub3A_821 : i32
      %mul3A_823 = arith.constant 52429 : i32
      %mul3A_824 = arith.muli %sub3A_822, %mul3A_823 : i32
      %shift_right_logical3A_825 = arith.constant 18 : i32
      %shift_right_logical3A_826 = arith.shrui %mul3A_824, %shift_right_logical3A_825 : i32
      %mul3A_827 = arith.constant 5 : i32
      %mul3A_828 = arith.muli %shift_right_logical3A_826, %mul3A_827 : i32
      %sub3A_829 = arith.subi %sub3A_822, %mul3A_828 : i32
      %mul3A_830 = arith.constant 200 : i32
      %mul3A_831 = arith.muli %sub3A_829, %mul3A_830 : i32
      %broadcast_in_dim3A_832 = arith.constant 0 : i32
      %broadcast_in_dim3A_833 = vector.broadcast %broadcast_in_dim3A_832 : i32 to vector<16xi32>
      %add3A_834 = vector.broadcast %shift_right_logical3A_826 : i32 to vector<16xi32>
      %add3A_835 = arith.addi %broadcast_in_dim3A_833, %add3A_834 : vector<16xi32>
      %add3A_836 = arith.constant 0 : i32
      %add3A_837 = vector.broadcast %add3A_836 : i32 to vector<16xi32>
      %add3A_838 = arith.addi %iota3A, %add3A_837 : vector<16xi32>
      %gather3A_839 = tpu.vector_load_idx %arg4[%add3A_838, %add3A_835] : memref<128x20xi32, #tpu.memory_space<vmem>>[vector<16xi32>, vector<16xi32>], vector<16xi32>,
      %sub3A_840 = vector.broadcast %mul3A_831 : i32 to vector<16xi32>
      %sub3A_841 = arith.subi %gather3A_839, %sub3A_840 : vector<16xi32>
      %lt3A_842 = arith.constant 200 : i32
      %lt3A_843 = vector.broadcast %lt3A_842 : i32 to vector<16xi32>
      %lt3A_844 = arith.cmpi ult, %sub3A_841, %lt3A_843 : vector<16xi32>
      %jit3A_845 = arith.constant 0 : i32
      %broadcast_in_dim3A_846 = vector.broadcast %jit3A_845 : i32 to vector<16xi32>
      %select_n3A_847 = arith.select %lt3A_844, %sub3A_841, %broadcast_in_dim3A_846 : vector<16xi1>, vector<16xi32>
      tpu.vector_store_idx %arg6[%select_n3A_847, %add3A_838], %broadcast_in_dim3A_3 masked %lt3A_844 : memref<200x128xf32, #tpu.memory_space<vmem>>[vector<16xi32>, vector<16xi32>], vector<16xf32>, vector<16xi1>
      %add3A_848 = arith.constant 16 : i32
      %add3A_849 = vector.broadcast %add3A_848 : i32 to vector<16xi32>
      %add3A_850 = arith.addi %iota3A, %add3A_849 : vector<16xi32>
      %gather3A_851 = tpu.vector_load_idx %arg4[%add3A_850, %add3A_835] : memref<128x20xi32, #tpu.memory_space<vmem>>[vector<16xi32>, vector<16xi32>], vector<16xi32>,
      %sub3A_852 = vector.broadcast %mul3A_831 : i32 to vector<16xi32>
      %sub3A_853 = arith.subi %gather3A_851, %sub3A_852 : vector<16xi32>
      %lt3A_854 = arith.constant 200 : i32
      %lt3A_855 = vector.broadcast %lt3A_854 : i32 to vector<16xi32>
      %lt3A_856 = arith.cmpi ult, %sub3A_853, %lt3A_855 : vector<16xi32>
      %jit3A_857 = arith.constant 0 : i32
      %broadcast_in_dim3A_858 = vector.broadcast %jit3A_857 : i32 to vector<16xi32>
      %select_n3A_859 = arith.select %lt3A_856, %sub3A_853, %broadcast_in_dim3A_858 : vector<16xi1>, vector<16xi32>
      tpu.vector_store_idx %arg6[%select_n3A_859, %add3A_850], %broadcast_in_dim3A_3 masked %lt3A_856 : memref<200x128xf32, #tpu.memory_space<vmem>>[vector<16xi32>, vector<16xi32>], vector<16xf32>, vector<16xi1>
      %add3A_860 = arith.constant 32 : i32
      %add3A_861 = vector.broadcast %add3A_860 : i32 to vector<16xi32>
      %add3A_862 = arith.addi %iota3A, %add3A_861 : vector<16xi32>
      %gather3A_863 = tpu.vector_load_idx %arg4[%add3A_862, %add3A_835] : memref<128x20xi32, #tpu.memory_space<vmem>>[vector<16xi32>, vector<16xi32>], vector<16xi32>,
      %sub3A_864 = vector.broadcast %mul3A_831 : i32 to vector<16xi32>
      %sub3A_865 = arith.subi %gather3A_863, %sub3A_864 : vector<16xi32>
      %lt3A_866 = arith.constant 200 : i32
      %lt3A_867 = vector.broadcast %lt3A_866 : i32 to vector<16xi32>
      %lt3A_868 = arith.cmpi ult, %sub3A_865, %lt3A_867 : vector<16xi32>
      %jit3A_869 = arith.constant 0 : i32
      %broadcast_in_dim3A_870 = vector.broadcast %jit3A_869 : i32 to vector<16xi32>
      %select_n3A_871 = arith.select %lt3A_868, %sub3A_865, %broadcast_in_dim3A_870 : vector<16xi1>, vector<16xi32>
      tpu.vector_store_idx %arg6[%select_n3A_871, %add3A_862], %broadcast_in_dim3A_3 masked %lt3A_868 : memref<200x128xf32, #tpu.memory_space<vmem>>[vector<16xi32>, vector<16xi32>], vector<16xf32>, vector<16xi1>
      %add3A_872 = arith.constant 48 : i32
      %add3A_873 = vector.broadcast %add3A_872 : i32 to vector<16xi32>
      %add3A_874 = arith.addi %iota3A, %add3A_873 : vector<16xi32>
      %gather3A_875 = tpu.vector_load_idx %arg4[%add3A_874, %add3A_835] : memref<128x20xi32, #tpu.memory_space<vmem>>[vector<16xi32>, vector<16xi32>], vector<16xi32>,
      %sub3A_876 = vector.broadcast %mul3A_831 : i32 to vector<16xi32>
      %sub3A_877 = arith.subi %gather3A_875, %sub3A_876 : vector<16xi32>
      %lt3A_878 = arith.constant 200 : i32
      %lt3A_879 = vector.broadcast %lt3A_878 : i32 to vector<16xi32>
      %lt3A_880 = arith.cmpi ult, %sub3A_877, %lt3A_879 : vector<16xi32>
      %jit3A_881 = arith.constant 0 : i32
      %broadcast_in_dim3A_882 = vector.broadcast %jit3A_881 : i32 to vector<16xi32>
      %select_n3A_883 = arith.select %lt3A_880, %sub3A_877, %broadcast_in_dim3A_882 : vector<16xi1>, vector<16xi32>
      tpu.vector_store_idx %arg6[%select_n3A_883, %add3A_874], %broadcast_in_dim3A_3 masked %lt3A_880 : memref<200x128xf32, #tpu.memory_space<vmem>>[vector<16xi32>, vector<16xi32>], vector<16xf32>, vector<16xi1>
      %add3A_884 = arith.constant 64 : i32
      %add3A_885 = vector.broadcast %add3A_884 : i32 to vector<16xi32>
      %add3A_886 = arith.addi %iota3A, %add3A_885 : vector<16xi32>
      %gather3A_887 = tpu.vector_load_idx %arg4[%add3A_886, %add3A_835] : memref<128x20xi32, #tpu.memory_space<vmem>>[vector<16xi32>, vector<16xi32>], vector<16xi32>,
      %sub3A_888 = vector.broadcast %mul3A_831 : i32 to vector<16xi32>
      %sub3A_889 = arith.subi %gather3A_887, %sub3A_888 : vector<16xi32>
      %lt3A_890 = arith.constant 200 : i32
      %lt3A_891 = vector.broadcast %lt3A_890 : i32 to vector<16xi32>
      %lt3A_892 = arith.cmpi ult, %sub3A_889, %lt3A_891 : vector<16xi32>
      %jit3A_893 = arith.constant 0 : i32
      %broadcast_in_dim3A_894 = vector.broadcast %jit3A_893 : i32 to vector<16xi32>
      %select_n3A_895 = arith.select %lt3A_892, %sub3A_889, %broadcast_in_dim3A_894 : vector<16xi1>, vector<16xi32>
      tpu.vector_store_idx %arg6[%select_n3A_895, %add3A_886], %broadcast_in_dim3A_3 masked %lt3A_892 : memref<200x128xf32, #tpu.memory_space<vmem>>[vector<16xi32>, vector<16xi32>], vector<16xf32>, vector<16xi1>
      %add3A_896 = arith.constant 80 : i32
      %add3A_897 = vector.broadcast %add3A_896 : i32 to vector<16xi32>
      %add3A_898 = arith.addi %iota3A, %add3A_897 : vector<16xi32>
      %gather3A_899 = tpu.vector_load_idx %arg4[%add3A_898, %add3A_835] : memref<128x20xi32, #tpu.memory_space<vmem>>[vector<16xi32>, vector<16xi32>], vector<16xi32>,
      %sub3A_900 = vector.broadcast %mul3A_831 : i32 to vector<16xi32>
      %sub3A_901 = arith.subi %gather3A_899, %sub3A_900 : vector<16xi32>
      %lt3A_902 = arith.constant 200 : i32
      %lt3A_903 = vector.broadcast %lt3A_902 : i32 to vector<16xi32>
      %lt3A_904 = arith.cmpi ult, %sub3A_901, %lt3A_903 : vector<16xi32>
      %jit3A_905 = arith.constant 0 : i32
      %broadcast_in_dim3A_906 = vector.broadcast %jit3A_905 : i32 to vector<16xi32>
      %select_n3A_907 = arith.select %lt3A_904, %sub3A_901, %broadcast_in_dim3A_906 : vector<16xi1>, vector<16xi32>
      tpu.vector_store_idx %arg6[%select_n3A_907, %add3A_898], %broadcast_in_dim3A_3 masked %lt3A_904 : memref<200x128xf32, #tpu.memory_space<vmem>>[vector<16xi32>, vector<16xi32>], vector<16xf32>, vector<16xi1>
      %add3A_908 = arith.constant 96 : i32
      %add3A_909 = vector.broadcast %add3A_908 : i32 to vector<16xi32>
      %add3A_910 = arith.addi %iota3A, %add3A_909 : vector<16xi32>
      %gather3A_911 = tpu.vector_load_idx %arg4[%add3A_910, %add3A_835] : memref<128x20xi32, #tpu.memory_space<vmem>>[vector<16xi32>, vector<16xi32>], vector<16xi32>,
      %sub3A_912 = vector.broadcast %mul3A_831 : i32 to vector<16xi32>
      %sub3A_913 = arith.subi %gather3A_911, %sub3A_912 : vector<16xi32>
      %lt3A_914 = arith.constant 200 : i32
      %lt3A_915 = vector.broadcast %lt3A_914 : i32 to vector<16xi32>
      %lt3A_916 = arith.cmpi ult, %sub3A_913, %lt3A_915 : vector<16xi32>
      %jit3A_917 = arith.constant 0 : i32
      %broadcast_in_dim3A_918 = vector.broadcast %jit3A_917 : i32 to vector<16xi32>
      %select_n3A_919 = arith.select %lt3A_916, %sub3A_913, %broadcast_in_dim3A_918 : vector<16xi1>, vector<16xi32>
      tpu.vector_store_idx %arg6[%select_n3A_919, %add3A_910], %broadcast_in_dim3A_3 masked %lt3A_916 : memref<200x128xf32, #tpu.memory_space<vmem>>[vector<16xi32>, vector<16xi32>], vector<16xf32>, vector<16xi1>
      %add3A_920 = arith.constant 112 : i32
      %add3A_921 = vector.broadcast %add3A_920 : i32 to vector<16xi32>
      %add3A_922 = arith.addi %iota3A, %add3A_921 : vector<16xi32>
      %gather3A_923 = tpu.vector_load_idx %arg4[%add3A_922, %add3A_835] : memref<128x20xi32, #tpu.memory_space<vmem>>[vector<16xi32>, vector<16xi32>], vector<16xi32>,
      %sub3A_924 = vector.broadcast %mul3A_831 : i32 to vector<16xi32>
      %sub3A_925 = arith.subi %gather3A_923, %sub3A_924 : vector<16xi32>
      %lt3A_926 = arith.constant 200 : i32
      %lt3A_927 = vector.broadcast %lt3A_926 : i32 to vector<16xi32>
      %lt3A_928 = arith.cmpi ult, %sub3A_925, %lt3A_927 : vector<16xi32>
      %jit3A_929 = arith.constant 0 : i32
      %broadcast_in_dim3A_930 = vector.broadcast %jit3A_929 : i32 to vector<16xi32>
      %select_n3A_931 = arith.select %lt3A_928, %sub3A_925, %broadcast_in_dim3A_930 : vector<16xi1>, vector<16xi32>
      tpu.vector_store_idx %arg6[%select_n3A_931, %add3A_922], %broadcast_in_dim3A_3 masked %lt3A_928 : memref<200x128xf32, #tpu.memory_space<vmem>>[vector<16xi32>, vector<16xi32>], vector<16xf32>, vector<16xi1>
      %mul3A_932 = arith.constant 52429 : i32
      %mul3A_933 = arith.muli %add3A_811, %mul3A_932 : i32
      %shift_right_logical3A_934 = arith.constant 18 : i32
      %shift_right_logical3A_935 = arith.shrui %mul3A_933, %shift_right_logical3A_934 : i32
      %mul3A_936 = arith.constant 5 : i32
      %mul3A_937 = arith.muli %shift_right_logical3A_935, %mul3A_936 : i32
      %sub3A_938 = arith.subi %add3A_811, %mul3A_937 : i32
      %mul3A_939 = arith.constant 200 : i32
      %mul3A_940 = arith.muli %sub3A_938, %mul3A_939 : i32
      %broadcast_in_dim3A_941 = arith.constant 0 : i32
      %broadcast_in_dim3A_942 = vector.broadcast %broadcast_in_dim3A_941 : i32 to vector<16xi32>
      %add3A_943 = vector.broadcast %shift_right_logical3A_935 : i32 to vector<16xi32>
      %add3A_944 = arith.addi %broadcast_in_dim3A_942, %add3A_943 : vector<16xi32>
      %add3A_945 = arith.constant 0 : i32
      %add3A_946 = vector.broadcast %add3A_945 : i32 to vector<16xi32>
      %add3A_947 = arith.addi %iota3A, %add3A_946 : vector<16xi32>
      %gather3A_948 = tpu.vector_load_idx %arg4[%add3A_947, %add3A_944] : memref<128x20xi32, #tpu.memory_space<vmem>>[vector<16xi32>, vector<16xi32>], vector<16xi32>,
      %sub3A_949 = vector.broadcast %mul3A_940 : i32 to vector<16xi32>
      %sub3A_950 = arith.subi %gather3A_948, %sub3A_949 : vector<16xi32>
      %lt3A_951 = arith.constant 200 : i32
      %lt3A_952 = vector.broadcast %lt3A_951 : i32 to vector<16xi32>
      %lt3A_953 = arith.cmpi ult, %sub3A_950, %lt3A_952 : vector<16xi32>
      %jit3A_954 = arith.constant 0 : i32
      %broadcast_in_dim3A_955 = vector.broadcast %jit3A_954 : i32 to vector<16xi32>
      %select_n3A_956 = arith.select %lt3A_953, %sub3A_950, %broadcast_in_dim3A_955 : vector<16xi1>, vector<16xi32>
      tpu.vector_store_idx %arg6[%select_n3A_956, %add3A_947], %broadcast_in_dim3A_1 masked %lt3A_953 : memref<200x128xf32, #tpu.memory_space<vmem>>[vector<16xi32>, vector<16xi32>], vector<16xf32>, vector<16xi1>
      %add3A_957 = arith.constant 16 : i32
      %add3A_958 = vector.broadcast %add3A_957 : i32 to vector<16xi32>
      %add3A_959 = arith.addi %iota3A, %add3A_958 : vector<16xi32>
      %gather3A_960 = tpu.vector_load_idx %arg4[%add3A_959, %add3A_944] : memref<128x20xi32, #tpu.memory_space<vmem>>[vector<16xi32>, vector<16xi32>], vector<16xi32>,
      %sub3A_961 = vector.broadcast %mul3A_940 : i32 to vector<16xi32>
      %sub3A_962 = arith.subi %gather3A_960, %sub3A_961 : vector<16xi32>
      %lt3A_963 = arith.constant 200 : i32
      %lt3A_964 = vector.broadcast %lt3A_963 : i32 to vector<16xi32>
      %lt3A_965 = arith.cmpi ult, %sub3A_962, %lt3A_964 : vector<16xi32>
      %jit3A_966 = arith.constant 0 : i32
      %broadcast_in_dim3A_967 = vector.broadcast %jit3A_966 : i32 to vector<16xi32>
      %select_n3A_968 = arith.select %lt3A_965, %sub3A_962, %broadcast_in_dim3A_967 : vector<16xi1>, vector<16xi32>
      tpu.vector_store_idx %arg6[%select_n3A_968, %add3A_959], %broadcast_in_dim3A_1 masked %lt3A_965 : memref<200x128xf32, #tpu.memory_space<vmem>>[vector<16xi32>, vector<16xi32>], vector<16xf32>, vector<16xi1>
      %add3A_969 = arith.constant 32 : i32
      %add3A_970 = vector.broadcast %add3A_969 : i32 to vector<16xi32>
      %add3A_971 = arith.addi %iota3A, %add3A_970 : vector<16xi32>
      %gather3A_972 = tpu.vector_load_idx %arg4[%add3A_971, %add3A_944] : memref<128x20xi32, #tpu.memory_space<vmem>>[vector<16xi32>, vector<16xi32>], vector<16xi32>,
      %sub3A_973 = vector.broadcast %mul3A_940 : i32 to vector<16xi32>
      %sub3A_974 = arith.subi %gather3A_972, %sub3A_973 : vector<16xi32>
      %lt3A_975 = arith.constant 200 : i32
      %lt3A_976 = vector.broadcast %lt3A_975 : i32 to vector<16xi32>
      %lt3A_977 = arith.cmpi ult, %sub3A_974, %lt3A_976 : vector<16xi32>
      %jit3A_978 = arith.constant 0 : i32
      %broadcast_in_dim3A_979 = vector.broadcast %jit3A_978 : i32 to vector<16xi32>
      %select_n3A_980 = arith.select %lt3A_977, %sub3A_974, %broadcast_in_dim3A_979 : vector<16xi1>, vector<16xi32>
      tpu.vector_store_idx %arg6[%select_n3A_980, %add3A_971], %broadcast_in_dim3A_1 masked %lt3A_977 : memref<200x128xf32, #tpu.memory_space<vmem>>[vector<16xi32>, vector<16xi32>], vector<16xf32>, vector<16xi1>
      %add3A_981 = arith.constant 48 : i32
      %add3A_982 = vector.broadcast %add3A_981 : i32 to vector<16xi32>
      %add3A_983 = arith.addi %iota3A, %add3A_982 : vector<16xi32>
      %gather3A_984 = tpu.vector_load_idx %arg4[%add3A_983, %add3A_944] : memref<128x20xi32, #tpu.memory_space<vmem>>[vector<16xi32>, vector<16xi32>], vector<16xi32>,
      %sub3A_985 = vector.broadcast %mul3A_940 : i32 to vector<16xi32>
      %sub3A_986 = arith.subi %gather3A_984, %sub3A_985 : vector<16xi32>
      %lt3A_987 = arith.constant 200 : i32
      %lt3A_988 = vector.broadcast %lt3A_987 : i32 to vector<16xi32>
      %lt3A_989 = arith.cmpi ult, %sub3A_986, %lt3A_988 : vector<16xi32>
      %jit3A_990 = arith.constant 0 : i32
      %broadcast_in_dim3A_991 = vector.broadcast %jit3A_990 : i32 to vector<16xi32>
      %select_n3A_992 = arith.select %lt3A_989, %sub3A_986, %broadcast_in_dim3A_991 : vector<16xi1>, vector<16xi32>
      tpu.vector_store_idx %arg6[%select_n3A_992, %add3A_983], %broadcast_in_dim3A_1 masked %lt3A_989 : memref<200x128xf32, #tpu.memory_space<vmem>>[vector<16xi32>, vector<16xi32>], vector<16xf32>, vector<16xi1>
      %add3A_993 = arith.constant 64 : i32
      %add3A_994 = vector.broadcast %add3A_993 : i32 to vector<16xi32>
      %add3A_995 = arith.addi %iota3A, %add3A_994 : vector<16xi32>
      %gather3A_996 = tpu.vector_load_idx %arg4[%add3A_995, %add3A_944] : memref<128x20xi32, #tpu.memory_space<vmem>>[vector<16xi32>, vector<16xi32>], vector<16xi32>,
      %sub3A_997 = vector.broadcast %mul3A_940 : i32 to vector<16xi32>
      %sub3A_998 = arith.subi %gather3A_996, %sub3A_997 : vector<16xi32>
      %lt3A_999 = arith.constant 200 : i32
      %lt3A_1000 = vector.broadcast %lt3A_999 : i32 to vector<16xi32>
      %lt3A_1001 = arith.cmpi ult, %sub3A_998, %lt3A_1000 : vector<16xi32>
      %jit3A_1002 = arith.constant 0 : i32
      %broadcast_in_dim3A_1003 = vector.broadcast %jit3A_1002 : i32 to vector<16xi32>
      %select_n3A_1004 = arith.select %lt3A_1001, %sub3A_998, %broadcast_in_dim3A_1003 : vector<16xi1>, vector<16xi32>
      tpu.vector_store_idx %arg6[%select_n3A_1004, %add3A_995], %broadcast_in_dim3A_1 masked %lt3A_1001 : memref<200x128xf32, #tpu.memory_space<vmem>>[vector<16xi32>, vector<16xi32>], vector<16xf32>, vector<16xi1>
      %add3A_1005 = arith.constant 80 : i32
      %add3A_1006 = vector.broadcast %add3A_1005 : i32 to vector<16xi32>
      %add3A_1007 = arith.addi %iota3A, %add3A_1006 : vector<16xi32>
      %gather3A_1008 = tpu.vector_load_idx %arg4[%add3A_1007, %add3A_944] : memref<128x20xi32, #tpu.memory_space<vmem>>[vector<16xi32>, vector<16xi32>], vector<16xi32>,
      %sub3A_1009 = vector.broadcast %mul3A_940 : i32 to vector<16xi32>
      %sub3A_1010 = arith.subi %gather3A_1008, %sub3A_1009 : vector<16xi32>
      %lt3A_1011 = arith.constant 200 : i32
      %lt3A_1012 = vector.broadcast %lt3A_1011 : i32 to vector<16xi32>
      %lt3A_1013 = arith.cmpi ult, %sub3A_1010, %lt3A_1012 : vector<16xi32>
      %jit3A_1014 = arith.constant 0 : i32
      %broadcast_in_dim3A_1015 = vector.broadcast %jit3A_1014 : i32 to vector<16xi32>
      %select_n3A_1016 = arith.select %lt3A_1013, %sub3A_1010, %broadcast_in_dim3A_1015 : vector<16xi1>, vector<16xi32>
      tpu.vector_store_idx %arg6[%select_n3A_1016, %add3A_1007], %broadcast_in_dim3A_1 masked %lt3A_1013 : memref<200x128xf32, #tpu.memory_space<vmem>>[vector<16xi32>, vector<16xi32>], vector<16xf32>, vector<16xi1>
      %add3A_1017 = arith.constant 96 : i32
      %add3A_1018 = vector.broadcast %add3A_1017 : i32 to vector<16xi32>
      %add3A_1019 = arith.addi %iota3A, %add3A_1018 : vector<16xi32>
      %gather3A_1020 = tpu.vector_load_idx %arg4[%add3A_1019, %add3A_944] : memref<128x20xi32, #tpu.memory_space<vmem>>[vector<16xi32>, vector<16xi32>], vector<16xi32>,
      %sub3A_1021 = vector.broadcast %mul3A_940 : i32 to vector<16xi32>
      %sub3A_1022 = arith.subi %gather3A_1020, %sub3A_1021 : vector<16xi32>
      %lt3A_1023 = arith.constant 200 : i32
      %lt3A_1024 = vector.broadcast %lt3A_1023 : i32 to vector<16xi32>
      %lt3A_1025 = arith.cmpi ult, %sub3A_1022, %lt3A_1024 : vector<16xi32>
      %jit3A_1026 = arith.constant 0 : i32
      %broadcast_in_dim3A_1027 = vector.broadcast %jit3A_1026 : i32 to vector<16xi32>
      %select_n3A_1028 = arith.select %lt3A_1025, %sub3A_1022, %broadcast_in_dim3A_1027 : vector<16xi1>, vector<16xi32>
      tpu.vector_store_idx %arg6[%select_n3A_1028, %add3A_1019], %broadcast_in_dim3A_1 masked %lt3A_1025 : memref<200x128xf32, #tpu.memory_space<vmem>>[vector<16xi32>, vector<16xi32>], vector<16xf32>, vector<16xi1>
      %add3A_1029 = arith.constant 112 : i32
      %add3A_1030 = vector.broadcast %add3A_1029 : i32 to vector<16xi32>
      %add3A_1031 = arith.addi %iota3A, %add3A_1030 : vector<16xi32>
      %gather3A_1032 = tpu.vector_load_idx %arg4[%add3A_1031, %add3A_944] : memref<128x20xi32, #tpu.memory_space<vmem>>[vector<16xi32>, vector<16xi32>], vector<16xi32>,
      %sub3A_1033 = vector.broadcast %mul3A_940 : i32 to vector<16xi32>
      %sub3A_1034 = arith.subi %gather3A_1032, %sub3A_1033 : vector<16xi32>
      %lt3A_1035 = arith.constant 200 : i32
      %lt3A_1036 = vector.broadcast %lt3A_1035 : i32 to vector<16xi32>
      %lt3A_1037 = arith.cmpi ult, %sub3A_1034, %lt3A_1036 : vector<16xi32>
      %jit3A_1038 = arith.constant 0 : i32
      %broadcast_in_dim3A_1039 = vector.broadcast %jit3A_1038 : i32 to vector<16xi32>
      %select_n3A_1040 = arith.select %lt3A_1037, %sub3A_1034, %broadcast_in_dim3A_1039 : vector<16xi1>, vector<16xi32>
      tpu.vector_store_idx %arg6[%select_n3A_1040, %add3A_1031], %broadcast_in_dim3A_1 masked %lt3A_1037 : memref<200x128xf32, #tpu.memory_space<vmem>>[vector<16xi32>, vector<16xi32>], vector<16xf32>, vector<16xi1>
      %mul3A_1041 = arith.constant 52429 : i32
      %mul3A_1042 = arith.muli %add3A_811, %mul3A_1041 : i32
      %shift_right_logical3A_1043 = arith.constant 18 : i32
      %shift_right_logical3A_1044 = arith.shrui %mul3A_1042, %shift_right_logical3A_1043 : i32
      %mul3A_1045 = arith.constant 5 : i32
      %mul3A_1046 = arith.muli %shift_right_logical3A_1044, %mul3A_1045 : i32
      %sub3A_1047 = arith.subi %add3A_811, %mul3A_1046 : i32
      %mul3A_1048 = arith.constant 200 : i32
      %mul3A_1049 = arith.muli %sub3A_1047, %mul3A_1048 : i32
      %mul3A_1050 = arith.constant 128 : i32
      %mul3A_1051 = arith.muli %add3A, %mul3A_1050 : i32
      %dma_start3A_1052 = tpu.memref_slice %arg3[%shift_right_logical3A_1044, %mul3A_1049, %mul3A_1051] : memref<20x1000x4096xf32, #tpu.memory_space<hbm>> -> memref<1x200x128xf32, #tpu.memory_space<hbm>>
      %dma_start3A_1053 = tpu.memref_squeeze %dma_start3A_1052 : memref<1x200x128xf32, #tpu.memory_space<hbm>> -> memref<200x128xf32, #tpu.memory_space<hbm>>
      %dma_start3A_1054 = tpu.memref_slice %arg3[%shift_right_logical3A_1044, %mul3A_1049, %mul3A_1051] : memref<20x1000x4096xf32, #tpu.memory_space<hbm>> -> memref<1x200x128xf32, #tpu.memory_space<hbm>>
      %dma_start3A_1055 = tpu.memref_squeeze %dma_start3A_1054 : memref<1x200x128xf32, #tpu.memory_space<hbm>> -> memref<200x128xf32, #tpu.memory_space<hbm>>
      tpu.enqueue_dma source(%arg6 : memref<200x128xf32, #tpu.memory_space<vmem>>) target(%dma_start3A_1055 : memref<200x128xf32, #tpu.memory_space<hbm>>) target_semaphore(%arg10 : memref<!tpu.dma_semaphore, #tpu.memory_space<semaphore_mem>>)
      %mul3A_1056 = arith.constant 4 : i32
      %mul3A_1057 = arith.muli %scan3A_559, %mul3A_1056 : i32
      %add3A_1058 = arith.constant 2 : i32
      %add3A_1059 = arith.addi %mul3A_1057, %add3A_1058 : i32
      %dma_wait3A_1060 = arith.constant 0 : i32
      %dma_wait3A_1061 = arith.constant 0 : i32
      %dma_wait3A_1062 = arith.constant 0 : i32
      %dma_wait3A_1063 = tpu.memref_slice %arg3[%dma_wait3A_1060, %dma_wait3A_1061, %dma_wait3A_1062] : memref<20x1000x4096xf32, #tpu.memory_space<hbm>> -> memref<1x200x128xf32, #tpu.memory_space<hbm>>
      %dma_wait3A_1064 = tpu.memref_squeeze %dma_wait3A_1063 : memref<1x200x128xf32, #tpu.memory_space<hbm>> -> memref<200x128xf32, #tpu.memory_space<hbm>>
      %dma_wait3A_1065 = arith.constant 0 : i32
      %dma_wait3A_1066 = arith.constant 0 : i32
      %dma_wait3A_1067 = tpu.memref_slice %arg3[%dma_wait3A_1060, %dma_wait3A_1065, %dma_wait3A_1066] : memref<20x1000x4096xf32, #tpu.memory_space<hbm>> -> memref<1x200x128xf32, #tpu.memory_space<hbm>>
      %dma_wait3A_1068 = tpu.memref_squeeze %dma_wait3A_1067 : memref<1x200x128xf32, #tpu.memory_space<hbm>> -> memref<200x128xf32, #tpu.memory_space<hbm>>
      tpu.wait_dma2 semaphore(%arg11 : memref<!tpu.dma_semaphore, #tpu.memory_space<semaphore_mem>>) src(%arg7 : memref<200x128xf32, #tpu.memory_space<vmem>>) dst(%dma_wait3A_1068 : memref<200x128xf32, #tpu.memory_space<hbm>>)
      %sub3A_1069 = arith.constant 4 : i32
      %sub3A_1070 = arith.subi %add3A_1059, %sub3A_1069 : i32
      %mul3A_1071 = arith.constant 52429 : i32
      %mul3A_1072 = arith.muli %sub3A_1070, %mul3A_1071 : i32
      %shift_right_logical3A_1073 = arith.constant 18 : i32
      %shift_right_logical3A_1074 = arith.shrui %mul3A_1072, %shift_right_logical3A_1073 : i32
      %mul3A_1075 = arith.constant 5 : i32
      %mul3A_1076 = arith.muli %shift_right_logical3A_1074, %mul3A_1075 : i32
      %sub3A_1077 = arith.subi %sub3A_1070, %mul3A_1076 : i32
      %mul3A_1078 = arith.constant 200 : i32
      %mul3A_1079 = arith.muli %sub3A_1077, %mul3A_1078 : i32
      %broadcast_in_dim3A_1080 = arith.constant 0 : i32
      %broadcast_in_dim3A_1081 = vector.broadcast %broadcast_in_dim3A_1080 : i32 to vector<16xi32>
      %add3A_1082 = vector.broadcast %shift_right_logical3A_1074 : i32 to vector<16xi32>
      %add3A_1083 = arith.addi %broadcast_in_dim3A_1081, %add3A_1082 : vector<16xi32>
      %add3A_1084 = arith.constant 0 : i32
      %add3A_1085 = vector.broadcast %add3A_1084 : i32 to vector<16xi32>
      %add3A_1086 = arith.addi %iota3A, %add3A_1085 : vector<16xi32>
      %gather3A_1087 = tpu.vector_load_idx %arg4[%add3A_1086, %add3A_1083] : memref<128x20xi32, #tpu.memory_space<vmem>>[vector<16xi32>, vector<16xi32>], vector<16xi32>,
      %sub3A_1088 = vector.broadcast %mul3A_1079 : i32 to vector<16xi32>
      %sub3A_1089 = arith.subi %gather3A_1087, %sub3A_1088 : vector<16xi32>
      %lt3A_1090 = arith.constant 200 : i32
      %lt3A_1091 = vector.broadcast %lt3A_1090 : i32 to vector<16xi32>
      %lt3A_1092 = arith.cmpi ult, %sub3A_1089, %lt3A_1091 : vector<16xi32>
      %jit3A_1093 = arith.constant 0 : i32
      %broadcast_in_dim3A_1094 = vector.broadcast %jit3A_1093 : i32 to vector<16xi32>
      %select_n3A_1095 = arith.select %lt3A_1092, %sub3A_1089, %broadcast_in_dim3A_1094 : vector<16xi1>, vector<16xi32>
      tpu.vector_store_idx %arg7[%select_n3A_1095, %add3A_1086], %broadcast_in_dim3A_3 masked %lt3A_1092 : memref<200x128xf32, #tpu.memory_space<vmem>>[vector<16xi32>, vector<16xi32>], vector<16xf32>, vector<16xi1>
      %add3A_1096 = arith.constant 16 : i32
      %add3A_1097 = vector.broadcast %add3A_1096 : i32 to vector<16xi32>
      %add3A_1098 = arith.addi %iota3A, %add3A_1097 : vector<16xi32>
      %gather3A_1099 = tpu.vector_load_idx %arg4[%add3A_1098, %add3A_1083] : memref<128x20xi32, #tpu.memory_space<vmem>>[vector<16xi32>, vector<16xi32>], vector<16xi32>,
      %sub3A_1100 = vector.broadcast %mul3A_1079 : i32 to vector<16xi32>
      %sub3A_1101 = arith.subi %gather3A_1099, %sub3A_1100 : vector<16xi32>
      %lt3A_1102 = arith.constant 200 : i32
      %lt3A_1103 = vector.broadcast %lt3A_1102 : i32 to vector<16xi32>
      %lt3A_1104 = arith.cmpi ult, %sub3A_1101, %lt3A_1103 : vector<16xi32>
      %jit3A_1105 = arith.constant 0 : i32
      %broadcast_in_dim3A_1106 = vector.broadcast %jit3A_1105 : i32 to vector<16xi32>
      %select_n3A_1107 = arith.select %lt3A_1104, %sub3A_1101, %broadcast_in_dim3A_1106 : vector<16xi1>, vector<16xi32>
      tpu.vector_store_idx %arg7[%select_n3A_1107, %add3A_1098], %broadcast_in_dim3A_3 masked %lt3A_1104 : memref<200x128xf32, #tpu.memory_space<vmem>>[vector<16xi32>, vector<16xi32>], vector<16xf32>, vector<16xi1>
      %add3A_1108 = arith.constant 32 : i32
      %add3A_1109 = vector.broadcast %add3A_1108 : i32 to vector<16xi32>
      %add3A_1110 = arith.addi %iota3A, %add3A_1109 : vector<16xi32>
      %gather3A_1111 = tpu.vector_load_idx %arg4[%add3A_1110, %add3A_1083] : memref<128x20xi32, #tpu.memory_space<vmem>>[vector<16xi32>, vector<16xi32>], vector<16xi32>,
      %sub3A_1112 = vector.broadcast %mul3A_1079 : i32 to vector<16xi32>
      %sub3A_1113 = arith.subi %gather3A_1111, %sub3A_1112 : vector<16xi32>
      %lt3A_1114 = arith.constant 200 : i32
      %lt3A_1115 = vector.broadcast %lt3A_1114 : i32 to vector<16xi32>
      %lt3A_1116 = arith.cmpi ult, %sub3A_1113, %lt3A_1115 : vector<16xi32>
      %jit3A_1117 = arith.constant 0 : i32
      %broadcast_in_dim3A_1118 = vector.broadcast %jit3A_1117 : i32 to vector<16xi32>
      %select_n3A_1119 = arith.select %lt3A_1116, %sub3A_1113, %broadcast_in_dim3A_1118 : vector<16xi1>, vector<16xi32>
      tpu.vector_store_idx %arg7[%select_n3A_1119, %add3A_1110], %broadcast_in_dim3A_3 masked %lt3A_1116 : memref<200x128xf32, #tpu.memory_space<vmem>>[vector<16xi32>, vector<16xi32>], vector<16xf32>, vector<16xi1>
      %add3A_1120 = arith.constant 48 : i32
      %add3A_1121 = vector.broadcast %add3A_1120 : i32 to vector<16xi32>
      %add3A_1122 = arith.addi %iota3A, %add3A_1121 : vector<16xi32>
      %gather3A_1123 = tpu.vector_load_idx %arg4[%add3A_1122, %add3A_1083] : memref<128x20xi32, #tpu.memory_space<vmem>>[vector<16xi32>, vector<16xi32>], vector<16xi32>,
      %sub3A_1124 = vector.broadcast %mul3A_1079 : i32 to vector<16xi32>
      %sub3A_1125 = arith.subi %gather3A_1123, %sub3A_1124 : vector<16xi32>
      %lt3A_1126 = arith.constant 200 : i32
      %lt3A_1127 = vector.broadcast %lt3A_1126 : i32 to vector<16xi32>
      %lt3A_1128 = arith.cmpi ult, %sub3A_1125, %lt3A_1127 : vector<16xi32>
      %jit3A_1129 = arith.constant 0 : i32
      %broadcast_in_dim3A_1130 = vector.broadcast %jit3A_1129 : i32 to vector<16xi32>
      %select_n3A_1131 = arith.select %lt3A_1128, %sub3A_1125, %broadcast_in_dim3A_1130 : vector<16xi1>, vector<16xi32>
      tpu.vector_store_idx %arg7[%select_n3A_1131, %add3A_1122], %broadcast_in_dim3A_3 masked %lt3A_1128 : memref<200x128xf32, #tpu.memory_space<vmem>>[vector<16xi32>, vector<16xi32>], vector<16xf32>, vector<16xi1>
      %add3A_1132 = arith.constant 64 : i32
      %add3A_1133 = vector.broadcast %add3A_1132 : i32 to vector<16xi32>
      %add3A_1134 = arith.addi %iota3A, %add3A_1133 : vector<16xi32>
      %gather3A_1135 = tpu.vector_load_idx %arg4[%add3A_1134, %add3A_1083] : memref<128x20xi32, #tpu.memory_space<vmem>>[vector<16xi32>, vector<16xi32>], vector<16xi32>,
      %sub3A_1136 = vector.broadcast %mul3A_1079 : i32 to vector<16xi32>
      %sub3A_1137 = arith.subi %gather3A_1135, %sub3A_1136 : vector<16xi32>
      %lt3A_1138 = arith.constant 200 : i32
      %lt3A_1139 = vector.broadcast %lt3A_1138 : i32 to vector<16xi32>
      %lt3A_1140 = arith.cmpi ult, %sub3A_1137, %lt3A_1139 : vector<16xi32>
      %jit3A_1141 = arith.constant 0 : i32
      %broadcast_in_dim3A_1142 = vector.broadcast %jit3A_1141 : i32 to vector<16xi32>
      %select_n3A_1143 = arith.select %lt3A_1140, %sub3A_1137, %broadcast_in_dim3A_1142 : vector<16xi1>, vector<16xi32>
      tpu.vector_store_idx %arg7[%select_n3A_1143, %add3A_1134], %broadcast_in_dim3A_3 masked %lt3A_1140 : memref<200x128xf32, #tpu.memory_space<vmem>>[vector<16xi32>, vector<16xi32>], vector<16xf32>, vector<16xi1>
      %add3A_1144 = arith.constant 80 : i32
      %add3A_1145 = vector.broadcast %add3A_1144 : i32 to vector<16xi32>
      %add3A_1146 = arith.addi %iota3A, %add3A_1145 : vector<16xi32>
      %gather3A_1147 = tpu.vector_load_idx %arg4[%add3A_1146, %add3A_1083] : memref<128x20xi32, #tpu.memory_space<vmem>>[vector<16xi32>, vector<16xi32>], vector<16xi32>,
      %sub3A_1148 = vector.broadcast %mul3A_1079 : i32 to vector<16xi32>
      %sub3A_1149 = arith.subi %gather3A_1147, %sub3A_1148 : vector<16xi32>
      %lt3A_1150 = arith.constant 200 : i32
      %lt3A_1151 = vector.broadcast %lt3A_1150 : i32 to vector<16xi32>
      %lt3A_1152 = arith.cmpi ult, %sub3A_1149, %lt3A_1151 : vector<16xi32>
      %jit3A_1153 = arith.constant 0 : i32
      %broadcast_in_dim3A_1154 = vector.broadcast %jit3A_1153 : i32 to vector<16xi32>
      %select_n3A_1155 = arith.select %lt3A_1152, %sub3A_1149, %broadcast_in_dim3A_1154 : vector<16xi1>, vector<16xi32>
      tpu.vector_store_idx %arg7[%select_n3A_1155, %add3A_1146], %broadcast_in_dim3A_3 masked %lt3A_1152 : memref<200x128xf32, #tpu.memory_space<vmem>>[vector<16xi32>, vector<16xi32>], vector<16xf32>, vector<16xi1>
      %add3A_1156 = arith.constant 96 : i32
      %add3A_1157 = vector.broadcast %add3A_1156 : i32 to vector<16xi32>
      %add3A_1158 = arith.addi %iota3A, %add3A_1157 : vector<16xi32>
      %gather3A_1159 = tpu.vector_load_idx %arg4[%add3A_1158, %add3A_1083] : memref<128x20xi32, #tpu.memory_space<vmem>>[vector<16xi32>, vector<16xi32>], vector<16xi32>,
      %sub3A_1160 = vector.broadcast %mul3A_1079 : i32 to vector<16xi32>
      %sub3A_1161 = arith.subi %gather3A_1159, %sub3A_1160 : vector<16xi32>
      %lt3A_1162 = arith.constant 200 : i32
      %lt3A_1163 = vector.broadcast %lt3A_1162 : i32 to vector<16xi32>
      %lt3A_1164 = arith.cmpi ult, %sub3A_1161, %lt3A_1163 : vector<16xi32>
      %jit3A_1165 = arith.constant 0 : i32
      %broadcast_in_dim3A_1166 = vector.broadcast %jit3A_1165 : i32 to vector<16xi32>
      %select_n3A_1167 = arith.select %lt3A_1164, %sub3A_1161, %broadcast_in_dim3A_1166 : vector<16xi1>, vector<16xi32>
      tpu.vector_store_idx %arg7[%select_n3A_1167, %add3A_1158], %broadcast_in_dim3A_3 masked %lt3A_1164 : memref<200x128xf32, #tpu.memory_space<vmem>>[vector<16xi32>, vector<16xi32>], vector<16xf32>, vector<16xi1>
      %add3A_1168 = arith.constant 112 : i32
      %add3A_1169 = vector.broadcast %add3A_1168 : i32 to vector<16xi32>
      %add3A_1170 = arith.addi %iota3A, %add3A_1169 : vector<16xi32>
      %gather3A_1171 = tpu.vector_load_idx %arg4[%add3A_1170, %add3A_1083] : memref<128x20xi32, #tpu.memory_space<vmem>>[vector<16xi32>, vector<16xi32>], vector<16xi32>,
      %sub3A_1172 = vector.broadcast %mul3A_1079 : i32 to vector<16xi32>
      %sub3A_1173 = arith.subi %gather3A_1171, %sub3A_1172 : vector<16xi32>
      %lt3A_1174 = arith.constant 200 : i32
      %lt3A_1175 = vector.broadcast %lt3A_1174 : i32 to vector<16xi32>
      %lt3A_1176 = arith.cmpi ult, %sub3A_1173, %lt3A_1175 : vector<16xi32>
      %jit3A_1177 = arith.constant 0 : i32
      %broadcast_in_dim3A_1178 = vector.broadcast %jit3A_1177 : i32 to vector<16xi32>
      %select_n3A_1179 = arith.select %lt3A_1176, %sub3A_1173, %broadcast_in_dim3A_1178 : vector<16xi1>, vector<16xi32>
      tpu.vector_store_idx %arg7[%select_n3A_1179, %add3A_1170], %broadcast_in_dim3A_3 masked %lt3A_1176 : memref<200x128xf32, #tpu.memory_space<vmem>>[vector<16xi32>, vector<16xi32>], vector<16xf32>, vector<16xi1>
      %mul3A_1180 = arith.constant 52429 : i32
      %mul3A_1181 = arith.muli %add3A_1059, %mul3A_1180 : i32
      %shift_right_logical3A_1182 = arith.constant 18 : i32
      %shift_right_logical3A_1183 = arith.shrui %mul3A_1181, %shift_right_logical3A_1182 : i32
      %mul3A_1184 = arith.constant 5 : i32
      %mul3A_1185 = arith.muli %shift_right_logical3A_1183, %mul3A_1184 : i32
      %sub3A_1186 = arith.subi %add3A_1059, %mul3A_1185 : i32
      %mul3A_1187 = arith.constant 200 : i32
      %mul3A_1188 = arith.muli %sub3A_1186, %mul3A_1187 : i32
      %broadcast_in_dim3A_1189 = arith.constant 0 : i32
      %broadcast_in_dim3A_1190 = vector.broadcast %broadcast_in_dim3A_1189 : i32 to vector<16xi32>
      %add3A_1191 = vector.broadcast %shift_right_logical3A_1183 : i32 to vector<16xi32>
      %add3A_1192 = arith.addi %broadcast_in_dim3A_1190, %add3A_1191 : vector<16xi32>
      %add3A_1193 = arith.constant 0 : i32
      %add3A_1194 = vector.broadcast %add3A_1193 : i32 to vector<16xi32>
      %add3A_1195 = arith.addi %iota3A, %add3A_1194 : vector<16xi32>
      %gather3A_1196 = tpu.vector_load_idx %arg4[%add3A_1195, %add3A_1192] : memref<128x20xi32, #tpu.memory_space<vmem>>[vector<16xi32>, vector<16xi32>], vector<16xi32>,
      %sub3A_1197 = vector.broadcast %mul3A_1188 : i32 to vector<16xi32>
      %sub3A_1198 = arith.subi %gather3A_1196, %sub3A_1197 : vector<16xi32>
      %lt3A_1199 = arith.constant 200 : i32
      %lt3A_1200 = vector.broadcast %lt3A_1199 : i32 to vector<16xi32>
      %lt3A_1201 = arith.cmpi ult, %sub3A_1198, %lt3A_1200 : vector<16xi32>
      %jit3A_1202 = arith.constant 0 : i32
      %broadcast_in_dim3A_1203 = vector.broadcast %jit3A_1202 : i32 to vector<16xi32>
      %select_n3A_1204 = arith.select %lt3A_1201, %sub3A_1198, %broadcast_in_dim3A_1203 : vector<16xi1>, vector<16xi32>
      tpu.vector_store_idx %arg7[%select_n3A_1204, %add3A_1195], %broadcast_in_dim3A_1 masked %lt3A_1201 : memref<200x128xf32, #tpu.memory_space<vmem>>[vector<16xi32>, vector<16xi32>], vector<16xf32>, vector<16xi1>
      %add3A_1205 = arith.constant 16 : i32
      %add3A_1206 = vector.broadcast %add3A_1205 : i32 to vector<16xi32>
      %add3A_1207 = arith.addi %iota3A, %add3A_1206 : vector<16xi32>
      %gather3A_1208 = tpu.vector_load_idx %arg4[%add3A_1207, %add3A_1192] : memref<128x20xi32, #tpu.memory_space<vmem>>[vector<16xi32>, vector<16xi32>], vector<16xi32>,
      %sub3A_1209 = vector.broadcast %mul3A_1188 : i32 to vector<16xi32>
      %sub3A_1210 = arith.subi %gather3A_1208, %sub3A_1209 : vector<16xi32>
      %lt3A_1211 = arith.constant 200 : i32
      %lt3A_1212 = vector.broadcast %lt3A_1211 : i32 to vector<16xi32>
      %lt3A_1213 = arith.cmpi ult, %sub3A_1210, %lt3A_1212 : vector<16xi32>
      %jit3A_1214 = arith.constant 0 : i32
      %broadcast_in_dim3A_1215 = vector.broadcast %jit3A_1214 : i32 to vector<16xi32>
      %select_n3A_1216 = arith.select %lt3A_1213, %sub3A_1210, %broadcast_in_dim3A_1215 : vector<16xi1>, vector<16xi32>
      tpu.vector_store_idx %arg7[%select_n3A_1216, %add3A_1207], %broadcast_in_dim3A_1 masked %lt3A_1213 : memref<200x128xf32, #tpu.memory_space<vmem>>[vector<16xi32>, vector<16xi32>], vector<16xf32>, vector<16xi1>
      %add3A_1217 = arith.constant 32 : i32
      %add3A_1218 = vector.broadcast %add3A_1217 : i32 to vector<16xi32>
      %add3A_1219 = arith.addi %iota3A, %add3A_1218 : vector<16xi32>
      %gather3A_1220 = tpu.vector_load_idx %arg4[%add3A_1219, %add3A_1192] : memref<128x20xi32, #tpu.memory_space<vmem>>[vector<16xi32>, vector<16xi32>], vector<16xi32>,
      %sub3A_1221 = vector.broadcast %mul3A_1188 : i32 to vector<16xi32>
      %sub3A_1222 = arith.subi %gather3A_1220, %sub3A_1221 : vector<16xi32>
      %lt3A_1223 = arith.constant 200 : i32
      %lt3A_1224 = vector.broadcast %lt3A_1223 : i32 to vector<16xi32>
      %lt3A_1225 = arith.cmpi ult, %sub3A_1222, %lt3A_1224 : vector<16xi32>
      %jit3A_1226 = arith.constant 0 : i32
      %broadcast_in_dim3A_1227 = vector.broadcast %jit3A_1226 : i32 to vector<16xi32>
      %select_n3A_1228 = arith.select %lt3A_1225, %sub3A_1222, %broadcast_in_dim3A_1227 : vector<16xi1>, vector<16xi32>
      tpu.vector_store_idx %arg7[%select_n3A_1228, %add3A_1219], %broadcast_in_dim3A_1 masked %lt3A_1225 : memref<200x128xf32, #tpu.memory_space<vmem>>[vector<16xi32>, vector<16xi32>], vector<16xf32>, vector<16xi1>
      %add3A_1229 = arith.constant 48 : i32
      %add3A_1230 = vector.broadcast %add3A_1229 : i32 to vector<16xi32>
      %add3A_1231 = arith.addi %iota3A, %add3A_1230 : vector<16xi32>
      %gather3A_1232 = tpu.vector_load_idx %arg4[%add3A_1231, %add3A_1192] : memref<128x20xi32, #tpu.memory_space<vmem>>[vector<16xi32>, vector<16xi32>], vector<16xi32>,
      %sub3A_1233 = vector.broadcast %mul3A_1188 : i32 to vector<16xi32>
      %sub3A_1234 = arith.subi %gather3A_1232, %sub3A_1233 : vector<16xi32>
      %lt3A_1235 = arith.constant 200 : i32
      %lt3A_1236 = vector.broadcast %lt3A_1235 : i32 to vector<16xi32>
      %lt3A_1237 = arith.cmpi ult, %sub3A_1234, %lt3A_1236 : vector<16xi32>
      %jit3A_1238 = arith.constant 0 : i32
      %broadcast_in_dim3A_1239 = vector.broadcast %jit3A_1238 : i32 to vector<16xi32>
      %select_n3A_1240 = arith.select %lt3A_1237, %sub3A_1234, %broadcast_in_dim3A_1239 : vector<16xi1>, vector<16xi32>
      tpu.vector_store_idx %arg7[%select_n3A_1240, %add3A_1231], %broadcast_in_dim3A_1 masked %lt3A_1237 : memref<200x128xf32, #tpu.memory_space<vmem>>[vector<16xi32>, vector<16xi32>], vector<16xf32>, vector<16xi1>
      %add3A_1241 = arith.constant 64 : i32
      %add3A_1242 = vector.broadcast %add3A_1241 : i32 to vector<16xi32>
      %add3A_1243 = arith.addi %iota3A, %add3A_1242 : vector<16xi32>
      %gather3A_1244 = tpu.vector_load_idx %arg4[%add3A_1243, %add3A_1192] : memref<128x20xi32, #tpu.memory_space<vmem>>[vector<16xi32>, vector<16xi32>], vector<16xi32>,
      %sub3A_1245 = vector.broadcast %mul3A_1188 : i32 to vector<16xi32>
      %sub3A_1246 = arith.subi %gather3A_1244, %sub3A_1245 : vector<16xi32>
      %lt3A_1247 = arith.constant 200 : i32
      %lt3A_1248 = vector.broadcast %lt3A_1247 : i32 to vector<16xi32>
      %lt3A_1249 = arith.cmpi ult, %sub3A_1246, %lt3A_1248 : vector<16xi32>
      %jit3A_1250 = arith.constant 0 : i32
      %broadcast_in_dim3A_1251 = vector.broadcast %jit3A_1250 : i32 to vector<16xi32>
      %select_n3A_1252 = arith.select %lt3A_1249, %sub3A_1246, %broadcast_in_dim3A_1251 : vector<16xi1>, vector<16xi32>
      tpu.vector_store_idx %arg7[%select_n3A_1252, %add3A_1243], %broadcast_in_dim3A_1 masked %lt3A_1249 : memref<200x128xf32, #tpu.memory_space<vmem>>[vector<16xi32>, vector<16xi32>], vector<16xf32>, vector<16xi1>
      %add3A_1253 = arith.constant 80 : i32
      %add3A_1254 = vector.broadcast %add3A_1253 : i32 to vector<16xi32>
      %add3A_1255 = arith.addi %iota3A, %add3A_1254 : vector<16xi32>
      %gather3A_1256 = tpu.vector_load_idx %arg4[%add3A_1255, %add3A_1192] : memref<128x20xi32, #tpu.memory_space<vmem>>[vector<16xi32>, vector<16xi32>], vector<16xi32>,
      %sub3A_1257 = vector.broadcast %mul3A_1188 : i32 to vector<16xi32>
      %sub3A_1258 = arith.subi %gather3A_1256, %sub3A_1257 : vector<16xi32>
      %lt3A_1259 = arith.constant 200 : i32
      %lt3A_1260 = vector.broadcast %lt3A_1259 : i32 to vector<16xi32>
      %lt3A_1261 = arith.cmpi ult, %sub3A_1258, %lt3A_1260 : vector<16xi32>
      %jit3A_1262 = arith.constant 0 : i32
      %broadcast_in_dim3A_1263 = vector.broadcast %jit3A_1262 : i32 to vector<16xi32>
      %select_n3A_1264 = arith.select %lt3A_1261, %sub3A_1258, %broadcast_in_dim3A_1263 : vector<16xi1>, vector<16xi32>
      tpu.vector_store_idx %arg7[%select_n3A_1264, %add3A_1255], %broadcast_in_dim3A_1 masked %lt3A_1261 : memref<200x128xf32, #tpu.memory_space<vmem>>[vector<16xi32>, vector<16xi32>], vector<16xf32>, vector<16xi1>
      %add3A_1265 = arith.constant 96 : i32
      %add3A_1266 = vector.broadcast %add3A_1265 : i32 to vector<16xi32>
      %add3A_1267 = arith.addi %iota3A, %add3A_1266 : vector<16xi32>
      %gather3A_1268 = tpu.vector_load_idx %arg4[%add3A_1267, %add3A_1192] : memref<128x20xi32, #tpu.memory_space<vmem>>[vector<16xi32>, vector<16xi32>], vector<16xi32>,
      %sub3A_1269 = vector.broadcast %mul3A_1188 : i32 to vector<16xi32>
      %sub3A_1270 = arith.subi %gather3A_1268, %sub3A_1269 : vector<16xi32>
      %lt3A_1271 = arith.constant 200 : i32
      %lt3A_1272 = vector.broadcast %lt3A_1271 : i32 to vector<16xi32>
      %lt3A_1273 = arith.cmpi ult, %sub3A_1270, %lt3A_1272 : vector<16xi32>
      %jit3A_1274 = arith.constant 0 : i32
      %broadcast_in_dim3A_1275 = vector.broadcast %jit3A_1274 : i32 to vector<16xi32>
      %select_n3A_1276 = arith.select %lt3A_1273, %sub3A_1270, %broadcast_in_dim3A_1275 : vector<16xi1>, vector<16xi32>
      tpu.vector_store_idx %arg7[%select_n3A_1276, %add3A_1267], %broadcast_in_dim3A_1 masked %lt3A_1273 : memref<200x128xf32, #tpu.memory_space<vmem>>[vector<16xi32>, vector<16xi32>], vector<16xf32>, vector<16xi1>
      %add3A_1277 = arith.constant 112 : i32
      %add3A_1278 = vector.broadcast %add3A_1277 : i32 to vector<16xi32>
      %add3A_1279 = arith.addi %iota3A, %add3A_1278 : vector<16xi32>
      %gather3A_1280 = tpu.vector_load_idx %arg4[%add3A_1279, %add3A_1192] : memref<128x20xi32, #tpu.memory_space<vmem>>[vector<16xi32>, vector<16xi32>], vector<16xi32>,
      %sub3A_1281 = vector.broadcast %mul3A_1188 : i32 to vector<16xi32>
      %sub3A_1282 = arith.subi %gather3A_1280, %sub3A_1281 : vector<16xi32>
      %lt3A_1283 = arith.constant 200 : i32
      %lt3A_1284 = vector.broadcast %lt3A_1283 : i32 to vector<16xi32>
      %lt3A_1285 = arith.cmpi ult, %sub3A_1282, %lt3A_1284 : vector<16xi32>
      %jit3A_1286 = arith.constant 0 : i32
      %broadcast_in_dim3A_1287 = vector.broadcast %jit3A_1286 : i32 to vector<16xi32>
      %select_n3A_1288 = arith.select %lt3A_1285, %sub3A_1282, %broadcast_in_dim3A_1287 : vector<16xi1>, vector<16xi32>
      tpu.vector_store_idx %arg7[%select_n3A_1288, %add3A_1279], %broadcast_in_dim3A_1 masked %lt3A_1285 : memref<200x128xf32, #tpu.memory_space<vmem>>[vector<16xi32>, vector<16xi32>], vector<16xf32>, vector<16xi1>
      %mul3A_1289 = arith.constant 52429 : i32
      %mul3A_1290 = arith.muli %add3A_1059, %mul3A_1289 : i32
      %shift_right_logical3A_1291 = arith.constant 18 : i32
      %shift_right_logical3A_1292 = arith.shrui %mul3A_1290, %shift_right_logical3A_1291 : i32
      %mul3A_1293 = arith.constant 5 : i32
      %mul3A_1294 = arith.muli %shift_right_logical3A_1292, %mul3A_1293 : i32
      %sub3A_1295 = arith.subi %add3A_1059, %mul3A_1294 : i32
      %mul3A_1296 = arith.constant 200 : i32
      %mul3A_1297 = arith.muli %sub3A_1295, %mul3A_1296 : i32
      %mul3A_1298 = arith.constant 128 : i32
      %mul3A_1299 = arith.muli %add3A, %mul3A_1298 : i32
      %dma_start3A_1300 = tpu.memref_slice %arg3[%shift_right_logical3A_1292, %mul3A_1297, %mul3A_1299] : memref<20x1000x4096xf32, #tpu.memory_space<hbm>> -> memref<1x200x128xf32, #tpu.memory_space<hbm>>
      %dma_start3A_1301 = tpu.memref_squeeze %dma_start3A_1300 : memref<1x200x128xf32, #tpu.memory_space<hbm>> -> memref<200x128xf32, #tpu.memory_space<hbm>>
      %dma_start3A_1302 = tpu.memref_slice %arg3[%shift_right_logical3A_1292, %mul3A_1297, %mul3A_1299] : memref<20x1000x4096xf32, #tpu.memory_space<hbm>> -> memref<1x200x128xf32, #tpu.memory_space<hbm>>
      %dma_start3A_1303 = tpu.memref_squeeze %dma_start3A_1302 : memref<1x200x128xf32, #tpu.memory_space<hbm>> -> memref<200x128xf32, #tpu.memory_space<hbm>>
      tpu.enqueue_dma source(%arg7 : memref<200x128xf32, #tpu.memory_space<vmem>>) target(%dma_start3A_1303 : memref<200x128xf32, #tpu.memory_space<hbm>>) target_semaphore(%arg11 : memref<!tpu.dma_semaphore, #tpu.memory_space<semaphore_mem>>)
      %mul3A_1304 = arith.constant 4 : i32
      %mul3A_1305 = arith.muli %scan3A_559, %mul3A_1304 : i32
      %add3A_1306 = arith.constant 3 : i32
      %add3A_1307 = arith.addi %mul3A_1305, %add3A_1306 : i32
      %dma_wait3A_1308 = arith.constant 0 : i32
      %dma_wait3A_1309 = arith.constant 0 : i32
      %dma_wait3A_1310 = arith.constant 0 : i32
      %dma_wait3A_1311 = tpu.memref_slice %arg3[%dma_wait3A_1308, %dma_wait3A_1309, %dma_wait3A_1310] : memref<20x1000x4096xf32, #tpu.memory_space<hbm>> -> memref<1x200x128xf32, #tpu.memory_space<hbm>>
      %dma_wait3A_1312 = tpu.memref_squeeze %dma_wait3A_1311 : memref<1x200x128xf32, #tpu.memory_space<hbm>> -> memref<200x128xf32, #tpu.memory_space<hbm>>
      %dma_wait3A_1313 = arith.constant 0 : i32
      %dma_wait3A_1314 = arith.constant 0 : i32
      %dma_wait3A_1315 = tpu.memref_slice %arg3[%dma_wait3A_1308, %dma_wait3A_1313, %dma_wait3A_1314] : memref<20x1000x4096xf32, #tpu.memory_space<hbm>> -> memref<1x200x128xf32, #tpu.memory_space<hbm>>
      %dma_wait3A_1316 = tpu.memref_squeeze %dma_wait3A_1315 : memref<1x200x128xf32, #tpu.memory_space<hbm>> -> memref<200x128xf32, #tpu.memory_space<hbm>>
      tpu.wait_dma2 semaphore(%arg12 : memref<!tpu.dma_semaphore, #tpu.memory_space<semaphore_mem>>) src(%arg8 : memref<200x128xf32, #tpu.memory_space<vmem>>) dst(%dma_wait3A_1316 : memref<200x128xf32, #tpu.memory_space<hbm>>)
      %sub3A_1317 = arith.constant 4 : i32
      %sub3A_1318 = arith.subi %add3A_1307, %sub3A_1317 : i32
      %mul3A_1319 = arith.constant 52429 : i32
      %mul3A_1320 = arith.muli %sub3A_1318, %mul3A_1319 : i32
      %shift_right_logical3A_1321 = arith.constant 18 : i32
      %shift_right_logical3A_1322 = arith.shrui %mul3A_1320, %shift_right_logical3A_1321 : i32
      %mul3A_1323 = arith.constant 5 : i32
      %mul3A_1324 = arith.muli %shift_right_logical3A_1322, %mul3A_1323 : i32
      %sub3A_1325 = arith.subi %sub3A_1318, %mul3A_1324 : i32
      %mul3A_1326 = arith.constant 200 : i32
      %mul3A_1327 = arith.muli %sub3A_1325, %mul3A_1326 : i32
      %broadcast_in_dim3A_1328 = arith.constant 0 : i32
      %broadcast_in_dim3A_1329 = vector.broadcast %broadcast_in_dim3A_1328 : i32 to vector<16xi32>
      %add3A_1330 = vector.broadcast %shift_right_logical3A_1322 : i32 to vector<16xi32>
      %add3A_1331 = arith.addi %broadcast_in_dim3A_1329, %add3A_1330 : vector<16xi32>
      %add3A_1332 = arith.constant 0 : i32
      %add3A_1333 = vector.broadcast %add3A_1332 : i32 to vector<16xi32>
      %add3A_1334 = arith.addi %iota3A, %add3A_1333 : vector<16xi32>
      %gather3A_1335 = tpu.vector_load_idx %arg4[%add3A_1334, %add3A_1331] : memref<128x20xi32, #tpu.memory_space<vmem>>[vector<16xi32>, vector<16xi32>], vector<16xi32>,
      %sub3A_1336 = vector.broadcast %mul3A_1327 : i32 to vector<16xi32>
      %sub3A_1337 = arith.subi %gather3A_1335, %sub3A_1336 : vector<16xi32>
      %lt3A_1338 = arith.constant 200 : i32
      %lt3A_1339 = vector.broadcast %lt3A_1338 : i32 to vector<16xi32>
      %lt3A_1340 = arith.cmpi ult, %sub3A_1337, %lt3A_1339 : vector<16xi32>
      %jit3A_1341 = arith.constant 0 : i32
      %broadcast_in_dim3A_1342 = vector.broadcast %jit3A_1341 : i32 to vector<16xi32>
      %select_n3A_1343 = arith.select %lt3A_1340, %sub3A_1337, %broadcast_in_dim3A_1342 : vector<16xi1>, vector<16xi32>
      tpu.vector_store_idx %arg8[%select_n3A_1343, %add3A_1334], %broadcast_in_dim3A_3 masked %lt3A_1340 : memref<200x128xf32, #tpu.memory_space<vmem>>[vector<16xi32>, vector<16xi32>], vector<16xf32>, vector<16xi1>
      %add3A_1344 = arith.constant 16 : i32
      %add3A_1345 = vector.broadcast %add3A_1344 : i32 to vector<16xi32>
      %add3A_1346 = arith.addi %iota3A, %add3A_1345 : vector<16xi32>
      %gather3A_1347 = tpu.vector_load_idx %arg4[%add3A_1346, %add3A_1331] : memref<128x20xi32, #tpu.memory_space<vmem>>[vector<16xi32>, vector<16xi32>], vector<16xi32>,
      %sub3A_1348 = vector.broadcast %mul3A_1327 : i32 to vector<16xi32>
      %sub3A_1349 = arith.subi %gather3A_1347, %sub3A_1348 : vector<16xi32>
      %lt3A_1350 = arith.constant 200 : i32
      %lt3A_1351 = vector.broadcast %lt3A_1350 : i32 to vector<16xi32>
      %lt3A_1352 = arith.cmpi ult, %sub3A_1349, %lt3A_1351 : vector<16xi32>
      %jit3A_1353 = arith.constant 0 : i32
      %broadcast_in_dim3A_1354 = vector.broadcast %jit3A_1353 : i32 to vector<16xi32>
      %select_n3A_1355 = arith.select %lt3A_1352, %sub3A_1349, %broadcast_in_dim3A_1354 : vector<16xi1>, vector<16xi32>
      tpu.vector_store_idx %arg8[%select_n3A_1355, %add3A_1346], %broadcast_in_dim3A_3 masked %lt3A_1352 : memref<200x128xf32, #tpu.memory_space<vmem>>[vector<16xi32>, vector<16xi32>], vector<16xf32>, vector<16xi1>
      %add3A_1356 = arith.constant 32 : i32
      %add3A_1357 = vector.broadcast %add3A_1356 : i32 to vector<16xi32>
      %add3A_1358 = arith.addi %iota3A, %add3A_1357 : vector<16xi32>
      %gather3A_1359 = tpu.vector_load_idx %arg4[%add3A_1358, %add3A_1331] : memref<128x20xi32, #tpu.memory_space<vmem>>[vector<16xi32>, vector<16xi32>], vector<16xi32>,
      %sub3A_1360 = vector.broadcast %mul3A_1327 : i32 to vector<16xi32>
      %sub3A_1361 = arith.subi %gather3A_1359, %sub3A_1360 : vector<16xi32>
      %lt3A_1362 = arith.constant 200 : i32
      %lt3A_1363 = vector.broadcast %lt3A_1362 : i32 to vector<16xi32>
      %lt3A_1364 = arith.cmpi ult, %sub3A_1361, %lt3A_1363 : vector<16xi32>
      %jit3A_1365 = arith.constant 0 : i32
      %broadcast_in_dim3A_1366 = vector.broadcast %jit3A_1365 : i32 to vector<16xi32>
      %select_n3A_1367 = arith.select %lt3A_1364, %sub3A_1361, %broadcast_in_dim3A_1366 : vector<16xi1>, vector<16xi32>
      tpu.vector_store_idx %arg8[%select_n3A_1367, %add3A_1358], %broadcast_in_dim3A_3 masked %lt3A_1364 : memref<200x128xf32, #tpu.memory_space<vmem>>[vector<16xi32>, vector<16xi32>], vector<16xf32>, vector<16xi1>
      %add3A_1368 = arith.constant 48 : i32
      %add3A_1369 = vector.broadcast %add3A_1368 : i32 to vector<16xi32>
      %add3A_1370 = arith.addi %iota3A, %add3A_1369 : vector<16xi32>
      %gather3A_1371 = tpu.vector_load_idx %arg4[%add3A_1370, %add3A_1331] : memref<128x20xi32, #tpu.memory_space<vmem>>[vector<16xi32>, vector<16xi32>], vector<16xi32>,
      %sub3A_1372 = vector.broadcast %mul3A_1327 : i32 to vector<16xi32>
      %sub3A_1373 = arith.subi %gather3A_1371, %sub3A_1372 : vector<16xi32>
      %lt3A_1374 = arith.constant 200 : i32
      %lt3A_1375 = vector.broadcast %lt3A_1374 : i32 to vector<16xi32>
      %lt3A_1376 = arith.cmpi ult, %sub3A_1373, %lt3A_1375 : vector<16xi32>
      %jit3A_1377 = arith.constant 0 : i32
      %broadcast_in_dim3A_1378 = vector.broadcast %jit3A_1377 : i32 to vector<16xi32>
      %select_n3A_1379 = arith.select %lt3A_1376, %sub3A_1373, %broadcast_in_dim3A_1378 : vector<16xi1>, vector<16xi32>
      tpu.vector_store_idx %arg8[%select_n3A_1379, %add3A_1370], %broadcast_in_dim3A_3 masked %lt3A_1376 : memref<200x128xf32, #tpu.memory_space<vmem>>[vector<16xi32>, vector<16xi32>], vector<16xf32>, vector<16xi1>
      %add3A_1380 = arith.constant 64 : i32
      %add3A_1381 = vector.broadcast %add3A_1380 : i32 to vector<16xi32>
      %add3A_1382 = arith.addi %iota3A, %add3A_1381 : vector<16xi32>
      %gather3A_1383 = tpu.vector_load_idx %arg4[%add3A_1382, %add3A_1331] : memref<128x20xi32, #tpu.memory_space<vmem>>[vector<16xi32>, vector<16xi32>], vector<16xi32>,
      %sub3A_1384 = vector.broadcast %mul3A_1327 : i32 to vector<16xi32>
      %sub3A_1385 = arith.subi %gather3A_1383, %sub3A_1384 : vector<16xi32>
      %lt3A_1386 = arith.constant 200 : i32
      %lt3A_1387 = vector.broadcast %lt3A_1386 : i32 to vector<16xi32>
      %lt3A_1388 = arith.cmpi ult, %sub3A_1385, %lt3A_1387 : vector<16xi32>
      %jit3A_1389 = arith.constant 0 : i32
      %broadcast_in_dim3A_1390 = vector.broadcast %jit3A_1389 : i32 to vector<16xi32>
      %select_n3A_1391 = arith.select %lt3A_1388, %sub3A_1385, %broadcast_in_dim3A_1390 : vector<16xi1>, vector<16xi32>
      tpu.vector_store_idx %arg8[%select_n3A_1391, %add3A_1382], %broadcast_in_dim3A_3 masked %lt3A_1388 : memref<200x128xf32, #tpu.memory_space<vmem>>[vector<16xi32>, vector<16xi32>], vector<16xf32>, vector<16xi1>
      %add3A_1392 = arith.constant 80 : i32
      %add3A_1393 = vector.broadcast %add3A_1392 : i32 to vector<16xi32>
      %add3A_1394 = arith.addi %iota3A, %add3A_1393 : vector<16xi32>
      %gather3A_1395 = tpu.vector_load_idx %arg4[%add3A_1394, %add3A_1331] : memref<128x20xi32, #tpu.memory_space<vmem>>[vector<16xi32>, vector<16xi32>], vector<16xi32>,
      %sub3A_1396 = vector.broadcast %mul3A_1327 : i32 to vector<16xi32>
      %sub3A_1397 = arith.subi %gather3A_1395, %sub3A_1396 : vector<16xi32>
      %lt3A_1398 = arith.constant 200 : i32
      %lt3A_1399 = vector.broadcast %lt3A_1398 : i32 to vector<16xi32>
      %lt3A_1400 = arith.cmpi ult, %sub3A_1397, %lt3A_1399 : vector<16xi32>
      %jit3A_1401 = arith.constant 0 : i32
      %broadcast_in_dim3A_1402 = vector.broadcast %jit3A_1401 : i32 to vector<16xi32>
      %select_n3A_1403 = arith.select %lt3A_1400, %sub3A_1397, %broadcast_in_dim3A_1402 : vector<16xi1>, vector<16xi32>
      tpu.vector_store_idx %arg8[%select_n3A_1403, %add3A_1394], %broadcast_in_dim3A_3 masked %lt3A_1400 : memref<200x128xf32, #tpu.memory_space<vmem>>[vector<16xi32>, vector<16xi32>], vector<16xf32>, vector<16xi1>
      %add3A_1404 = arith.constant 96 : i32
      %add3A_1405 = vector.broadcast %add3A_1404 : i32 to vector<16xi32>
      %add3A_1406 = arith.addi %iota3A, %add3A_1405 : vector<16xi32>
      %gather3A_1407 = tpu.vector_load_idx %arg4[%add3A_1406, %add3A_1331] : memref<128x20xi32, #tpu.memory_space<vmem>>[vector<16xi32>, vector<16xi32>], vector<16xi32>,
      %sub3A_1408 = vector.broadcast %mul3A_1327 : i32 to vector<16xi32>
      %sub3A_1409 = arith.subi %gather3A_1407, %sub3A_1408 : vector<16xi32>
      %lt3A_1410 = arith.constant 200 : i32
      %lt3A_1411 = vector.broadcast %lt3A_1410 : i32 to vector<16xi32>
      %lt3A_1412 = arith.cmpi ult, %sub3A_1409, %lt3A_1411 : vector<16xi32>
      %jit3A_1413 = arith.constant 0 : i32
      %broadcast_in_dim3A_1414 = vector.broadcast %jit3A_1413 : i32 to vector<16xi32>
      %select_n3A_1415 = arith.select %lt3A_1412, %sub3A_1409, %broadcast_in_dim3A_1414 : vector<16xi1>, vector<16xi32>
      tpu.vector_store_idx %arg8[%select_n3A_1415, %add3A_1406], %broadcast_in_dim3A_3 masked %lt3A_1412 : memref<200x128xf32, #tpu.memory_space<vmem>>[vector<16xi32>, vector<16xi32>], vector<16xf32>, vector<16xi1>
      %add3A_1416 = arith.constant 112 : i32
      %add3A_1417 = vector.broadcast %add3A_1416 : i32 to vector<16xi32>
      %add3A_1418 = arith.addi %iota3A, %add3A_1417 : vector<16xi32>
      %gather3A_1419 = tpu.vector_load_idx %arg4[%add3A_1418, %add3A_1331] : memref<128x20xi32, #tpu.memory_space<vmem>>[vector<16xi32>, vector<16xi32>], vector<16xi32>,
      %sub3A_1420 = vector.broadcast %mul3A_1327 : i32 to vector<16xi32>
      %sub3A_1421 = arith.subi %gather3A_1419, %sub3A_1420 : vector<16xi32>
      %lt3A_1422 = arith.constant 200 : i32
      %lt3A_1423 = vector.broadcast %lt3A_1422 : i32 to vector<16xi32>
      %lt3A_1424 = arith.cmpi ult, %sub3A_1421, %lt3A_1423 : vector<16xi32>
      %jit3A_1425 = arith.constant 0 : i32
      %broadcast_in_dim3A_1426 = vector.broadcast %jit3A_1425 : i32 to vector<16xi32>
      %select_n3A_1427 = arith.select %lt3A_1424, %sub3A_1421, %broadcast_in_dim3A_1426 : vector<16xi1>, vector<16xi32>
      tpu.vector_store_idx %arg8[%select_n3A_1427, %add3A_1418], %broadcast_in_dim3A_3 masked %lt3A_1424 : memref<200x128xf32, #tpu.memory_space<vmem>>[vector<16xi32>, vector<16xi32>], vector<16xf32>, vector<16xi1>
      %mul3A_1428 = arith.constant 52429 : i32
      %mul3A_1429 = arith.muli %add3A_1307, %mul3A_1428 : i32
      %shift_right_logical3A_1430 = arith.constant 18 : i32
      %shift_right_logical3A_1431 = arith.shrui %mul3A_1429, %shift_right_logical3A_1430 : i32
      %mul3A_1432 = arith.constant 5 : i32
      %mul3A_1433 = arith.muli %shift_right_logical3A_1431, %mul3A_1432 : i32
      %sub3A_1434 = arith.subi %add3A_1307, %mul3A_1433 : i32
      %mul3A_1435 = arith.constant 200 : i32
      %mul3A_1436 = arith.muli %sub3A_1434, %mul3A_1435 : i32
      %broadcast_in_dim3A_1437 = arith.constant 0 : i32
      %broadcast_in_dim3A_1438 = vector.broadcast %broadcast_in_dim3A_1437 : i32 to vector<16xi32>
      %add3A_1439 = vector.broadcast %shift_right_logical3A_1431 : i32 to vector<16xi32>
      %add3A_1440 = arith.addi %broadcast_in_dim3A_1438, %add3A_1439 : vector<16xi32>
      %add3A_1441 = arith.constant 0 : i32
      %add3A_1442 = vector.broadcast %add3A_1441 : i32 to vector<16xi32>
      %add3A_1443 = arith.addi %iota3A, %add3A_1442 : vector<16xi32>
      %gather3A_1444 = tpu.vector_load_idx %arg4[%add3A_1443, %add3A_1440] : memref<128x20xi32, #tpu.memory_space<vmem>>[vector<16xi32>, vector<16xi32>], vector<16xi32>,
      %sub3A_1445 = vector.broadcast %mul3A_1436 : i32 to vector<16xi32>
      %sub3A_1446 = arith.subi %gather3A_1444, %sub3A_1445 : vector<16xi32>
      %lt3A_1447 = arith.constant 200 : i32
      %lt3A_1448 = vector.broadcast %lt3A_1447 : i32 to vector<16xi32>
      %lt3A_1449 = arith.cmpi ult, %sub3A_1446, %lt3A_1448 : vector<16xi32>
      %jit3A_1450 = arith.constant 0 : i32
      %broadcast_in_dim3A_1451 = vector.broadcast %jit3A_1450 : i32 to vector<16xi32>
      %select_n3A_1452 = arith.select %lt3A_1449, %sub3A_1446, %broadcast_in_dim3A_1451 : vector<16xi1>, vector<16xi32>
      tpu.vector_store_idx %arg8[%select_n3A_1452, %add3A_1443], %broadcast_in_dim3A_1 masked %lt3A_1449 : memref<200x128xf32, #tpu.memory_space<vmem>>[vector<16xi32>, vector<16xi32>], vector<16xf32>, vector<16xi1>
      %add3A_1453 = arith.constant 16 : i32
      %add3A_1454 = vector.broadcast %add3A_1453 : i32 to vector<16xi32>
      %add3A_1455 = arith.addi %iota3A, %add3A_1454 : vector<16xi32>
      %gather3A_1456 = tpu.vector_load_idx %arg4[%add3A_1455, %add3A_1440] : memref<128x20xi32, #tpu.memory_space<vmem>>[vector<16xi32>, vector<16xi32>], vector<16xi32>,
      %sub3A_1457 = vector.broadcast %mul3A_1436 : i32 to vector<16xi32>
      %sub3A_1458 = arith.subi %gather3A_1456, %sub3A_1457 : vector<16xi32>
      %lt3A_1459 = arith.constant 200 : i32
      %lt3A_1460 = vector.broadcast %lt3A_1459 : i32 to vector<16xi32>
      %lt3A_1461 = arith.cmpi ult, %sub3A_1458, %lt3A_1460 : vector<16xi32>
      %jit3A_1462 = arith.constant 0 : i32
      %broadcast_in_dim3A_1463 = vector.broadcast %jit3A_1462 : i32 to vector<16xi32>
      %select_n3A_1464 = arith.select %lt3A_1461, %sub3A_1458, %broadcast_in_dim3A_1463 : vector<16xi1>, vector<16xi32>
      tpu.vector_store_idx %arg8[%select_n3A_1464, %add3A_1455], %broadcast_in_dim3A_1 masked %lt3A_1461 : memref<200x128xf32, #tpu.memory_space<vmem>>[vector<16xi32>, vector<16xi32>], vector<16xf32>, vector<16xi1>
      %add3A_1465 = arith.constant 32 : i32
      %add3A_1466 = vector.broadcast %add3A_1465 : i32 to vector<16xi32>
      %add3A_1467 = arith.addi %iota3A, %add3A_1466 : vector<16xi32>
      %gather3A_1468 = tpu.vector_load_idx %arg4[%add3A_1467, %add3A_1440] : memref<128x20xi32, #tpu.memory_space<vmem>>[vector<16xi32>, vector<16xi32>], vector<16xi32>,
      %sub3A_1469 = vector.broadcast %mul3A_1436 : i32 to vector<16xi32>
      %sub3A_1470 = arith.subi %gather3A_1468, %sub3A_1469 : vector<16xi32>
      %lt3A_1471 = arith.constant 200 : i32
      %lt3A_1472 = vector.broadcast %lt3A_1471 : i32 to vector<16xi32>
      %lt3A_1473 = arith.cmpi ult, %sub3A_1470, %lt3A_1472 : vector<16xi32>
      %jit3A_1474 = arith.constant 0 : i32
      %broadcast_in_dim3A_1475 = vector.broadcast %jit3A_1474 : i32 to vector<16xi32>
      %select_n3A_1476 = arith.select %lt3A_1473, %sub3A_1470, %broadcast_in_dim3A_1475 : vector<16xi1>, vector<16xi32>
      tpu.vector_store_idx %arg8[%select_n3A_1476, %add3A_1467], %broadcast_in_dim3A_1 masked %lt3A_1473 : memref<200x128xf32, #tpu.memory_space<vmem>>[vector<16xi32>, vector<16xi32>], vector<16xf32>, vector<16xi1>
      %add3A_1477 = arith.constant 48 : i32
      %add3A_1478 = vector.broadcast %add3A_1477 : i32 to vector<16xi32>
      %add3A_1479 = arith.addi %iota3A, %add3A_1478 : vector<16xi32>
      %gather3A_1480 = tpu.vector_load_idx %arg4[%add3A_1479, %add3A_1440] : memref<128x20xi32, #tpu.memory_space<vmem>>[vector<16xi32>, vector<16xi32>], vector<16xi32>,
      %sub3A_1481 = vector.broadcast %mul3A_1436 : i32 to vector<16xi32>
      %sub3A_1482 = arith.subi %gather3A_1480, %sub3A_1481 : vector<16xi32>
      %lt3A_1483 = arith.constant 200 : i32
      %lt3A_1484 = vector.broadcast %lt3A_1483 : i32 to vector<16xi32>
      %lt3A_1485 = arith.cmpi ult, %sub3A_1482, %lt3A_1484 : vector<16xi32>
      %jit3A_1486 = arith.constant 0 : i32
      %broadcast_in_dim3A_1487 = vector.broadcast %jit3A_1486 : i32 to vector<16xi32>
      %select_n3A_1488 = arith.select %lt3A_1485, %sub3A_1482, %broadcast_in_dim3A_1487 : vector<16xi1>, vector<16xi32>
      tpu.vector_store_idx %arg8[%select_n3A_1488, %add3A_1479], %broadcast_in_dim3A_1 masked %lt3A_1485 : memref<200x128xf32, #tpu.memory_space<vmem>>[vector<16xi32>, vector<16xi32>], vector<16xf32>, vector<16xi1>
      %add3A_1489 = arith.constant 64 : i32
      %add3A_1490 = vector.broadcast %add3A_1489 : i32 to vector<16xi32>
      %add3A_1491 = arith.addi %iota3A, %add3A_1490 : vector<16xi32>
      %gather3A_1492 = tpu.vector_load_idx %arg4[%add3A_1491, %add3A_1440] : memref<128x20xi32, #tpu.memory_space<vmem>>[vector<16xi32>, vector<16xi32>], vector<16xi32>,
      %sub3A_1493 = vector.broadcast %mul3A_1436 : i32 to vector<16xi32>
      %sub3A_1494 = arith.subi %gather3A_1492, %sub3A_1493 : vector<16xi32>
      %lt3A_1495 = arith.constant 200 : i32
      %lt3A_1496 = vector.broadcast %lt3A_1495 : i32 to vector<16xi32>
      %lt3A_1497 = arith.cmpi ult, %sub3A_1494, %lt3A_1496 : vector<16xi32>
      %jit3A_1498 = arith.constant 0 : i32
      %broadcast_in_dim3A_1499 = vector.broadcast %jit3A_1498 : i32 to vector<16xi32>
      %select_n3A_1500 = arith.select %lt3A_1497, %sub3A_1494, %broadcast_in_dim3A_1499 : vector<16xi1>, vector<16xi32>
      tpu.vector_store_idx %arg8[%select_n3A_1500, %add3A_1491], %broadcast_in_dim3A_1 masked %lt3A_1497 : memref<200x128xf32, #tpu.memory_space<vmem>>[vector<16xi32>, vector<16xi32>], vector<16xf32>, vector<16xi1>
      %add3A_1501 = arith.constant 80 : i32
      %add3A_1502 = vector.broadcast %add3A_1501 : i32 to vector<16xi32>
      %add3A_1503 = arith.addi %iota3A, %add3A_1502 : vector<16xi32>
      %gather3A_1504 = tpu.vector_load_idx %arg4[%add3A_1503, %add3A_1440] : memref<128x20xi32, #tpu.memory_space<vmem>>[vector<16xi32>, vector<16xi32>], vector<16xi32>,
      %sub3A_1505 = vector.broadcast %mul3A_1436 : i32 to vector<16xi32>
      %sub3A_1506 = arith.subi %gather3A_1504, %sub3A_1505 : vector<16xi32>
      %lt3A_1507 = arith.constant 200 : i32
      %lt3A_1508 = vector.broadcast %lt3A_1507 : i32 to vector<16xi32>
      %lt3A_1509 = arith.cmpi ult, %sub3A_1506, %lt3A_1508 : vector<16xi32>
      %jit3A_1510 = arith.constant 0 : i32
      %broadcast_in_dim3A_1511 = vector.broadcast %jit3A_1510 : i32 to vector<16xi32>
      %select_n3A_1512 = arith.select %lt3A_1509, %sub3A_1506, %broadcast_in_dim3A_1511 : vector<16xi1>, vector<16xi32>
      tpu.vector_store_idx %arg8[%select_n3A_1512, %add3A_1503], %broadcast_in_dim3A_1 masked %lt3A_1509 : memref<200x128xf32, #tpu.memory_space<vmem>>[vector<16xi32>, vector<16xi32>], vector<16xf32>, vector<16xi1>
      %add3A_1513 = arith.constant 96 : i32
      %add3A_1514 = vector.broadcast %add3A_1513 : i32 to vector<16xi32>
      %add3A_1515 = arith.addi %iota3A, %add3A_1514 : vector<16xi32>
      %gather3A_1516 = tpu.vector_load_idx %arg4[%add3A_1515, %add3A_1440] : memref<128x20xi32, #tpu.memory_space<vmem>>[vector<16xi32>, vector<16xi32>], vector<16xi32>,
      %sub3A_1517 = vector.broadcast %mul3A_1436 : i32 to vector<16xi32>
      %sub3A_1518 = arith.subi %gather3A_1516, %sub3A_1517 : vector<16xi32>
      %lt3A_1519 = arith.constant 200 : i32
      %lt3A_1520 = vector.broadcast %lt3A_1519 : i32 to vector<16xi32>
      %lt3A_1521 = arith.cmpi ult, %sub3A_1518, %lt3A_1520 : vector<16xi32>
      %jit3A_1522 = arith.constant 0 : i32
      %broadcast_in_dim3A_1523 = vector.broadcast %jit3A_1522 : i32 to vector<16xi32>
      %select_n3A_1524 = arith.select %lt3A_1521, %sub3A_1518, %broadcast_in_dim3A_1523 : vector<16xi1>, vector<16xi32>
      tpu.vector_store_idx %arg8[%select_n3A_1524, %add3A_1515], %broadcast_in_dim3A_1 masked %lt3A_1521 : memref<200x128xf32, #tpu.memory_space<vmem>>[vector<16xi32>, vector<16xi32>], vector<16xf32>, vector<16xi1>
      %add3A_1525 = arith.constant 112 : i32
      %add3A_1526 = vector.broadcast %add3A_1525 : i32 to vector<16xi32>
      %add3A_1527 = arith.addi %iota3A, %add3A_1526 : vector<16xi32>
      %gather3A_1528 = tpu.vector_load_idx %arg4[%add3A_1527, %add3A_1440] : memref<128x20xi32, #tpu.memory_space<vmem>>[vector<16xi32>, vector<16xi32>], vector<16xi32>,
      %sub3A_1529 = vector.broadcast %mul3A_1436 : i32 to vector<16xi32>
      %sub3A_1530 = arith.subi %gather3A_1528, %sub3A_1529 : vector<16xi32>
      %lt3A_1531 = arith.constant 200 : i32
      %lt3A_1532 = vector.broadcast %lt3A_1531 : i32 to vector<16xi32>
      %lt3A_1533 = arith.cmpi ult, %sub3A_1530, %lt3A_1532 : vector<16xi32>
      %jit3A_1534 = arith.constant 0 : i32
      %broadcast_in_dim3A_1535 = vector.broadcast %jit3A_1534 : i32 to vector<16xi32>
      %select_n3A_1536 = arith.select %lt3A_1533, %sub3A_1530, %broadcast_in_dim3A_1535 : vector<16xi1>, vector<16xi32>
      tpu.vector_store_idx %arg8[%select_n3A_1536, %add3A_1527], %broadcast_in_dim3A_1 masked %lt3A_1533 : memref<200x128xf32, #tpu.memory_space<vmem>>[vector<16xi32>, vector<16xi32>], vector<16xf32>, vector<16xi1>
      %mul3A_1537 = arith.constant 52429 : i32
      %mul3A_1538 = arith.muli %add3A_1307, %mul3A_1537 : i32
      %shift_right_logical3A_1539 = arith.constant 18 : i32
      %shift_right_logical3A_1540 = arith.shrui %mul3A_1538, %shift_right_logical3A_1539 : i32
      %mul3A_1541 = arith.constant 5 : i32
      %mul3A_1542 = arith.muli %shift_right_logical3A_1540, %mul3A_1541 : i32
      %sub3A_1543 = arith.subi %add3A_1307, %mul3A_1542 : i32
      %mul3A_1544 = arith.constant 200 : i32
      %mul3A_1545 = arith.muli %sub3A_1543, %mul3A_1544 : i32
      %mul3A_1546 = arith.constant 128 : i32
      %mul3A_1547 = arith.muli %add3A, %mul3A_1546 : i32
      %dma_start3A_1548 = tpu.memref_slice %arg3[%shift_right_logical3A_1540, %mul3A_1545, %mul3A_1547] : memref<20x1000x4096xf32, #tpu.memory_space<hbm>> -> memref<1x200x128xf32, #tpu.memory_space<hbm>>
      %dma_start3A_1549 = tpu.memref_squeeze %dma_start3A_1548 : memref<1x200x128xf32, #tpu.memory_space<hbm>> -> memref<200x128xf32, #tpu.memory_space<hbm>>
      %dma_start3A_1550 = tpu.memref_slice %arg3[%shift_right_logical3A_1540, %mul3A_1545, %mul3A_1547] : memref<20x1000x4096xf32, #tpu.memory_space<hbm>> -> memref<1x200x128xf32, #tpu.memory_space<hbm>>
      %dma_start3A_1551 = tpu.memref_squeeze %dma_start3A_1550 : memref<1x200x128xf32, #tpu.memory_space<hbm>> -> memref<200x128xf32, #tpu.memory_space<hbm>>
      tpu.enqueue_dma source(%arg8 : memref<200x128xf32, #tpu.memory_space<vmem>>) target(%dma_start3A_1551 : memref<200x128xf32, #tpu.memory_space<hbm>>) target_semaphore(%arg12 : memref<!tpu.dma_semaphore, #tpu.memory_space<semaphore_mem>>)
    }
    %scan3A_523 = arith.constant 24 : i32
    %dma_wait3A = arith.constant 0 : i32
    %dma_wait3A_524 = arith.constant 0 : i32
    %dma_wait3A_525 = arith.constant 0 : i32
    %dma_wait3A_526 = tpu.memref_slice %arg3[%dma_wait3A, %dma_wait3A_524, %dma_wait3A_525] : memref<20x1000x4096xf32, #tpu.memory_space<hbm>> -> memref<1x200x128xf32, #tpu.memory_space<hbm>>
    %dma_wait3A_527 = tpu.memref_squeeze %dma_wait3A_526 : memref<1x200x128xf32, #tpu.memory_space<hbm>> -> memref<200x128xf32, #tpu.memory_space<hbm>>
    %dma_wait3A_528 = arith.constant 0 : i32
    %dma_wait3A_529 = arith.constant 0 : i32
    %dma_wait3A_530 = tpu.memref_slice %arg3[%dma_wait3A, %dma_wait3A_528, %dma_wait3A_529] : memref<20x1000x4096xf32, #tpu.memory_space<hbm>> -> memref<1x200x128xf32, #tpu.memory_space<hbm>>
    %dma_wait3A_531 = tpu.memref_squeeze %dma_wait3A_530 : memref<1x200x128xf32, #tpu.memory_space<hbm>> -> memref<200x128xf32, #tpu.memory_space<hbm>>
    tpu.wait_dma2 semaphore(%arg9 : memref<!tpu.dma_semaphore, #tpu.memory_space<semaphore_mem>>) src(%arg5 : memref<200x128xf32, #tpu.memory_space<vmem>>) dst(%dma_wait3A_531 : memref<200x128xf32, #tpu.memory_space<hbm>>)
    %dma_wait3A_532 = arith.constant 0 : i32
    %dma_wait3A_533 = arith.constant 0 : i32
    %dma_wait3A_534 = arith.constant 0 : i32
    %dma_wait3A_535 = tpu.memref_slice %arg3[%dma_wait3A_532, %dma_wait3A_533, %dma_wait3A_534] : memref<20x1000x4096xf32, #tpu.memory_space<hbm>> -> memref<1x200x128xf32, #tpu.memory_space<hbm>>
    %dma_wait3A_536 = tpu.memref_squeeze %dma_wait3A_535 : memref<1x200x128xf32, #tpu.memory_space<hbm>> -> memref<200x128xf32, #tpu.memory_space<hbm>>
    %dma_wait3A_537 = arith.constant 0 : i32
    %dma_wait3A_538 = arith.constant 0 : i32
    %dma_wait3A_539 = tpu.memref_slice %arg3[%dma_wait3A_532, %dma_wait3A_537, %dma_wait3A_538] : memref<20x1000x4096xf32, #tpu.memory_space<hbm>> -> memref<1x200x128xf32, #tpu.memory_space<hbm>>
    %dma_wait3A_540 = tpu.memref_squeeze %dma_wait3A_539 : memref<1x200x128xf32, #tpu.memory_space<hbm>> -> memref<200x128xf32, #tpu.memory_space<hbm>>
    tpu.wait_dma2 semaphore(%arg10 : memref<!tpu.dma_semaphore, #tpu.memory_space<semaphore_mem>>) src(%arg6 : memref<200x128xf32, #tpu.memory_space<vmem>>) dst(%dma_wait3A_540 : memref<200x128xf32, #tpu.memory_space<hbm>>)
    %dma_wait3A_541 = arith.constant 0 : i32
    %dma_wait3A_542 = arith.constant 0 : i32
    %dma_wait3A_543 = arith.constant 0 : i32
    %dma_wait3A_544 = tpu.memref_slice %arg3[%dma_wait3A_541, %dma_wait3A_542, %dma_wait3A_543] : memref<20x1000x4096xf32, #tpu.memory_space<hbm>> -> memref<1x200x128xf32, #tpu.memory_space<hbm>>
    %dma_wait3A_545 = tpu.memref_squeeze %dma_wait3A_544 : memref<1x200x128xf32, #tpu.memory_space<hbm>> -> memref<200x128xf32, #tpu.memory_space<hbm>>
    %dma_wait3A_546 = arith.constant 0 : i32
    %dma_wait3A_547 = arith.constant 0 : i32
    %dma_wait3A_548 = tpu.memref_slice %arg3[%dma_wait3A_541, %dma_wait3A_546, %dma_wait3A_547] : memref<20x1000x4096xf32, #tpu.memory_space<hbm>> -> memref<1x200x128xf32, #tpu.memory_space<hbm>>
    %dma_wait3A_549 = tpu.memref_squeeze %dma_wait3A_548 : memref<1x200x128xf32, #tpu.memory_space<hbm>> -> memref<200x128xf32, #tpu.memory_space<hbm>>
    tpu.wait_dma2 semaphore(%arg11 : memref<!tpu.dma_semaphore, #tpu.memory_space<semaphore_mem>>) src(%arg7 : memref<200x128xf32, #tpu.memory_space<vmem>>) dst(%dma_wait3A_549 : memref<200x128xf32, #tpu.memory_space<hbm>>)
    %dma_wait3A_550 = arith.constant 0 : i32
    %dma_wait3A_551 = arith.constant 0 : i32
    %dma_wait3A_552 = arith.constant 0 : i32
    %dma_wait3A_553 = tpu.memref_slice %arg3[%dma_wait3A_550, %dma_wait3A_551, %dma_wait3A_552] : memref<20x1000x4096xf32, #tpu.memory_space<hbm>> -> memref<1x200x128xf32, #tpu.memory_space<hbm>>
    %dma_wait3A_554 = tpu.memref_squeeze %dma_wait3A_553 : memref<1x200x128xf32, #tpu.memory_space<hbm>> -> memref<200x128xf32, #tpu.memory_space<hbm>>
    %dma_wait3A_555 = arith.constant 0 : i32
    %dma_wait3A_556 = arith.constant 0 : i32
    %dma_wait3A_557 = tpu.memref_slice %arg3[%dma_wait3A_550, %dma_wait3A_555, %dma_wait3A_556] : memref<20x1000x4096xf32, #tpu.memory_space<hbm>> -> memref<1x200x128xf32, #tpu.memory_space<hbm>>
    %dma_wait3A_558 = tpu.memref_squeeze %dma_wait3A_557 : memref<1x200x128xf32, #tpu.memory_space<hbm>> -> memref<200x128xf32, #tpu.memory_space<hbm>>
    tpu.wait_dma2 semaphore(%arg12 : memref<!tpu.dma_semaphore, #tpu.memory_space<semaphore_mem>>) src(%arg8 : memref<200x128xf32, #tpu.memory_space<vmem>>) dst(%dma_wait3A_558 : memref<200x128xf32, #tpu.memory_space<hbm>>)
    return
  }
}

</mosaic_0001>

<sc_bundles>
// kernel: _one_hot_sc.3.cloned.1.call-start
scs
__scs_entry_jumppad:
0x0: {  	(pc) =	sbr.rel $0x88, $3  }
0x1: {  	(tag) =	ssettag $0x0;
	lr =	simm.s32 $0x1  }
0x2: {  	[smem:$0x3FA0] =	sst lr;
	_ =	strace $0xD0000000  }
0x3: {  	_ = 	snop  }
0x4: {  	_ = 	snop  }
0x5: {  	_ = 	snop  }
0x6: {  	_ = 	snop  }
0x7: {  	_ = 	snop  }
__scs_overlays_trampoline_lowered:
0x8: {  	[smem:$0x3FAF] =	sst s0  }
0x9: {  	[smem:$0x3FB0] =	sst s1  }
0xa: {  	[smem:$0x3FB1] =	sst s2  }
0xb: {  	[smem:$0x3FB2] =	sst s3  }
0xc: {  	[smem:$0x3FB3] =	sst s4  }
0xd: {  	[smem:$0x3FB4] =	sst s5  }
0xe: {  	[smem:$0x3FB5] =	sst s6  }
0xf: {  	[smem:$0x3FB6] =	sst s7  }
0x10: {  	[smem:$0x3FB7] =	sst s8  }
0x11: {  	[smem:$0x3FB8] =	sst s9;
	s0 =	simm.s32 @!p0 $0x0  }
0x12: {  	s1 =	sld [smem:$0x3F9E];
	s0 =	simm.s32 @p0 $0x1  }
0x13: {  	[smem:$0x3FB9] =	sst s0;
	s0 =	simm.s32 @!p1 $0x0  }
0x14: {  	s2 =	sld [smem:$0x3F9D];
	s0 =	simm.s32 @p1 $0x1  }
0x15: {  	[smem:$0x3FBA] =	sst s0;
	s0 =	simm.s32 @!p2 $0x0  }
0x16: {  	s3 =	sld [smem:$0x3FDB];
	s0 =	simm.s32 @p2 $0x1  }
0x17: {  	s4 =	simm.s32 $0x1BF5;
	[smem:$0x3FBC] =	sst s0  }
0x18: {  	s0 =	sld [smem:$0x3F9F];
	_ =	swait.ge [sflag:s4], $0x0  }
0x19: {  	s7 =	sld [smem:$0x3FA0]  }
0x1a: {  	s8 =	sadd.s32 $0xFFFFE003, lr  }
0x1b: {  	s9 =	sadd.s32 $0xFFFFFEF7, lr;
	s5 =	simm.s32 $0xFFFFFFFF;
	p2 =	slt.u32 s8, $0xFFFFF086  }
0x1c: {  	p1 =	slt.u32 s9, $0xF7A;
	s5 =	simm.s32 @!p2 $0x0  }
0x1d: {  	s5 =	simm.s32 @p1 $0x1;
	p0 =	seq.s32 s7, s2  }
0x1e: {  	s7 =	smul.u32 @!p0 $0xF7A, s2;
	p2 =	seq.s32 @!p0 s5, $0x0  }
0x1f: {  	s9 =	smul.u32 $0xF7A, s1;
	s8 =	simm.s32 @!p0 $0x1BF5;
	p2 =	por !p2, p0  }
0x20: {  	[sflag:s8] =	ssyncset.s32 @!p0 $0xFFFFF086;
	s6 =	sadd.s32 @!p0 s3, s7;
	s7 =	simm.s32 @!p0 $0x108  }
0x21: {  	s3 =	sadd.s32 s3, s9;
	s6 =	sadd.s32 @!p0 $0x88, s6;
	s7 =	simm.s32 @p2 $0x1082  }
0x22: {  	[simem:s7], [sflag:s8] =	dma.local @!p0 [hbm:s6], $0xF7A  }
0x23: {  	s9 =	sor.u32 $0xD0000000, s2;
	s6 =	simm.s32 $0x108;
	_ =	swait.ge @!p0 [sflag:s8], $0x0  }
0x24: {  	s3 =	sadd.s32 $0x88, s3;
	s6 =	simm.s32 @!p1 $0x1082;
	[sflag:s4] =	ssyncset.s32 $0xFFFFF086  }
0x25: {  	[simem:s6], [sflag:s4] =	dma.local [hbm:s3], $0xF7A  }
0x26: {  	[smem:$0x3FA0] =	sst s1;
	(tag) =	ssettag s2;
	_ =	strace s9  }
0x27: {  	s1 =	sld [smem:$0x3FB0]  }
0x28: {  	s2 =	sld [smem:$0x3FB1]  }
0x29: {  	s4 =	sld [smem:$0x3FB3]  }
0x2a: {  	p0 =	seq.s32 s5, $0x0;
	s5 =	sld [smem:$0x3FB4]  }
0x2b: {  	s6 =	sld [smem:$0x3FB5]  }
0x2c: {  	s7 =	sld [smem:$0x3FB6]  }
0x2d: {  	s3 =	simm.s32 $0x108;
	s8 =	sld [smem:$0x3FB7]  }
0x2e: {  	s3 =	simm.s32 @!p0 $0x1082;
	s9 =	sld [smem:$0x3FB8]  }
0x2f: {  	lr =	sadd.s32 s0, s3;
	s0 =	sld [smem:$0x3FAF]  }
0x30: {  	s3 =	sld [smem:$0x3FB2]  }
0x31: {  	[smem:$0x3FBB] =	sst s10  }
0x32: {  	s10 =	sld [smem:$0x3FB9];
	_ =	sdelay $0x3  }
0x33: {  	p0 =	seq.s32 s10, $0x1;
	s10 =	sld [smem:$0x3FBB];
	_ =	sdelay $0x3  }
0x34: {  	[smem:$0x3FBB] =	sst s10  }
0x35: {  	s10 =	sld [smem:$0x3FBA];
	_ =	sdelay $0x3  }
0x36: {  	p1 =	seq.s32 s10, $0x1;
	s10 =	sld [smem:$0x3FBB];
	_ =	sdelay $0x3  }
0x37: {  	[smem:$0x3FBB] =	sst s10  }
0x38: {  	s10 =	sld [smem:$0x3FBC]  }
0x39: {  	_ = 	snop;
	(pc) =	sbr.ind lr, $3  }
0x3a: {  	_ = 	snop  }
0x3b: {  	_ = 	snop  }
0x3c: {  	p2 =	seq.s32 s10, $0x1;
	s10 =	sld [smem:$0x3FBB]  }
0x3d: {  	_ =	shalt  }
0x3e: {  	_ =	shalt  }
0x3f: {  	_ =	shalt  }
0x40: {  	_ =	shalt  }
0x41: {  	_ =	shalt  }
0x42: {  	_ =	shalt  }
0x43: {  	_ =	shalt  }
0x44: {  	_ =	shalt  }
0x45: {  	_ =	shalt  }
0x46: {  	_ =	shalt  }
0x47: {  	_ =	shalt  }
0x48: {  	_ =	shalt  }
0x49: {  	_ =	shalt  }
0x4a: {  	_ =	shalt  }
0x4b: {  	_ =	shalt  }
0x4c: {  	_ =	shalt  }
0x4d: {  	_ =	shalt  }
0x4e: {  	_ =	shalt  }
0x4f: {  	_ =	shalt  }
0x50: {  	_ =	shalt  }
0x51: {  	_ =	shalt  }
0x52: {  	_ =	shalt  }
0x53: {  	_ =	shalt  }
0x54: {  	_ =	shalt  }
0x55: {  	_ =	shalt  }
0x56: {  	_ =	shalt  }
0x57: {  	_ =	shalt  }
0x58: {  	_ =	shalt  }
0x59: {  	_ =	shalt  }
0x5a: {  	_ =	shalt  }
0x5b: {  	_ =	shalt  }
0x5c: {  	_ =	shalt  }
0x5d: {  	_ =	shalt  }
0x5e: {  	_ =	shalt  }
0x5f: {  	_ =	shalt  }
0x60: {  	_ =	shalt  }
0x61: {  	_ =	shalt  }
0x62: {  	_ =	shalt  }
0x63: {  	_ =	shalt  }
0x64: {  	_ =	shalt  }
0x65: {  	_ =	shalt  }
0x66: {  	_ =	shalt  }
0x67: {  	_ =	shalt  }
0x68: {  	_ =	shalt  }
0x69: {  	_ =	shalt  }
0x6a: {  	_ =	shalt  }
0x6b: {  	_ =	shalt  }
0x6c: {  	_ =	shalt  }
0x6d: {  	_ =	shalt  }
0x6e: {  	_ =	shalt  }
0x6f: {  	_ =	shalt  }
0x70: {  	_ =	shalt  }
0x71: {  	_ =	shalt  }
0x72: {  	_ =	shalt  }
0x73: {  	_ =	shalt  }
0x74: {  	_ =	shalt  }
0x75: {  	_ =	shalt  }
0x76: {  	_ =	shalt  }
0x77: {  	_ =	shalt  }
0x78: {  	_ =	shalt  }
0x79: {  	_ =	shalt  }
0x7a: {  	_ =	shalt  }
0x7b: {  	_ =	shalt  }
0x7c: {  	_ =	shalt  }
0x7d: {  	_ =	shalt  }
0x7e: {  	_ =	shalt  }
0x7f: {  	_ =	shalt  }
0x80: {  	_ =	shalt  }
0x81: {  	_ =	shalt  }
0x82: {  	_ =	shalt  }
0x83: {  	_ =	shalt  }
0x84: {  	_ =	shalt  }
0x85: {  	_ =	shalt  }
0x86: {  	_ =	shalt  }
0x87: {  	_ =	shalt  }
.Lfunc_end0:
.L_simem_size_0:
called_computation_lowered:
.L_overlay_start_0:
0x88: {  	s2 =	sld [smem:$0x3FD9]  }
0x89: {  	s3 =	sld [smem:$0x3FFE];
	_ =	sdelay $0x1  }
0x8a: {  	s1 =	srdreg.scid  }
0x8b: {  	s0 =	sand.u32 $0x1, s1  }
0x8c: {  	s17 =	sshll.u32 s0, $0xA;
	s2 =	sadd.s32 s3, s2  }
0x8d: {  	s2 =	sadd.s32 s2, s17  }
0x8e: {  	[smem:$0x3FC7] =	sst s2  }
0x8f: {  	_ = 	snop  }
0x90: {  	s2 =	sld [smem:$0x3FD0];
	(tm) =	ssettm $0x1  }
0x91: {  	s18 =	sld [smem:$0x3FFB];
	_ =	sdelay $0x3  }
0x92: {  	_ =	strace s18  }
0x93: {  	s3 =	sld [smem:$0x3FFC];
	_ =	sdelay $0x3  }
0x94: {  	_ =	strace s3  }
0x95: {  	s3 =	sld [smem:$0x3FFD];
	_ =	sdelay $0x3  }
0x96: {  	_ =	strace s3  }
0x97: {  	_ =	strace $0x8FFFFFFF  }
0x98: {  	s19 =	sld [smem:$0x3FDB];
	_ =	sdelay $0x1  }
0x99: {  	s4 =	simm.s32 $_scs_section_size  }
0x9a: {  	s5 =	simm.s32 $_size__tile_overlayer_lowered;
	s6 =	simm.s32 $_tile_overlayer_lowered  }
0x9b: {  	s22 =	simm.s32 $0x1BFF;
	s21 =	sshll.u32 s6, $0x1;
	s3 =	sadd.s32 s4, s19  }
0x9c: {  	s7 =	simm.s32 $0x0;
	s20 =	sshll.u32 s5, $0x1;
	s5 =	sadd.s32 s21, s3  }
0x9d: {  	[timem:s7], [sflag:s22] =	dma.local [hbm:s5], s20  }
0x9e: {  	_ =	swait.ge [sflag:s22], s20  }
0x9f: {  	s4 =	ssub.s32 $0x0, s20;
	[sflag:s22] =	ssyncset.done $0x0  }
0xa0: {  	[sflag:s22] =	ssyncadd.s32 s4;
	_ =	sdelay $0x1  }
0xa1: {  	s23 =	simm.s32 $0x1B8B  }
0xa2: {  	_ =	swait.ge [sflag:s23], $0x1  }
0xa3: {  	[sflag:s23] =	ssyncset.done $0x0  }
0xa4: {  	s25 =	simm.s32 $0x1B8E;
	s24 =	sld [smem:$0x3FFE];
	[sflag:s23] =	ssyncadd.s32 $0xFFFFFFFF  }
0xa5: {  	s26 =	simm.s32 $execute0_lowered;
	[smem:$0x3FD2] =	sst s25  }
0xa6: {  	s5 =	sshll.u32 s26, $0x1;
	_ =	strace $0x80000046;
	[dreg:$0x1] =	wrdreg $0xFFFFFFFF  }
0xa7: {  	s28 =	simm.s32 $_size_execute0_lowered;
	s3 =	sadd.s32 s3, s5;
	[dreg:$0x0] =	wrdreg $0x0  }
0xa8: {  	s5 =	sshll.u32 s28, $0x1;
	[dreg:$0x2] =	wrdreg s3  }
0xa9: {  	[dreg:$0x3] =	wrdreg s5  }
0xaa: {  	[dreg:$0x4] =	wrdreg $0xC0  }
0xab: {  	_ =	task [dreg:s7], $0x5FFFF  }
0xac: {  	[dreg:$0x1] =	wrdreg $0xFFFFFFFF  }
0xad: {  	[dreg:$0x0] =	wrdreg $0x60  }
0xae: {  	[dreg:$0x2] =	wrdreg s24  }
0xaf: {  	[dreg:$0x3] =	wrdreg s2  }
0xb0: {  	[dreg:$0x4] =	wrdreg $0x9  }
0xb1: {  	_ =	task.clear_ibuf [dreg:s7], $0x5FFFF;
	_ =	strace $0x90000046  }
0xb2: {  	s29 =	simm.s32 $0x9;
	_ =	strace $0x80000048  }
0xb3: {  	_ =	swait.ge [sflag:s29], $0x1  }
0xb4: {  	[sflag:s29] =	ssyncadd.s32 $0xFFFFFFFF  }
0xb5: {  	_ =	strace $0x90000048  }
0xb6: {  	_ =	sfence  }
0xb7: {  	s30 =	sld [smem:$0x0];
	_ =	sdelay $0x2  }
0xb8: {  	s31 =	sshll.u32 s1, $0xD;
	s1 =	sshrl.u32 s1, $0x2  }
0xb9: {  	s3 =	sand.u32 $0x4000, s31;
	s1 =	sadd.s32 s1, s30  }
0xba: {  	s0 =	sor.u32 s3, s0;
	s1 =	sshll.u32 s1, $0x11  }
0xbb: {  	s0 =	sor.u32 s1, s0  }
0xbc: {  	s0 =	sadd.s32 $0x8F2B, s0  }
0xbd: {  	[sflag:s0] =	ssyncadd.remote.s32 $0x1  }
0xbe: {  	_ =	sfence.sel $0xFFFF  }
0xbf: {  	[dreg:$0x0] =	wrdreg $0xFFFFFFFF;
	(pc) =	sbr.abs _section_cstart, $3  }
0xc0: {  	[dreg:$0x1] =	wrdreg $0xFFFFFFFF  }
0xc1: {  	_ =	task.clear_ibuf [dreg:s7], $0x2FFFF;
	_ =	strace $0x9FFFFFFF  }
0xc2: {  	(tm) =	ssettm $0x7FFFFFFF  }
0xc3: {  	_ =	shalt  }
tec
execute0_lowered:
.L_overlay_start_1:
0x0: {  	(tag) =	ssettag $0x1  }
0x1: {  	s0 =	rddreg [dreg:$0x0];
	s2 =	srdreg.scid  }
0x2: {  	s5 =	rddreg [dreg:$0x1];
	s1 =	stileid.u32  }
0x3: {  	s10 =	simm.s32 $0x5;
	s11 =	simm.s32 $0x4000;
	s12 =	simm.s32 $0x400  }
0x4: {  	s13 =	simm.s32 $0x8000;
	s14 =	simm.s32 $0xA400;
	s15 =	simm.s32 $0x10800  }
0x5: {  	s16 =	simm.s32 $0x16C00;
	s17 =	simm.s32 $0x1;
	s18 =	simm.s32 $0x2  }
0x6: {  	s19 =	simm.s32 $0x3;
	s20 =	simm.s32 $0x4;
	s21 =	simm.s32 $0x0  }
0x7: {  	s3 =	sand.u32 $0x1, s2;
	s6 =	sshll.u32 s1, $0x8;
	s2 =	simm.s32 $0x0  }
0x8: {  	v0 =	vlaneseq.u32;
	v2 =	vimm.f32 $0.0e+00;
	v3 =	vimm.f32 $1.000000000e+00;
	s7 =	sshll.u32 s3, $0x7;
	s3 =	ssub.s32 $0x2, s3;
	[smem:$0x7FF] =	sst s2  }
0x9: {  	v1 =	vmul.u32 $0x80, v0;
	v5 =	vor.u32 $0x10, v0;
	v7 =	vor.u32 $0x20, v0;
	s31 =	sadd.s32 s6, s5;
	s4 =	sor.u32 s7, s6;
	s9 =	sshrl.u32 s3, $0x1  }
0xa: {  	v9 =	vor.u32 $0x30, v0;
	v11 =	vor.u32 $0x40, v0;
	v13 =	vor.u32 $0x50, v0;
	_ =	strace $0x80000047;
	s8 =	sshll.u32 s4, $0x4;
	s4 =	sadd.s32 s5, s4  }
0xb: {  	v15 =	vor.u32 $0x60, v0;
	v17 =	vor.u32 $0x70, v0;
	v4 =	vor.u32 $0x800, v1;
	s30 =	ssub.s32 s3, s9;
	s0 =	sadd.s32 s8, s0;
	s5 =	sadd.s32 $0x19000, s4  }
0xc: {  	v6 =	vor.u32 $0x1000, v1;
	v8 =	vor.u32 $0x1800, v1;
	v10 =	vor.u32 $0x2000, v1;
	s6 =	sadd.s32 $0x32000, s4;
	s3 =	sadd.s32 $0x400, s0;
	s0 =	sadd.s32 s7, s31  }
0xd: {  	v12 =	vor.u32 $0x2800, v1;
	v14 =	vor.u32 $0x3000, v1;
	v16 =	vor.u32 $0x3800, v1;
	s8 =	smax.u32 s30, $0x1;
	s7 =	sadd.s32 $0x4B000, s4;
	s0 =	sadd.s32 $0xAF000, s0  }
.LBB2_1:
0xe: {  	[tilespmem:s2], [sflag:$0x5] =	stream.linear.gather [hbm4b:s3+s2], $0x4000, $0x38;
	[tilespmem:$0x1D000] =	vst v63  }
0xf: {  	_ =	swait.ge [sflag:s10], $0x4000  }
0x10: {  	[sflag:s10] =	ssyncset.done $0x0  }
0x11: {  	s9 =	simm.s32 $0x0;
	s22 =	simm.s32 $0x200;
	[sflag:s10] =	ssyncadd.s32 $0xFFFFC000  }
.LBB2_2:
0x12: {  	p0 =	sne.s32 s22, $0x18E00;
	[tilespmem:s9+$0x4070] =	vst v2  }
0x13: {  	[tilespmem:s9+$0x4000] =	vst v2  }
0x14: {  	[tilespmem:s9+$0x4010] =	vst v2  }
.Ltmp0:
0x15: {  	[tilespmem:s9+$0x4020] =	vst v2;
	(pc) =	sbr.rel @p0 .LBB2_2-.Ltmp0, $4  }
0x16: {  	[tilespmem:s9+$0x4030] =	vst v2  }
0x17: {  	[tilespmem:s9+$0x4040] =	vst v2  }
0x18: {  	[tilespmem:s9+$0x4050] =	vst v2  }
0x19: {  	[tilespmem:s9+$0x4060] =	vst v2;
	s9 =	sshra.s32 s22, $0x2;
	s22 =	sadd.s32 $0x200, s22  }
0x1a: {  	[tilespmem:s9+$0x4070] =	vst v2  }
0x1b: {  	[tilespmem:s9+$0x4000] =	vst v2  }
0x1c: {  	[tilespmem:s9+$0x4010] =	vst v2  }
0x1d: {  	[tilespmem:s9+$0x4020] =	vst v2  }
0x1e: {  	[tilespmem:s9+$0x4030] =	vst v2  }
0x1f: {  	[tilespmem:s9+$0x4040] =	vst v2  }
0x20: {  	[tilespmem:s9+$0x4050] =	vst v2  }
0x21: {  	[tilespmem:s9+$0x4060] =	vst v2;
	s31 =	simm.s32 $0x0  }
0x22: {  	v18 =	vld.idx.msk [tilespmem:v1+s31+$0x0], $0xffff;
	_ =	sdelay $0x4  }
0x23: {  	v19 =	vshll.u32 v18, $0x7  }
0x24: {  	vm0 =	vlt.u32 v18, $0xC8;
	v18 =	vor.u32 v0, v19  }
0x25: {  	v18 =	vsel vm0, v18, v0;
	_ =	sdelay $0x4  }
0x26: {  	[tilespmem:v18+s11+$0x0] =	vst.idx.msk vm0, v3  }
0x27: {  	v18 =	vld.idx.msk [tilespmem:v4+s31+$0x0], $0xffff;
	_ =	sdelay $0x4  }
0x28: {  	v19 =	vshll.u32 v18, $0x7  }
0x29: {  	vm9 =	vlt.u32 v18, $0xC8;
	v18 =	vor.u32 v5, v19  }
0x2a: {  	v18 =	vsel vm9, v18, v5;
	_ =	sdelay $0x4  }
0x2b: {  	[tilespmem:v18+s11+$0x0] =	vst.idx.msk vm9, v3  }
0x2c: {  	v18 =	vld.idx.msk [tilespmem:v6+s31+$0x0], $0xffff;
	_ =	sdelay $0x4  }
0x2d: {  	v19 =	vshll.u32 v18, $0x7  }
0x2e: {  	vm10 =	vlt.u32 v18, $0xC8;
	v18 =	vor.u32 v7, v19  }
0x2f: {  	v18 =	vsel vm10, v18, v7;
	_ =	sdelay $0x4  }
0x30: {  	[tilespmem:v18+s11+$0x0] =	vst.idx.msk vm10, v3  }
0x31: {  	v18 =	vld.idx.msk [tilespmem:v8+s31+$0x0], $0xffff;
	_ =	sdelay $0x4  }
0x32: {  	v19 =	vshll.u32 v18, $0x7  }
0x33: {  	vm11 =	vlt.u32 v18, $0xC8;
	v18 =	vor.u32 v9, v19  }
0x34: {  	v18 =	vsel vm11, v18, v9;
	_ =	sdelay $0x4  }
0x35: {  	[tilespmem:v18+s11+$0x0] =	vst.idx.msk vm11, v3  }
0x36: {  	v18 =	vld.idx.msk [tilespmem:v10+s31+$0x0], $0xffff;
	_ =	sdelay $0x4  }
0x37: {  	v19 =	vshll.u32 v18, $0x7  }
0x38: {  	vm12 =	vlt.u32 v18, $0xC8;
	v18 =	vor.u32 v11, v19  }
0x39: {  	v18 =	vsel vm12, v18, v11;
	_ =	sdelay $0x4  }
0x3a: {  	[tilespmem:v18+s11+$0x0] =	vst.idx.msk vm12, v3  }
0x3b: {  	v18 =	vld.idx.msk [tilespmem:v12+s31+$0x0], $0xffff;
	_ =	sdelay $0x4  }
0x3c: {  	v19 =	vshll.u32 v18, $0x7  }
0x3d: {  	vm13 =	vlt.u32 v18, $0xC8;
	v18 =	vor.u32 v13, v19  }
0x3e: {  	v18 =	vsel vm13, v18, v13;
	_ =	sdelay $0x4  }
0x3f: {  	[tilespmem:v18+s11+$0x0] =	vst.idx.msk vm13, v3  }
0x40: {  	v18 =	vld.idx.msk [tilespmem:v14+s31+$0x0], $0xffff;
	_ =	sdelay $0x4  }
0x41: {  	v19 =	vshll.u32 v18, $0x7  }
0x42: {  	vm14 =	vlt.u32 v18, $0xC8;
	v18 =	vor.u32 v15, v19  }
0x43: {  	v18 =	vsel vm14, v18, v15;
	_ =	sdelay $0x4  }
0x44: {  	[tilespmem:v18+s11+$0x0] =	vst.idx.msk vm14, v3  }
0x45: {  	v18 =	vld.idx.msk [tilespmem:v16+s31+$0x0], $0xffff;
	_ =	sdelay $0x4  }
0x46: {  	v19 =	vshll.u32 v18, $0x7  }
0x47: {  	vm15 =	vlt.u32 v18, $0xC8;
	v18 =	vor.u32 v17, v19  }
0x48: {  	v18 =	vsel vm15, v18, v17;
	_ =	sdelay $0x4  }
0x49: {  	s9 =	simm.s32 $0x0;
	s22 =	simm.s32 $0x200;
	[tilespmem:v18+s11+$0x0] =	vst.idx.msk vm15, v3  }
0x4a: {  	[hbm4b:s4+s12] =	stream.strided.scatter [tilespmem:s11], [sflag:$0x1], $0x6400, s13, s12, $0x38;
	[tilespmem:$0x1D000] =	vst v63  }
.LBB2_4:
0x4b: {  	p0 =	sne.s32 s22, $0x18E00;
	[tilespmem:s9+$0xA470] =	vst v2  }
0x4c: {  	[tilespmem:s9+$0xA400] =	vst v2  }
0x4d: {  	[tilespmem:s9+$0xA410] =	vst v2  }
.Ltmp1:
0x4e: {  	[tilespmem:s9+$0xA420] =	vst v2;
	(pc) =	sbr.rel @p0 .LBB2_4-.Ltmp1, $4  }
0x4f: {  	[tilespmem:s9+$0xA430] =	vst v2  }
0x50: {  	[tilespmem:s9+$0xA440] =	vst v2  }
0x51: {  	[tilespmem:s9+$0xA450] =	vst v2  }
0x52: {  	[tilespmem:s9+$0xA460] =	vst v2;
	s9 =	sshra.s32 s22, $0x2;
	s22 =	sadd.s32 $0x200, s22  }
0x53: {  	[tilespmem:s9+$0xA470] =	vst v2  }
0x54: {  	[tilespmem:s9+$0xA400] =	vst v2  }
0x55: {  	[tilespmem:s9+$0xA410] =	vst v2  }
0x56: {  	[tilespmem:s9+$0xA420] =	vst v2  }
0x57: {  	[tilespmem:s9+$0xA430] =	vst v2  }
0x58: {  	[tilespmem:s9+$0xA440] =	vst v2  }
0x59: {  	[tilespmem:s9+$0xA450] =	vst v2  }
0x5a: {  	[tilespmem:s9+$0xA460] =	vst v2;
	s31 =	simm.s32 $0x0  }
0x5b: {  	v18 =	vld.idx.msk [tilespmem:v1+s31+$0x0], $0xffff;
	_ =	sdelay $0x4  }
0x5c: {  	v18 =	vadd.s32 $0xFFFFFF38, v18  }
0x5d: {  	v19 =	vshll.u32 v18, $0x7  }
0x5e: {  	vm0 =	vlt.u32 v18, $0xC8;
	v18 =	vor.u32 v0, v19  }
0x5f: {  	v18 =	vsel vm0, v18, v0;
	_ =	sdelay $0x4  }
0x60: {  	[tilespmem:v18+s14+$0x0] =	vst.idx.msk vm0, v3  }
0x61: {  	v18 =	vld.idx.msk [tilespmem:v4+s31+$0x0], $0xffff;
	_ =	sdelay $0x4  }
0x62: {  	v18 =	vadd.s32 $0xFFFFFF38, v18  }
0x63: {  	v19 =	vshll.u32 v18, $0x7  }
0x64: {  	vm9 =	vlt.u32 v18, $0xC8;
	v18 =	vor.u32 v5, v19  }
0x65: {  	v18 =	vsel vm9, v18, v5;
	_ =	sdelay $0x4  }
0x66: {  	[tilespmem:v18+s14+$0x0] =	vst.idx.msk vm9, v3  }
0x67: {  	v18 =	vld.idx.msk [tilespmem:v6+s31+$0x0], $0xffff;
	_ =	sdelay $0x4  }
0x68: {  	v18 =	vadd.s32 $0xFFFFFF38, v18  }
0x69: {  	v19 =	vshll.u32 v18, $0x7  }
0x6a: {  	vm10 =	vlt.u32 v18, $0xC8;
	v18 =	vor.u32 v7, v19  }
0x6b: {  	v18 =	vsel vm10, v18, v7;
	_ =	sdelay $0x4  }
0x6c: {  	[tilespmem:v18+s14+$0x0] =	vst.idx.msk vm10, v3  }
0x6d: {  	v18 =	vld.idx.msk [tilespmem:v8+s31+$0x0], $0xffff;
	_ =	sdelay $0x4  }
0x6e: {  	v18 =	vadd.s32 $0xFFFFFF38, v18  }
0x6f: {  	v19 =	vshll.u32 v18, $0x7  }
0x70: {  	vm11 =	vlt.u32 v18, $0xC8;
	v18 =	vor.u32 v9, v19  }
0x71: {  	v18 =	vsel vm11, v18, v9;
	_ =	sdelay $0x4  }
0x72: {  	[tilespmem:v18+s14+$0x0] =	vst.idx.msk vm11, v3  }
0x73: {  	v18 =	vld.idx.msk [tilespmem:v10+s31+$0x0], $0xffff;
	_ =	sdelay $0x4  }
0x74: {  	v18 =	vadd.s32 $0xFFFFFF38, v18  }
0x75: {  	v19 =	vshll.u32 v18, $0x7  }
0x76: {  	vm12 =	vlt.u32 v18, $0xC8;
	v18 =	vor.u32 v11, v19  }
0x77: {  	v18 =	vsel vm12, v18, v11;
	_ =	sdelay $0x4  }
0x78: {  	[tilespmem:v18+s14+$0x0] =	vst.idx.msk vm12, v3  }
0x79: {  	v18 =	vld.idx.msk [tilespmem:v12+s31+$0x0], $0xffff;
	_ =	sdelay $0x4  }
0x7a: {  	v18 =	vadd.s32 $0xFFFFFF38, v18  }
0x7b: {  	v19 =	vshll.u32 v18, $0x7  }
0x7c: {  	vm13 =	vlt.u32 v18, $0xC8;
	v18 =	vor.u32 v13, v19  }
0x7d: {  	v18 =	vsel vm13, v18, v13;
	_ =	sdelay $0x4  }
0x7e: {  	[tilespmem:v18+s14+$0x0] =	vst.idx.msk vm13, v3  }
0x7f: {  	v18 =	vld.idx.msk [tilespmem:v14+s31+$0x0], $0xffff;
	_ =	sdelay $0x4  }
0x80: {  	v18 =	vadd.s32 $0xFFFFFF38, v18  }
0x81: {  	v19 =	vshll.u32 v18, $0x7  }
0x82: {  	vm14 =	vlt.u32 v18, $0xC8;
	v18 =	vor.u32 v15, v19  }
0x83: {  	v18 =	vsel vm14, v18, v15;
	_ =	sdelay $0x4  }
0x84: {  	[tilespmem:v18+s14+$0x0] =	vst.idx.msk vm14, v3  }
0x85: {  	v18 =	vld.idx.msk [tilespmem:v16+s31+$0x0], $0xffff;
	_ =	sdelay $0x4  }
0x86: {  	v18 =	vadd.s32 $0xFFFFFF38, v18  }
0x87: {  	v19 =	vshll.u32 v18, $0x7  }
0x88: {  	vm15 =	vlt.u32 v18, $0xC8;
	v18 =	vor.u32 v17, v19  }
0x89: {  	v18 =	vsel vm15, v18, v17;
	_ =	sdelay $0x4  }
0x8a: {  	s9 =	simm.s32 $0x0;
	s22 =	simm.s32 $0x200;
	[tilespmem:v18+s14+$0x0] =	vst.idx.msk vm15, v3  }
0x8b: {  	[hbm4b:s5+s12] =	stream.strided.scatter [tilespmem:s14], [sflag:$0x2], $0x6400, s13, s12, $0x38;
	[tilespmem:$0x1D000] =	vst v63  }
.LBB2_6:
0x8c: {  	p0 =	sne.s32 s22, $0x18E00;
	[tilespmem:s9+$0x10870] =	vst v2  }
0x8d: {  	[tilespmem:s9+$0x10800] =	vst v2  }
0x8e: {  	[tilespmem:s9+$0x10810] =	vst v2  }
.Ltmp2:
0x8f: {  	[tilespmem:s9+$0x10820] =	vst v2;
	(pc) =	sbr.rel @p0 .LBB2_6-.Ltmp2, $4  }
0x90: {  	[tilespmem:s9+$0x10830] =	vst v2  }
0x91: {  	[tilespmem:s9+$0x10840] =	vst v2  }
0x92: {  	[tilespmem:s9+$0x10850] =	vst v2  }
0x93: {  	[tilespmem:s9+$0x10860] =	vst v2;
	s9 =	sshra.s32 s22, $0x2;
	s22 =	sadd.s32 $0x200, s22  }
0x94: {  	[tilespmem:s9+$0x10870] =	vst v2  }
0x95: {  	[tilespmem:s9+$0x10800] =	vst v2  }
0x96: {  	[tilespmem:s9+$0x10810] =	vst v2  }
0x97: {  	[tilespmem:s9+$0x10820] =	vst v2  }
0x98: {  	[tilespmem:s9+$0x10830] =	vst v2  }
0x99: {  	[tilespmem:s9+$0x10840] =	vst v2  }
0x9a: {  	[tilespmem:s9+$0x10850] =	vst v2  }
0x9b: {  	[tilespmem:s9+$0x10860] =	vst v2;
	s31 =	simm.s32 $0x0  }
0x9c: {  	v18 =	vld.idx.msk [tilespmem:v1+s31+$0x0], $0xffff;
	_ =	sdelay $0x4  }
0x9d: {  	v18 =	vadd.s32 $0xFFFFFE70, v18  }
0x9e: {  	v19 =	vshll.u32 v18, $0x7  }
0x9f: {  	vm0 =	vlt.u32 v18, $0xC8;
	v18 =	vor.u32 v0, v19  }
0xa0: {  	v18 =	vsel vm0, v18, v0;
	_ =	sdelay $0x4  }
0xa1: {  	[tilespmem:v18+s15+$0x0] =	vst.idx.msk vm0, v3  }
0xa2: {  	v18 =	vld.idx.msk [tilespmem:v4+s31+$0x0], $0xffff;
	_ =	sdelay $0x4  }
0xa3: {  	v18 =	vadd.s32 $0xFFFFFE70, v18  }
0xa4: {  	v19 =	vshll.u32 v18, $0x7  }
0xa5: {  	vm9 =	vlt.u32 v18, $0xC8;
	v18 =	vor.u32 v5, v19  }
0xa6: {  	v18 =	vsel vm9, v18, v5;
	_ =	sdelay $0x4  }
0xa7: {  	[tilespmem:v18+s15+$0x0] =	vst.idx.msk vm9, v3  }
0xa8: {  	v18 =	vld.idx.msk [tilespmem:v6+s31+$0x0], $0xffff;
	_ =	sdelay $0x4  }
0xa9: {  	v18 =	vadd.s32 $0xFFFFFE70, v18  }
0xaa: {  	v19 =	vshll.u32 v18, $0x7  }
0xab: {  	vm10 =	vlt.u32 v18, $0xC8;
	v18 =	vor.u32 v7, v19  }
0xac: {  	v18 =	vsel vm10, v18, v7;
	_ =	sdelay $0x4  }
0xad: {  	[tilespmem:v18+s15+$0x0] =	vst.idx.msk vm10, v3  }
0xae: {  	v18 =	vld.idx.msk [tilespmem:v8+s31+$0x0], $0xffff;
	_ =	sdelay $0x4  }
0xaf: {  	v18 =	vadd.s32 $0xFFFFFE70, v18  }
0xb0: {  	v19 =	vshll.u32 v18, $0x7  }
0xb1: {  	vm11 =	vlt.u32 v18, $0xC8;
	v18 =	vor.u32 v9, v19  }
0xb2: {  	v18 =	vsel vm11, v18, v9;
	_ =	sdelay $0x4  }
0xb3: {  	[tilespmem:v18+s15+$0x0] =	vst.idx.msk vm11, v3  }
0xb4: {  	v18 =	vld.idx.msk [tilespmem:v10+s31+$0x0], $0xffff;
	_ =	sdelay $0x4  }
0xb5: {  	v18 =	vadd.s32 $0xFFFFFE70, v18  }
0xb6: {  	v19 =	vshll.u32 v18, $0x7  }
0xb7: {  	vm12 =	vlt.u32 v18, $0xC8;
	v18 =	vor.u32 v11, v19  }
0xb8: {  	v18 =	vsel vm12, v18, v11;
	_ =	sdelay $0x4  }
0xb9: {  	[tilespmem:v18+s15+$0x0] =	vst.idx.msk vm12, v3  }
0xba: {  	v18 =	vld.idx.msk [tilespmem:v12+s31+$0x0], $0xffff;
	_ =	sdelay $0x4  }
0xbb: {  	v18 =	vadd.s32 $0xFFFFFE70, v18  }
0xbc: {  	v19 =	vshll.u32 v18, $0x7  }
0xbd: {  	vm13 =	vlt.u32 v18, $0xC8;
	v18 =	vor.u32 v13, v19  }
0xbe: {  	v18 =	vsel vm13, v18, v13;
	_ =	sdelay $0x4  }
0xbf: {  	[tilespmem:v18+s15+$0x0] =	vst.idx.msk vm13, v3  }
0xc0: {  	v18 =	vld.idx.msk [tilespmem:v14+s31+$0x0], $0xffff;
	_ =	sdelay $0x4  }
0xc1: {  	v18 =	vadd.s32 $0xFFFFFE70, v18  }
0xc2: {  	v19 =	vshll.u32 v18, $0x7  }
0xc3: {  	vm14 =	vlt.u32 v18, $0xC8;
	v18 =	vor.u32 v15, v19  }
0xc4: {  	v18 =	vsel vm14, v18, v15;
	_ =	sdelay $0x4  }
0xc5: {  	[tilespmem:v18+s15+$0x0] =	vst.idx.msk vm14, v3  }
0xc6: {  	v18 =	vld.idx.msk [tilespmem:v16+s31+$0x0], $0xffff;
	_ =	sdelay $0x4  }
0xc7: {  	v18 =	vadd.s32 $0xFFFFFE70, v18  }
0xc8: {  	v19 =	vshll.u32 v18, $0x7  }
0xc9: {  	vm15 =	vlt.u32 v18, $0xC8;
	v18 =	vor.u32 v17, v19  }
0xca: {  	v18 =	vsel vm15, v18, v17;
	_ =	sdelay $0x4  }
0xcb: {  	s9 =	simm.s32 $0x0;
	s22 =	simm.s32 $0x200;
	[tilespmem:v18+s15+$0x0] =	vst.idx.msk vm15, v3  }
0xcc: {  	[hbm4b:s6+s12] =	stream.strided.scatter [tilespmem:s15], [sflag:$0x3], $0x6400, s13, s12, $0x38;
	[tilespmem:$0x1D000] =	vst v63  }
.LBB2_8:
0xcd: {  	p0 =	sne.s32 s22, $0x18E00;
	[tilespmem:s9+$0x16C70] =	vst v2  }
0xce: {  	[tilespmem:s9+$0x16C00] =	vst v2  }
0xcf: {  	[tilespmem:s9+$0x16C10] =	vst v2  }
.Ltmp3:
0xd0: {  	[tilespmem:s9+$0x16C20] =	vst v2;
	(pc) =	sbr.rel @p0 .LBB2_8-.Ltmp3, $4  }
0xd1: {  	[tilespmem:s9+$0x16C30] =	vst v2  }
0xd2: {  	[tilespmem:s9+$0x16C40] =	vst v2  }
0xd3: {  	[tilespmem:s9+$0x16C50] =	vst v2  }
0xd4: {  	[tilespmem:s9+$0x16C60] =	vst v2;
	s9 =	sshra.s32 s22, $0x2;
	s22 =	sadd.s32 $0x200, s22  }
0xd5: {  	[tilespmem:s9+$0x16C70] =	vst v2  }
0xd6: {  	[tilespmem:s9+$0x16C00] =	vst v2  }
0xd7: {  	[tilespmem:s9+$0x16C10] =	vst v2  }
0xd8: {  	[tilespmem:s9+$0x16C20] =	vst v2  }
0xd9: {  	[tilespmem:s9+$0x16C30] =	vst v2  }
0xda: {  	[tilespmem:s9+$0x16C40] =	vst v2  }
0xdb: {  	[tilespmem:s9+$0x16C50] =	vst v2  }
0xdc: {  	[tilespmem:s9+$0x16C60] =	vst v2;
	s22 =	simm.s32 $0x0  }
0xdd: {  	v18 =	vld.idx.msk [tilespmem:v1+s22+$0x0], $0xffff;
	_ =	sdelay $0x4  }
0xde: {  	v18 =	vadd.s32 $0xFFFFFDA8, v18  }
0xdf: {  	v19 =	vshll.u32 v18, $0x7  }
0xe0: {  	vm0 =	vlt.u32 v18, $0xC8;
	v18 =	vor.u32 v0, v19  }
0xe1: {  	v18 =	vsel vm0, v18, v0;
	_ =	sdelay $0x4  }
0xe2: {  	[tilespmem:v18+s16+$0x0] =	vst.idx.msk vm0, v3  }
0xe3: {  	v18 =	vld.idx.msk [tilespmem:v4+s22+$0x0], $0xffff;
	_ =	sdelay $0x4  }
0xe4: {  	v18 =	vadd.s32 $0xFFFFFDA8, v18  }
0xe5: {  	v19 =	vshll.u32 v18, $0x7  }
0xe6: {  	vm9 =	vlt.u32 v18, $0xC8;
	v18 =	vor.u32 v5, v19  }
0xe7: {  	v18 =	vsel vm9, v18, v5;
	_ =	sdelay $0x4  }
0xe8: {  	[tilespmem:v18+s16+$0x0] =	vst.idx.msk vm9, v3  }
0xe9: {  	v18 =	vld.idx.msk [tilespmem:v6+s22+$0x0], $0xffff;
	_ =	sdelay $0x4  }
0xea: {  	v18 =	vadd.s32 $0xFFFFFDA8, v18  }
0xeb: {  	v19 =	vshll.u32 v18, $0x7  }
0xec: {  	vm10 =	vlt.u32 v18, $0xC8;
	v18 =	vor.u32 v7, v19  }
0xed: {  	v18 =	vsel vm10, v18, v7;
	_ =	sdelay $0x4  }
0xee: {  	[tilespmem:v18+s16+$0x0] =	vst.idx.msk vm10, v3  }
0xef: {  	v18 =	vld.idx.msk [tilespmem:v8+s22+$0x0], $0xffff;
	_ =	sdelay $0x4  }
0xf0: {  	v18 =	vadd.s32 $0xFFFFFDA8, v18  }
0xf1: {  	v19 =	vshll.u32 v18, $0x7  }
0xf2: {  	vm11 =	vlt.u32 v18, $0xC8;
	v18 =	vor.u32 v9, v19  }
0xf3: {  	v18 =	vsel vm11, v18, v9;
	_ =	sdelay $0x4  }
0xf4: {  	[tilespmem:v18+s16+$0x0] =	vst.idx.msk vm11, v3  }
0xf5: {  	v18 =	vld.idx.msk [tilespmem:v10+s22+$0x0], $0xffff;
	_ =	sdelay $0x4  }
0xf6: {  	v18 =	vadd.s32 $0xFFFFFDA8, v18  }
0xf7: {  	v19 =	vshll.u32 v18, $0x7  }
0xf8: {  	vm12 =	vlt.u32 v18, $0xC8;
	v18 =	vor.u32 v11, v19  }
0xf9: {  	v18 =	vsel vm12, v18, v11;
	_ =	sdelay $0x4  }
0xfa: {  	[tilespmem:v18+s16+$0x0] =	vst.idx.msk vm12, v3  }
0xfb: {  	v18 =	vld.idx.msk [tilespmem:v12+s22+$0x0], $0xffff;
	_ =	sdelay $0x4  }
0xfc: {  	v18 =	vadd.s32 $0xFFFFFDA8, v18  }
0xfd: {  	v19 =	vshll.u32 v18, $0x7  }
0xfe: {  	vm13 =	vlt.u32 v18, $0xC8;
	v18 =	vor.u32 v13, v19  }
0xff: {  	v18 =	vsel vm13, v18, v13;
	_ =	sdelay $0x4  }
0x100: {  	[tilespmem:v18+s16+$0x0] =	vst.idx.msk vm13, v3  }
0x101: {  	v18 =	vld.idx.msk [tilespmem:v14+s22+$0x0], $0xffff;
	_ =	sdelay $0x4  }
0x102: {  	v18 =	vadd.s32 $0xFFFFFDA8, v18  }
0x103: {  	v19 =	vshll.u32 v18, $0x7  }
0x104: {  	vm14 =	vlt.u32 v18, $0xC8;
	v18 =	vor.u32 v15, v19  }
0x105: {  	v18 =	vsel vm14, v18, v15;
	_ =	sdelay $0x4  }
0x106: {  	[tilespmem:v18+s16+$0x0] =	vst.idx.msk vm14, v3  }
0x107: {  	v18 =	vld.idx.msk [tilespmem:v16+s22+$0x0], $0xffff;
	_ =	sdelay $0x4  }
0x108: {  	v18 =	vadd.s32 $0xFFFFFDA8, v18  }
0x109: {  	v19 =	vshll.u32 v18, $0x7  }
0x10a: {  	vm15 =	vlt.u32 v18, $0xC8;
	v18 =	vor.u32 v17, v19  }
0x10b: {  	v18 =	vsel vm15, v18, v17;
	_ =	sdelay $0x2  }
0x10c: {  	s23 =	simm.s32 $0x5999B;
	s24 =	simm.s32 $0x4CCCE;
	s25 =	simm.s32 $0x40001  }
0x10d: {  	s26 =	simm.s32 $0x33334;
	s28 =	simm.s32 $0xCCCD;
	s29 =	simm.s32 $0x1999A  }
0x10e: {  	s30 =	simm.s32 $0x26667;
	s31 =	simm.s32 $0x0;
	s9 =	smov.u32 s0;
	[tilespmem:v18+s16+$0x0] =	vst.idx.msk vm15, v3  }
0x10f: {  	[hbm4b:s7+s12] =	stream.strided.scatter [tilespmem:s16], [sflag:$0x4], $0x6400, s13, s12, $0x38;
	[tilespmem:$0x1D000] =	vst v63  }
.LBB2_10:
0x110: {  	s1 =	sadd.s32 $0xFFFA6665, s23  }
0x111: {  	s1 =	sshrl.u32 s1, $0x12  }
0x112: {  	v18 =	vmov s1  }
0x113: {  	v18 =	vand.u32 $0x1FFF, v18  }
0x114: {  	v19 =	vadd.s32 v1, v18;
	_ =	sdelay $0x1  }
0x115: {  	_ =	swait.ge [sflag:s17], $0x6400  }
0x116: {  	[sflag:s17] =	ssyncset.done $0x0  }
0x117: {  	[sflag:s17] =	ssyncadd.s32 $0xFFFF9C00  }
0x118: {  	s1 =	sshrl.u32 s22, $0x12;
	v19 =	vld.idx.msk [tilespmem:v19+s2+$0x0], $0xffff  }
0x119: {  	s1 =	smul.u32 $0xFFFFFC18, s1;
	_ =	sdelay $0x1  }
0x11a: {  	s1 =	sadd.s32 s1, s31  }
0x11b: {  	v20 =	vmov s1  }
0x11c: {  	v19 =	vsub.s32 v19, v20  }
0x11d: {  	v21 =	vshll.u32 v19, $0x7  }
0x11e: {  	vm0 =	vlt.u32 v19, $0xC8;
	v19 =	vor.u32 v0, v21  }
0x11f: {  	v19 =	vsel vm0, v19, v0  }
0x120: {  	v30 =	vadd.s32 v4, v18;
	_ =	sdelay $0x3  }
0x121: {  	[tilespmem:v19+s11+$0x0] =	vst.idx.msk vm0, v2  }
0x122: {  	v19 =	vld.idx.msk [tilespmem:v30+s2+$0x0], $0xffff;
	_ =	sdelay $0x4  }
0x123: {  	v19 =	vsub.s32 v19, v20  }
0x124: {  	v31 =	vshll.u32 v19, $0x7  }
0x125: {  	vm13 =	vlt.u32 v19, $0xC8;
	v19 =	vor.u32 v5, v31  }
0x126: {  	v19 =	vsel vm13, v19, v5  }
0x127: {  	v32 =	vadd.s32 v6, v18;
	_ =	sdelay $0x3  }
0x128: {  	[tilespmem:v19+s11+$0x0] =	vst.idx.msk vm13, v2  }
0x129: {  	v19 =	vld.idx.msk [tilespmem:v32+s2+$0x0], $0xffff;
	_ =	sdelay $0x4  }
0x12a: {  	v19 =	vsub.s32 v19, v20  }
0x12b: {  	v33 =	vshll.u32 v19, $0x7  }
0x12c: {  	vm14 =	vlt.u32 v19, $0xC8;
	v19 =	vor.u32 v7, v33  }
0x12d: {  	v19 =	vsel vm14, v19, v7  }
0x12e: {  	v34 =	vadd.s32 v8, v18;
	_ =	sdelay $0x3  }
0x12f: {  	[tilespmem:v19+s11+$0x0] =	vst.idx.msk vm14, v2  }
0x130: {  	v19 =	vld.idx.msk [tilespmem:v34+s2+$0x0], $0xffff;
	_ =	sdelay $0x4  }
0x131: {  	v19 =	vsub.s32 v19, v20  }
0x132: {  	v35 =	vshll.u32 v19, $0x7  }
0x133: {  	vm15 =	vlt.u32 v19, $0xC8;
	v19 =	vor.u32 v9, v35  }
0x134: {  	v19 =	vsel vm15, v19, v9  }
0x135: {  	v36 =	vadd.s32 v10, v18;
	_ =	sdelay $0x3  }
0x136: {  	[tilespmem:v19+s11+$0x0] =	vst.idx.msk vm15, v2  }
0x137: {  	v19 =	vld.idx.msk [tilespmem:v36+s2+$0x0], $0xffff;
	_ =	sdelay $0x4  }
0x138: {  	v19 =	vsub.s32 v19, v20  }
0x139: {  	v37 =	vshll.u32 v19, $0x7  }
0x13a: {  	vm4 =	vlt.u32 v19, $0xC8;
	v19 =	vor.u32 v11, v37  }
0x13b: {  	v19 =	vsel vm4, v19, v11  }
0x13c: {  	v38 =	vadd.s32 v12, v18;
	_ =	sdelay $0x3  }
0x13d: {  	[tilespmem:v19+s11+$0x0] =	vst.idx.msk vm4, v2  }
0x13e: {  	v19 =	vld.idx.msk [tilespmem:v38+s2+$0x0], $0xffff;
	_ =	sdelay $0x4  }
0x13f: {  	v19 =	vsub.s32 v19, v20  }
0x140: {  	v39 =	vshll.u32 v19, $0x7  }
0x141: {  	vm5 =	vlt.u32 v19, $0xC8;
	v19 =	vor.u32 v13, v39  }
0x142: {  	v19 =	vsel vm5, v19, v13  }
0x143: {  	v40 =	vadd.s32 v14, v18;
	_ =	sdelay $0x3  }
0x144: {  	[tilespmem:v19+s11+$0x0] =	vst.idx.msk vm5, v2  }
0x145: {  	v19 =	vld.idx.msk [tilespmem:v40+s2+$0x0], $0xffff;
	_ =	sdelay $0x4  }
0x146: {  	v19 =	vsub.s32 v19, v20  }
0x147: {  	v41 =	vshll.u32 v19, $0x7  }
0x148: {  	vm6 =	vlt.u32 v19, $0xC8;
	v19 =	vor.u32 v15, v41  }
0x149: {  	v19 =	vsel vm6, v19, v15  }
0x14a: {  	v18 =	vadd.s32 v16, v18;
	_ =	sdelay $0x3  }
0x14b: {  	[tilespmem:v19+s11+$0x0] =	vst.idx.msk vm6, v2  }
0x14c: {  	v18 =	vld.idx.msk [tilespmem:v18+s2+$0x0], $0xffff;
	_ =	sdelay $0x2  }
0x14d: {  	s1 =	sadd.s32 $0xFFFD9999, s23  }
0x14e: {  	s1 =	sshrl.u32 s1, $0x12  }
0x14f: {  	v19 =	vmov s1;
	v18 =	vsub.s32 v18, v20  }
0x150: {  	v19 =	vand.u32 $0x7F, v19;
	v20 =	vshll.u32 v18, $0x7  }
0x151: {  	v19 =	vbroadcast v19, $0x0;
	vm7 =	vlt.u32 v18, $0xC8;
	v18 =	vor.u32 v17, v20  }
0x152: {  	v18 =	vsel vm7, v18, v17  }
0x153: {  	v42 =	vor.u32 v1, v19;
	_ =	sdelay $0x3  }
0x154: {  	s1 =	sshrl.u32 s26, $0x12;
	[tilespmem:v18+s11+$0x0] =	vst.idx.msk vm7, v2  }
0x155: {  	s1 =	smul.u32 $0x3E8, s1;
	v18 =	vld.idx.msk [tilespmem:v42+s2+$0x0], $0xffff;
	_ =	sdelay $0x1  }
0x156: {  	s1 =	ssub.s32 s31, s1  }
0x157: {  	s1 =	sadd.s32 $0x320, s1  }
0x158: {  	v43 =	vmov s1  }
0x159: {  	v18 =	vsub.s32 v18, v43  }
0x15a: {  	v44 =	vshll.u32 v18, $0x7  }
0x15b: {  	vm8 =	vlt.u32 v18, $0xC8;
	v18 =	vor.u32 v0, v44  }
0x15c: {  	v18 =	vsel vm8, v18, v0  }
0x15d: {  	v45 =	vor.u32 v4, v19;
	_ =	sdelay $0x3  }
0x15e: {  	[tilespmem:v18+s11+$0x0] =	vst.idx.msk vm8, v3  }
0x15f: {  	v18 =	vld.idx.msk [tilespmem:v45+s2+$0x0], $0xffff;
	_ =	sdelay $0x4  }
0x160: {  	v18 =	vsub.s32 v18, v43  }
0x161: {  	v46 =	vshll.u32 v18, $0x7  }
0x162: {  	vm9 =	vlt.u32 v18, $0xC8;
	v18 =	vor.u32 v5, v46  }
0x163: {  	v18 =	vsel vm9, v18, v5  }
0x164: {  	v47 =	vor.u32 v6, v19;
	_ =	sdelay $0x3  }
0x165: {  	[tilespmem:v18+s11+$0x0] =	vst.idx.msk vm9, v3  }
0x166: {  	v18 =	vld.idx.msk [tilespmem:v47+s2+$0x0], $0xffff;
	_ =	sdelay $0x4  }
0x167: {  	v18 =	vsub.s32 v18, v43  }
0x168: {  	v48 =	vshll.u32 v18, $0x7  }
0x169: {  	vm10 =	vlt.u32 v18, $0xC8;
	v18 =	vor.u32 v7, v48  }
0x16a: {  	v18 =	vsel vm10, v18, v7  }
0x16b: {  	v49 =	vor.u32 v8, v19;
	_ =	sdelay $0x3  }
0x16c: {  	[tilespmem:v18+s11+$0x0] =	vst.idx.msk vm10, v3  }
0x16d: {  	v18 =	vld.idx.msk [tilespmem:v49+s2+$0x0], $0xffff;
	_ =	sdelay $0x4  }
0x16e: {  	v18 =	vsub.s32 v18, v43  }
0x16f: {  	v50 =	vshll.u32 v18, $0x7  }
0x170: {  	vm11 =	vlt.u32 v18, $0xC8;
	v18 =	vor.u32 v9, v50  }
0x171: {  	v18 =	vsel vm11, v18, v9  }
0x172: {  	v51 =	vor.u32 v10, v19;
	_ =	sdelay $0x3  }
0x173: {  	[tilespmem:v18+s11+$0x0] =	vst.idx.msk vm11, v3  }
0x174: {  	v18 =	vld.idx.msk [tilespmem:v51+s2+$0x0], $0xffff;
	_ =	sdelay $0x4  }
0x175: {  	v18 =	vsub.s32 v18, v43  }
0x176: {  	v52 =	vshll.u32 v18, $0x7  }
0x177: {  	vm12 =	vlt.u32 v18, $0xC8;
	v18 =	vor.u32 v11, v52  }
0x178: {  	v18 =	vsel vm12, v18, v11  }
0x179: {  	v53 =	vor.u32 v12, v19;
	_ =	sdelay $0x3  }
0x17a: {  	[tilespmem:v18+s11+$0x0] =	vst.idx.msk vm12, v3  }
0x17b: {  	v18 =	vld.idx.msk [tilespmem:v53+s2+$0x0], $0xffff;
	_ =	sdelay $0x4  }
0x17c: {  	v18 =	vsub.s32 v18, v43  }
0x17d: {  	v54 =	vshll.u32 v18, $0x7  }
0x17e: {  	vm13 =	vlt.u32 v18, $0xC8;
	v18 =	vor.u32 v13, v54  }
0x17f: {  	v18 =	vsel vm13, v18, v13  }
0x180: {  	v55 =	vor.u32 v14, v19;
	_ =	sdelay $0x3  }
0x181: {  	[tilespmem:v18+s11+$0x0] =	vst.idx.msk vm13, v3  }
0x182: {  	v18 =	vld.idx.msk [tilespmem:v55+s2+$0x0], $0xffff;
	_ =	sdelay $0x4  }
0x183: {  	v18 =	vsub.s32 v18, v43  }
0x184: {  	v56 =	vshll.u32 v18, $0x7  }
0x185: {  	vm14 =	vlt.u32 v18, $0xC8;
	v18 =	vor.u32 v15, v56  }
0x186: {  	v18 =	vsel vm14, v18, v15  }
0x187: {  	v19 =	vor.u32 v16, v19;
	_ =	sdelay $0x3  }
0x188: {  	[tilespmem:v18+s11+$0x0] =	vst.idx.msk vm14, v3  }
0x189: {  	v18 =	vld.idx.msk [tilespmem:v19+s2+$0x0], $0xffff;
	_ =	sdelay $0x4  }
0x18a: {  	v18 =	vsub.s32 v18, v43  }
0x18b: {  	v19 =	vshll.u32 v18, $0x7  }
0x18c: {  	vm15 =	vlt.u32 v18, $0xC8;
	v18 =	vor.u32 v17, v19  }
0x18d: {  	v18 =	vsel vm15, v18, v17  }
0x18e: {  	s1 =	sadd.s32 $0xFFFB3332, s23  }
0x18f: {  	s1 =	sshrl.u32 s1, $0x12  }
0x190: {  	v19 =	vmov s1  }
0x191: {  	v19 =	vand.u32 $0x1FFF, v19  }
0x192: {  	s1 =	sadd.s32 $0xFFFB5000, s9;
	[tilespmem:v18+s11+$0x0] =	vst.idx.msk vm15, v3;
	v18 =	vadd.s32 v1, v19  }
0x193: {  	[hbm4b:s1+s12] =	stream.strided.scatter [tilespmem:s11], [sflag:$0x1], $0x6400, s13, s12, $0x38;
	[tilespmem:$0x1D000] =	vst v63  }
0x194: {  	_ =	swait.ge [sflag:s18], $0x6400  }
0x195: {  	[sflag:s18] =	ssyncset.done $0x0  }
0x196: {  	s1 =	sshrl.u32 s28, $0x12;
	[sflag:s18] =	ssyncadd.s32 $0xFFFF9C00  }
0x197: {  	s1 =	smul.u32 $0x3E8, s1;
	v18 =	vld.idx.msk [tilespmem:v18+s2+$0x0], $0xffff;
	_ =	sdelay $0x1  }
0x198: {  	s1 =	ssub.s32 s31, s1  }
0x199: {  	s1 =	sadd.s32 $0xC8, s1  }
0x19a: {  	v57 =	vmov s1  }
0x19b: {  	v18 =	vsub.s32 v18, v57  }
0x19c: {  	v58 =	vshll.u32 v18, $0x7  }
0x19d: {  	vm4 =	vlt.u32 v18, $0xC8;
	v18 =	vor.u32 v0, v58  }
0x19e: {  	v18 =	vsel vm4, v18, v0  }
0x19f: {  	v59 =	vadd.s32 v4, v19;
	_ =	sdelay $0x3  }
0x1a0: {  	[tilespmem:v18+s14+$0x0] =	vst.idx.msk vm4, v2  }
0x1a1: {  	v18 =	vld.idx.msk [tilespmem:v59+s2+$0x0], $0xffff;
	_ =	sdelay $0x4  }
0x1a2: {  	v18 =	vsub.s32 v18, v57  }
0x1a3: {  	v60 =	vshll.u32 v18, $0x7  }
0x1a4: {  	vm5 =	vlt.u32 v18, $0xC8;
	v18 =	vor.u32 v5, v60  }
0x1a5: {  	v18 =	vsel vm5, v18, v5  }
0x1a6: {  	v61 =	vadd.s32 v6, v19;
	_ =	sdelay $0x3  }
0x1a7: {  	[tilespmem:v18+s14+$0x0] =	vst.idx.msk vm5, v2  }
0x1a8: {  	v18 =	vld.idx.msk [tilespmem:v61+s2+$0x0], $0xffff;
	_ =	sdelay $0x4  }
0x1a9: {  	v18 =	vsub.s32 v18, v57  }
0x1aa: {  	v62 =	vshll.u32 v18, $0x7  }
0x1ab: {  	vm6 =	vlt.u32 v18, $0xC8;
	v18 =	vor.u32 v7, v62  }
0x1ac: {  	v18 =	vsel vm6, v18, v7  }
0x1ad: {  	v63 =	vadd.s32 v8, v19;
	_ =	sdelay $0x3  }
0x1ae: {  	[tilespmem:v18+s14+$0x0] =	vst.idx.msk vm6, v2  }
0x1af: {  	v18 =	vld.idx.msk [tilespmem:v63+s2+$0x0], $0xffff;
	_ =	sdelay $0x4  }
0x1b0: {  	v18 =	vsub.s32 v18, v57  }
0x1b1: {  	v24 =	vshll.u32 v18, $0x7  }
0x1b2: {  	vm7 =	vlt.u32 v18, $0xC8;
	v18 =	vor.u32 v9, v24  }
0x1b3: {  	v18 =	vsel vm7, v18, v9  }
0x1b4: {  	v25 =	vadd.s32 v10, v19;
	_ =	sdelay $0x3  }
0x1b5: {  	[tilespmem:v18+s14+$0x0] =	vst.idx.msk vm7, v2  }
0x1b6: {  	v18 =	vld.idx.msk [tilespmem:v25+s2+$0x0], $0xffff;
	_ =	sdelay $0x4  }
0x1b7: {  	v18 =	vsub.s32 v18, v57  }
0x1b8: {  	v26 =	vshll.u32 v18, $0x7  }
0x1b9: {  	vm8 =	vlt.u32 v18, $0xC8;
	v18 =	vor.u32 v11, v26  }
0x1ba: {  	v18 =	vsel vm8, v18, v11  }
0x1bb: {  	v27 =	vadd.s32 v12, v19;
	_ =	sdelay $0x3  }
0x1bc: {  	[tilespmem:v18+s14+$0x0] =	vst.idx.msk vm8, v2  }
0x1bd: {  	v18 =	vld.idx.msk [tilespmem:v27+s2+$0x0], $0xffff;
	_ =	sdelay $0x4  }
0x1be: {  	v18 =	vsub.s32 v18, v57  }
0x1bf: {  	v28 =	vshll.u32 v18, $0x7  }
0x1c0: {  	vm9 =	vlt.u32 v18, $0xC8;
	v18 =	vor.u32 v13, v28  }
0x1c1: {  	v18 =	vsel vm9, v18, v13  }
0x1c2: {  	v29 =	vadd.s32 v14, v19;
	_ =	sdelay $0x3  }
0x1c3: {  	[tilespmem:v18+s14+$0x0] =	vst.idx.msk vm9, v2  }
0x1c4: {  	v18 =	vld.idx.msk [tilespmem:v29+s2+$0x0], $0xffff;
	_ =	sdelay $0x4  }
0x1c5: {  	v18 =	vsub.s32 v18, v57  }
0x1c6: {  	v30 =	vshll.u32 v18, $0x7  }
0x1c7: {  	vm10 =	vlt.u32 v18, $0xC8;
	v18 =	vor.u32 v15, v30  }
0x1c8: {  	v18 =	vsel vm10, v18, v15  }
0x1c9: {  	v19 =	vadd.s32 v16, v19;
	_ =	sdelay $0x3  }
0x1ca: {  	[tilespmem:v18+s14+$0x0] =	vst.idx.msk vm10, v2  }
0x1cb: {  	v18 =	vld.idx.msk [tilespmem:v19+s2+$0x0], $0xffff;
	_ =	sdelay $0x4  }
0x1cc: {  	s1 =	sadd.s32 $0xFFFE6666, s23;
	v18 =	vsub.s32 v18, v57  }
0x1cd: {  	s1 =	sshrl.u32 s1, $0x12;
	v19 =	vshll.u32 v18, $0x7  }
0x1ce: {  	vm11 =	vlt.u32 v18, $0xC8;
	v18 =	vor.u32 v17, v19;
	v19 =	vmov s1  }
0x1cf: {  	v18 =	vsel vm11, v18, v17;
	v19 =	vand.u32 $0x1FFF, v19  }
0x1d0: {  	v31 =	vadd.s32 v1, v19;
	_ =	sdelay $0x3  }
0x1d1: {  	s1 =	sshrl.u32 s25, $0x12;
	[tilespmem:v18+s14+$0x0] =	vst.idx.msk vm11, v2  }
0x1d2: {  	s1 =	smul.u32 $0x3E8, s1;
	v18 =	vld.idx.msk [tilespmem:v31+s2+$0x0], $0xffff;
	_ =	sdelay $0x1  }
0x1d3: {  	s1 =	ssub.s32 s31, s1  }
0x1d4: {  	s1 =	sadd.s32 $0x3E8, s1  }
0x1d5: {  	v32 =	vmov s1  }
0x1d6: {  	v18 =	vsub.s32 v18, v32  }
0x1d7: {  	v33 =	vshll.u32 v18, $0x7  }
0x1d8: {  	vm12 =	vlt.u32 v18, $0xC8;
	v18 =	vor.u32 v0, v33  }
0x1d9: {  	v18 =	vsel vm12, v18, v0  }
0x1da: {  	v34 =	vadd.s32 v4, v19;
	_ =	sdelay $0x3  }
0x1db: {  	[tilespmem:v18+s14+$0x0] =	vst.idx.msk vm12, v3  }
0x1dc: {  	v18 =	vld.idx.msk [tilespmem:v34+s2+$0x0], $0xffff;
	_ =	sdelay $0x4  }
0x1dd: {  	v18 =	vsub.s32 v18, v32  }
0x1de: {  	v35 =	vshll.u32 v18, $0x7  }
0x1df: {  	vm13 =	vlt.u32 v18, $0xC8;
	v18 =	vor.u32 v5, v35  }
0x1e0: {  	v18 =	vsel vm13, v18, v5  }
0x1e1: {  	v36 =	vadd.s32 v6, v19;
	_ =	sdelay $0x3  }
0x1e2: {  	[tilespmem:v18+s14+$0x0] =	vst.idx.msk vm13, v3  }
0x1e3: {  	v18 =	vld.idx.msk [tilespmem:v36+s2+$0x0], $0xffff;
	_ =	sdelay $0x4  }
0x1e4: {  	v18 =	vsub.s32 v18, v32  }
0x1e5: {  	v37 =	vshll.u32 v18, $0x7  }
0x1e6: {  	vm14 =	vlt.u32 v18, $0xC8;
	v18 =	vor.u32 v7, v37  }
0x1e7: {  	v18 =	vsel vm14, v18, v7  }
0x1e8: {  	v38 =	vadd.s32 v8, v19;
	_ =	sdelay $0x3  }
0x1e9: {  	[tilespmem:v18+s14+$0x0] =	vst.idx.msk vm14, v3  }
0x1ea: {  	v18 =	vld.idx.msk [tilespmem:v38+s2+$0x0], $0xffff;
	_ =	sdelay $0x4  }
0x1eb: {  	v18 =	vsub.s32 v18, v32  }
0x1ec: {  	v39 =	vshll.u32 v18, $0x7  }
0x1ed: {  	vm15 =	vlt.u32 v18, $0xC8;
	v18 =	vor.u32 v9, v39  }
0x1ee: {  	v18 =	vsel vm15, v18, v9  }
0x1ef: {  	v40 =	vadd.s32 v10, v19;
	_ =	sdelay $0x3  }
0x1f0: {  	[tilespmem:v18+s14+$0x0] =	vst.idx.msk vm15, v3  }
0x1f1: {  	v18 =	vld.idx.msk [tilespmem:v40+s2+$0x0], $0xffff;
	_ =	sdelay $0x4  }
0x1f2: {  	v18 =	vsub.s32 v18, v32  }
0x1f3: {  	v41 =	vshll.u32 v18, $0x7  }
0x1f4: {  	vm4 =	vlt.u32 v18, $0xC8;
	v18 =	vor.u32 v11, v41  }
0x1f5: {  	v18 =	vsel vm4, v18, v11  }
0x1f6: {  	v42 =	vadd.s32 v12, v19;
	_ =	sdelay $0x3  }
0x1f7: {  	[tilespmem:v18+s14+$0x0] =	vst.idx.msk vm4, v3  }
0x1f8: {  	v18 =	vld.idx.msk [tilespmem:v42+s2+$0x0], $0xffff;
	_ =	sdelay $0x4  }
0x1f9: {  	v18 =	vsub.s32 v18, v32  }
0x1fa: {  	v43 =	vshll.u32 v18, $0x7  }
0x1fb: {  	vm5 =	vlt.u32 v18, $0xC8;
	v18 =	vor.u32 v13, v43  }
0x1fc: {  	v18 =	vsel vm5, v18, v13  }
0x1fd: {  	v44 =	vadd.s32 v14, v19;
	_ =	sdelay $0x3  }
0x1fe: {  	[tilespmem:v18+s14+$0x0] =	vst.idx.msk vm5, v3  }
0x1ff: {  	v18 =	vld.idx.msk [tilespmem:v44+s2+$0x0], $0xffff;
	_ =	sdelay $0x4  }
0x200: {  	v18 =	vsub.s32 v18, v32  }
0x201: {  	v45 =	vshll.u32 v18, $0x7  }
0x202: {  	vm6 =	vlt.u32 v18, $0xC8;
	v18 =	vor.u32 v15, v45  }
0x203: {  	v18 =	vsel vm6, v18, v15  }
0x204: {  	v19 =	vadd.s32 v16, v19;
	_ =	sdelay $0x3  }
0x205: {  	[tilespmem:v18+s14+$0x0] =	vst.idx.msk vm6, v3  }
0x206: {  	v18 =	vld.idx.msk [tilespmem:v19+s2+$0x0], $0xffff;
	_ =	sdelay $0x4  }
0x207: {  	v18 =	vsub.s32 v18, v32  }
0x208: {  	v19 =	vshll.u32 v18, $0x7  }
0x209: {  	vm7 =	vlt.u32 v18, $0xC8;
	v18 =	vor.u32 v17, v19  }
0x20a: {  	v18 =	vsel vm7, v18, v17  }
0x20b: {  	s1 =	sadd.s32 $0xFFFBFFFF, s23  }
0x20c: {  	s1 =	sshrl.u32 s1, $0x12  }
0x20d: {  	v19 =	vmov s1  }
0x20e: {  	v19 =	vand.u32 $0x1FFF, v19  }
0x20f: {  	s1 =	sadd.s32 $0xFFFCE000, s9;
	[tilespmem:v18+s14+$0x0] =	vst.idx.msk vm7, v3;
	v18 =	vadd.s32 v1, v19  }
0x210: {  	[hbm4b:s1+s12] =	stream.strided.scatter [tilespmem:s14], [sflag:$0x2], $0x6400, s13, s12, $0x38;
	[tilespmem:$0x1D000] =	vst v63  }
0x211: {  	_ =	swait.ge [sflag:s19], $0x6400  }
0x212: {  	[sflag:s19] =	ssyncset.done $0x0  }
0x213: {  	s1 =	sshrl.u32 s29, $0x12;
	[sflag:s19] =	ssyncadd.s32 $0xFFFF9C00  }
0x214: {  	s1 =	smul.u32 $0x3E8, s1;
	v18 =	vld.idx.msk [tilespmem:v18+s2+$0x0], $0xffff;
	_ =	sdelay $0x1  }
0x215: {  	s1 =	ssub.s32 s31, s1  }
0x216: {  	s1 =	sadd.s32 $0x190, s1  }
0x217: {  	v46 =	vmov s1  }
0x218: {  	v18 =	vsub.s32 v18, v46  }
0x219: {  	v47 =	vshll.u32 v18, $0x7  }
0x21a: {  	vm8 =	vlt.u32 v18, $0xC8;
	v18 =	vor.u32 v0, v47  }
0x21b: {  	v18 =	vsel vm8, v18, v0  }
0x21c: {  	v48 =	vadd.s32 v4, v19;
	_ =	sdelay $0x3  }
0x21d: {  	[tilespmem:v18+s15+$0x0] =	vst.idx.msk vm8, v2  }
0x21e: {  	v18 =	vld.idx.msk [tilespmem:v48+s2+$0x0], $0xffff;
	_ =	sdelay $0x4  }
0x21f: {  	v18 =	vsub.s32 v18, v46  }
0x220: {  	v49 =	vshll.u32 v18, $0x7  }
0x221: {  	vm9 =	vlt.u32 v18, $0xC8;
	v18 =	vor.u32 v5, v49  }
0x222: {  	v18 =	vsel vm9, v18, v5  }
0x223: {  	v50 =	vadd.s32 v6, v19;
	_ =	sdelay $0x3  }
0x224: {  	[tilespmem:v18+s15+$0x0] =	vst.idx.msk vm9, v2  }
0x225: {  	v18 =	vld.idx.msk [tilespmem:v50+s2+$0x0], $0xffff;
	_ =	sdelay $0x4  }
0x226: {  	v18 =	vsub.s32 v18, v46  }
0x227: {  	v51 =	vshll.u32 v18, $0x7  }
0x228: {  	vm10 =	vlt.u32 v18, $0xC8;
	v18 =	vor.u32 v7, v51  }
0x229: {  	v18 =	vsel vm10, v18, v7  }
0x22a: {  	v52 =	vadd.s32 v8, v19;
	_ =	sdelay $0x3  }
0x22b: {  	[tilespmem:v18+s15+$0x0] =	vst.idx.msk vm10, v2  }
0x22c: {  	v18 =	vld.idx.msk [tilespmem:v52+s2+$0x0], $0xffff;
	_ =	sdelay $0x4  }
0x22d: {  	v18 =	vsub.s32 v18, v46  }
0x22e: {  	v53 =	vshll.u32 v18, $0x7  }
0x22f: {  	vm11 =	vlt.u32 v18, $0xC8;
	v18 =	vor.u32 v9, v53  }
0x230: {  	v18 =	vsel vm11, v18, v9  }
0x231: {  	v54 =	vadd.s32 v10, v19;
	_ =	sdelay $0x3  }
0x232: {  	[tilespmem:v18+s15+$0x0] =	vst.idx.msk vm11, v2  }
0x233: {  	v18 =	vld.idx.msk [tilespmem:v54+s2+$0x0], $0xffff;
	_ =	sdelay $0x4  }
0x234: {  	v18 =	vsub.s32 v18, v46  }
0x235: {  	v55 =	vshll.u32 v18, $0x7  }
0x236: {  	vm12 =	vlt.u32 v18, $0xC8;
	v18 =	vor.u32 v11, v55  }
0x237: {  	v18 =	vsel vm12, v18, v11  }
0x238: {  	v56 =	vadd.s32 v12, v19;
	_ =	sdelay $0x3  }
0x239: {  	[tilespmem:v18+s15+$0x0] =	vst.idx.msk vm12, v2  }
0x23a: {  	v18 =	vld.idx.msk [tilespmem:v56+s2+$0x0], $0xffff;
	_ =	sdelay $0x4  }
0x23b: {  	v18 =	vsub.s32 v18, v46  }
0x23c: {  	v57 =	vshll.u32 v18, $0x7  }
0x23d: {  	vm13 =	vlt.u32 v18, $0xC8;
	v18 =	vor.u32 v13, v57  }
0x23e: {  	v18 =	vsel vm13, v18, v13  }
0x23f: {  	v58 =	vadd.s32 v14, v19;
	_ =	sdelay $0x3  }
0x240: {  	[tilespmem:v18+s15+$0x0] =	vst.idx.msk vm13, v2  }
0x241: {  	v18 =	vld.idx.msk [tilespmem:v58+s2+$0x0], $0xffff;
	_ =	sdelay $0x4  }
0x242: {  	v18 =	vsub.s32 v18, v46  }
0x243: {  	v59 =	vshll.u32 v18, $0x7  }
0x244: {  	vm14 =	vlt.u32 v18, $0xC8;
	v18 =	vor.u32 v15, v59  }
0x245: {  	v18 =	vsel vm14, v18, v15  }
0x246: {  	v19 =	vadd.s32 v16, v19;
	_ =	sdelay $0x3  }
0x247: {  	[tilespmem:v18+s15+$0x0] =	vst.idx.msk vm14, v2  }
0x248: {  	v18 =	vld.idx.msk [tilespmem:v19+s2+$0x0], $0xffff;
	_ =	sdelay $0x4  }
0x249: {  	s1 =	sadd.s32 $0xFFFF3333, s23;
	v18 =	vsub.s32 v18, v46  }
0x24a: {  	s1 =	sshrl.u32 s1, $0x12;
	v19 =	vshll.u32 v18, $0x7  }
0x24b: {  	vm15 =	vlt.u32 v18, $0xC8;
	v18 =	vor.u32 v17, v19;
	v19 =	vmov s1  }
0x24c: {  	v18 =	vsel vm15, v18, v17;
	v19 =	vand.u32 $0x1FFF, v19  }
0x24d: {  	v60 =	vadd.s32 v1, v19;
	_ =	sdelay $0x3  }
0x24e: {  	s1 =	sshrl.u32 s24, $0x12;
	[tilespmem:v18+s15+$0x0] =	vst.idx.msk vm15, v2  }
0x24f: {  	s1 =	smul.u32 $0x3E8, s1;
	v18 =	vld.idx.msk [tilespmem:v60+s2+$0x0], $0xffff;
	_ =	sdelay $0x1  }
0x250: {  	s1 =	ssub.s32 s31, s1  }
0x251: {  	s1 =	sadd.s32 $0x4B0, s1  }
0x252: {  	v61 =	vmov s1  }
0x253: {  	v18 =	vsub.s32 v18, v61  }
0x254: {  	v62 =	vshll.u32 v18, $0x7  }
0x255: {  	vm4 =	vlt.u32 v18, $0xC8;
	v18 =	vor.u32 v0, v62  }
0x256: {  	v18 =	vsel vm4, v18, v0  }
0x257: {  	v63 =	vadd.s32 v4, v19;
	_ =	sdelay $0x3  }
0x258: {  	[tilespmem:v18+s15+$0x0] =	vst.idx.msk vm4, v3  }
0x259: {  	v18 =	vld.idx.msk [tilespmem:v63+s2+$0x0], $0xffff;
	_ =	sdelay $0x4  }
0x25a: {  	v18 =	vsub.s32 v18, v61  }
0x25b: {  	v24 =	vshll.u32 v18, $0x7  }
0x25c: {  	vm5 =	vlt.u32 v18, $0xC8;
	v18 =	vor.u32 v5, v24  }
0x25d: {  	v18 =	vsel vm5, v18, v5  }
0x25e: {  	v25 =	vadd.s32 v6, v19;
	_ =	sdelay $0x3  }
0x25f: {  	[tilespmem:v18+s15+$0x0] =	vst.idx.msk vm5, v3  }
0x260: {  	v18 =	vld.idx.msk [tilespmem:v25+s2+$0x0], $0xffff;
	_ =	sdelay $0x4  }
0x261: {  	v18 =	vsub.s32 v18, v61  }
0x262: {  	v26 =	vshll.u32 v18, $0x7  }
0x263: {  	vm6 =	vlt.u32 v18, $0xC8;
	v18 =	vor.u32 v7, v26  }
0x264: {  	v18 =	vsel vm6, v18, v7  }
0x265: {  	v27 =	vadd.s32 v8, v19;
	_ =	sdelay $0x3  }
0x266: {  	[tilespmem:v18+s15+$0x0] =	vst.idx.msk vm6, v3  }
0x267: {  	v18 =	vld.idx.msk [tilespmem:v27+s2+$0x0], $0xffff;
	_ =	sdelay $0x4  }
0x268: {  	v18 =	vsub.s32 v18, v61  }
0x269: {  	v28 =	vshll.u32 v18, $0x7  }
0x26a: {  	vm7 =	vlt.u32 v18, $0xC8;
	v18 =	vor.u32 v9, v28  }
0x26b: {  	v18 =	vsel vm7, v18, v9  }
0x26c: {  	v29 =	vadd.s32 v10, v19;
	_ =	sdelay $0x3  }
0x26d: {  	[tilespmem:v18+s15+$0x0] =	vst.idx.msk vm7, v3  }
0x26e: {  	v18 =	vld.idx.msk [tilespmem:v29+s2+$0x0], $0xffff;
	_ =	sdelay $0x4  }
0x26f: {  	v18 =	vsub.s32 v18, v61  }
0x270: {  	v30 =	vshll.u32 v18, $0x7  }
0x271: {  	vm8 =	vlt.u32 v18, $0xC8;
	v18 =	vor.u32 v11, v30  }
0x272: {  	v18 =	vsel vm8, v18, v11  }
0x273: {  	v31 =	vadd.s32 v12, v19;
	_ =	sdelay $0x3  }
0x274: {  	[tilespmem:v18+s15+$0x0] =	vst.idx.msk vm8, v3  }
0x275: {  	v18 =	vld.idx.msk [tilespmem:v31+s2+$0x0], $0xffff;
	_ =	sdelay $0x4  }
0x276: {  	v18 =	vsub.s32 v18, v61  }
0x277: {  	v32 =	vshll.u32 v18, $0x7  }
0x278: {  	vm9 =	vlt.u32 v18, $0xC8;
	v18 =	vor.u32 v13, v32  }
0x279: {  	v18 =	vsel vm9, v18, v13  }
0x27a: {  	v33 =	vadd.s32 v14, v19;
	_ =	sdelay $0x3  }
0x27b: {  	[tilespmem:v18+s15+$0x0] =	vst.idx.msk vm9, v3  }
0x27c: {  	v18 =	vld.idx.msk [tilespmem:v33+s2+$0x0], $0xffff;
	_ =	sdelay $0x4  }
0x27d: {  	v18 =	vsub.s32 v18, v61  }
0x27e: {  	v34 =	vshll.u32 v18, $0x7  }
0x27f: {  	vm10 =	vlt.u32 v18, $0xC8;
	v18 =	vor.u32 v15, v34  }
0x280: {  	v18 =	vsel vm10, v18, v15  }
0x281: {  	v19 =	vadd.s32 v16, v19;
	_ =	sdelay $0x3  }
0x282: {  	[tilespmem:v18+s15+$0x0] =	vst.idx.msk vm10, v3  }
0x283: {  	v18 =	vld.idx.msk [tilespmem:v19+s2+$0x0], $0xffff;
	_ =	sdelay $0x4  }
0x284: {  	v18 =	vsub.s32 v18, v61  }
0x285: {  	v19 =	vshll.u32 v18, $0x7  }
0x286: {  	vm11 =	vlt.u32 v18, $0xC8;
	v18 =	vor.u32 v17, v19  }
0x287: {  	v18 =	vsel vm11, v18, v17  }
0x288: {  	s1 =	sadd.s32 $0xFFFCCCCC, s23  }
0x289: {  	s1 =	sshrl.u32 s1, $0x12  }
0x28a: {  	v19 =	vmov s1  }
0x28b: {  	v19 =	vand.u32 $0x1FFF, v19  }
0x28c: {  	s1 =	sadd.s32 $0xFFFE7000, s9;
	[tilespmem:v18+s15+$0x0] =	vst.idx.msk vm11, v3;
	v18 =	vadd.s32 v1, v19  }
0x28d: {  	[hbm4b:s1+s12] =	stream.strided.scatter [tilespmem:s15], [sflag:$0x3], $0x6400, s13, s12, $0x38;
	[tilespmem:$0x1D000] =	vst v63  }
0x28e: {  	_ =	swait.ge [sflag:s20], $0x6400  }
0x28f: {  	[sflag:s20] =	ssyncset.done $0x0  }
0x290: {  	s1 =	sshrl.u32 s30, $0x12;
	[sflag:s20] =	ssyncadd.s32 $0xFFFF9C00  }
0x291: {  	s1 =	smul.u32 $0x3E8, s1;
	v18 =	vld.idx.msk [tilespmem:v18+s2+$0x0], $0xffff;
	_ =	sdelay $0x1  }
0x292: {  	s1 =	ssub.s32 s31, s1  }
0x293: {  	s1 =	sadd.s32 $0x258, s1  }
0x294: {  	v35 =	vmov s1  }
0x295: {  	v18 =	vsub.s32 v18, v35  }
0x296: {  	v36 =	vshll.u32 v18, $0x7  }
0x297: {  	vm12 =	vlt.u32 v18, $0xC8;
	v18 =	vor.u32 v0, v36  }
0x298: {  	v18 =	vsel vm12, v18, v0  }
0x299: {  	v37 =	vadd.s32 v4, v19;
	_ =	sdelay $0x3  }
0x29a: {  	[tilespmem:v18+s16+$0x0] =	vst.idx.msk vm12, v2  }
0x29b: {  	v18 =	vld.idx.msk [tilespmem:v37+s2+$0x0], $0xffff;
	_ =	sdelay $0x4  }
0x29c: {  	v18 =	vsub.s32 v18, v35  }
0x29d: {  	v38 =	vshll.u32 v18, $0x7  }
0x29e: {  	vm13 =	vlt.u32 v18, $0xC8;
	v18 =	vor.u32 v5, v38  }
0x29f: {  	v18 =	vsel vm13, v18, v5  }
0x2a0: {  	v39 =	vadd.s32 v6, v19;
	_ =	sdelay $0x3  }
0x2a1: {  	[tilespmem:v18+s16+$0x0] =	vst.idx.msk vm13, v2  }
0x2a2: {  	v18 =	vld.idx.msk [tilespmem:v39+s2+$0x0], $0xffff;
	_ =	sdelay $0x4  }
0x2a3: {  	v18 =	vsub.s32 v18, v35  }
0x2a4: {  	v40 =	vshll.u32 v18, $0x7  }
0x2a5: {  	vm14 =	vlt.u32 v18, $0xC8;
	v18 =	vor.u32 v7, v40  }
0x2a6: {  	v18 =	vsel vm14, v18, v7  }
0x2a7: {  	v41 =	vadd.s32 v8, v19;
	_ =	sdelay $0x3  }
0x2a8: {  	[tilespmem:v18+s16+$0x0] =	vst.idx.msk vm14, v2  }
0x2a9: {  	v18 =	vld.idx.msk [tilespmem:v41+s2+$0x0], $0xffff;
	_ =	sdelay $0x4  }
0x2aa: {  	v18 =	vsub.s32 v18, v35  }
0x2ab: {  	v42 =	vshll.u32 v18, $0x7  }
0x2ac: {  	vm15 =	vlt.u32 v18, $0xC8;
	v18 =	vor.u32 v9, v42  }
0x2ad: {  	v18 =	vsel vm15, v18, v9  }
0x2ae: {  	v43 =	vadd.s32 v10, v19;
	_ =	sdelay $0x3  }
0x2af: {  	[tilespmem:v18+s16+$0x0] =	vst.idx.msk vm15, v2  }
0x2b0: {  	v18 =	vld.idx.msk [tilespmem:v43+s2+$0x0], $0xffff;
	_ =	sdelay $0x4  }
0x2b1: {  	v18 =	vsub.s32 v18, v35  }
0x2b2: {  	v44 =	vshll.u32 v18, $0x7  }
0x2b3: {  	vm4 =	vlt.u32 v18, $0xC8;
	v18 =	vor.u32 v11, v44  }
0x2b4: {  	v18 =	vsel vm4, v18, v11  }
0x2b5: {  	v45 =	vadd.s32 v12, v19;
	_ =	sdelay $0x3  }
0x2b6: {  	[tilespmem:v18+s16+$0x0] =	vst.idx.msk vm4, v2  }
0x2b7: {  	v18 =	vld.idx.msk [tilespmem:v45+s2+$0x0], $0xffff;
	_ =	sdelay $0x4  }
0x2b8: {  	v18 =	vsub.s32 v18, v35  }
0x2b9: {  	v46 =	vshll.u32 v18, $0x7  }
0x2ba: {  	vm5 =	vlt.u32 v18, $0xC8;
	v18 =	vor.u32 v13, v46  }
0x2bb: {  	v18 =	vsel vm5, v18, v13  }
0x2bc: {  	v47 =	vadd.s32 v14, v19;
	_ =	sdelay $0x3  }
0x2bd: {  	[tilespmem:v18+s16+$0x0] =	vst.idx.msk vm5, v2  }
0x2be: {  	v18 =	vld.idx.msk [tilespmem:v47+s2+$0x0], $0xffff;
	_ =	sdelay $0x4  }
0x2bf: {  	v18 =	vsub.s32 v18, v35  }
0x2c0: {  	v48 =	vshll.u32 v18, $0x7  }
0x2c1: {  	vm6 =	vlt.u32 v18, $0xC8;
	v18 =	vor.u32 v15, v48  }
0x2c2: {  	v18 =	vsel vm6, v18, v15  }
0x2c3: {  	v19 =	vadd.s32 v16, v19;
	_ =	sdelay $0x3  }
0x2c4: {  	[tilespmem:v18+s16+$0x0] =	vst.idx.msk vm6, v2  }
0x2c5: {  	v18 =	vld.idx.msk [tilespmem:v19+s2+$0x0], $0xffff;
	_ =	sdelay $0x4  }
0x2c6: {  	v18 =	vsub.s32 v18, v35  }
0x2c7: {  	s1 =	sshrl.u32 s23, $0x12;
	v19 =	vshll.u32 v18, $0x7  }
0x2c8: {  	vm7 =	vlt.u32 v18, $0xC8;
	v18 =	vor.u32 v17, v19;
	v19 =	vmov s1  }
0x2c9: {  	v18 =	vsel vm7, v18, v17;
	v19 =	vand.u32 $0x1FFF, v19  }
0x2ca: {  	v49 =	vadd.s32 v1, v19;
	_ =	sdelay $0x3  }
0x2cb: {  	[tilespmem:v18+s16+$0x0] =	vst.idx.msk vm7, v2  }
0x2cc: {  	s1 =	smul.u32 $0x3E8, s1;
	v18 =	vld.idx.msk [tilespmem:v49+s2+$0x0], $0xffff;
	_ =	sdelay $0x1  }
0x2cd: {  	s1 =	ssub.s32 s31, s1  }
0x2ce: {  	s1 =	sadd.s32 $0x578, s1  }
0x2cf: {  	v50 =	vmov s1  }
0x2d0: {  	v18 =	vsub.s32 v18, v50  }
0x2d1: {  	v51 =	vshll.u32 v18, $0x7  }
0x2d2: {  	vm8 =	vlt.u32 v18, $0xC8;
	v18 =	vor.u32 v0, v51  }
0x2d3: {  	v18 =	vsel vm8, v18, v0  }
0x2d4: {  	v52 =	vadd.s32 v4, v19;
	_ =	sdelay $0x3  }
0x2d5: {  	[tilespmem:v18+s16+$0x0] =	vst.idx.msk vm8, v3  }
0x2d6: {  	v18 =	vld.idx.msk [tilespmem:v52+s2+$0x0], $0xffff;
	_ =	sdelay $0x4  }
0x2d7: {  	v18 =	vsub.s32 v18, v50  }
0x2d8: {  	v53 =	vshll.u32 v18, $0x7  }
0x2d9: {  	vm9 =	vlt.u32 v18, $0xC8;
	v18 =	vor.u32 v5, v53  }
0x2da: {  	v18 =	vsel vm9, v18, v5  }
0x2db: {  	v54 =	vadd.s32 v6, v19;
	_ =	sdelay $0x3  }
0x2dc: {  	[tilespmem:v18+s16+$0x0] =	vst.idx.msk vm9, v3  }
0x2dd: {  	v18 =	vld.idx.msk [tilespmem:v54+s2+$0x0], $0xffff;
	_ =	sdelay $0x4  }
0x2de: {  	v18 =	vsub.s32 v18, v50  }
0x2df: {  	v55 =	vshll.u32 v18, $0x7  }
0x2e0: {  	vm10 =	vlt.u32 v18, $0xC8;
	v18 =	vor.u32 v7, v55  }
0x2e1: {  	v18 =	vsel vm10, v18, v7  }
0x2e2: {  	v56 =	vadd.s32 v8, v19;
	_ =	sdelay $0x3  }
0x2e3: {  	[tilespmem:v18+s16+$0x0] =	vst.idx.msk vm10, v3  }
0x2e4: {  	v18 =	vld.idx.msk [tilespmem:v56+s2+$0x0], $0xffff;
	_ =	sdelay $0x4  }
0x2e5: {  	v18 =	vsub.s32 v18, v50  }
0x2e6: {  	v57 =	vshll.u32 v18, $0x7  }
0x2e7: {  	vm11 =	vlt.u32 v18, $0xC8;
	v18 =	vor.u32 v9, v57  }
0x2e8: {  	v18 =	vsel vm11, v18, v9  }
0x2e9: {  	v58 =	vadd.s32 v10, v19;
	_ =	sdelay $0x3  }
0x2ea: {  	[tilespmem:v18+s16+$0x0] =	vst.idx.msk vm11, v3  }
0x2eb: {  	v18 =	vld.idx.msk [tilespmem:v58+s2+$0x0], $0xffff;
	_ =	sdelay $0x4  }
0x2ec: {  	v18 =	vsub.s32 v18, v50  }
0x2ed: {  	v59 =	vshll.u32 v18, $0x7  }
0x2ee: {  	vm12 =	vlt.u32 v18, $0xC8;
	v18 =	vor.u32 v11, v59  }
0x2ef: {  	v18 =	vsel vm12, v18, v11  }
0x2f0: {  	v60 =	vadd.s32 v12, v19;
	_ =	sdelay $0x3  }
0x2f1: {  	[tilespmem:v18+s16+$0x0] =	vst.idx.msk vm12, v3  }
0x2f2: {  	v18 =	vld.idx.msk [tilespmem:v60+s2+$0x0], $0xffff;
	_ =	sdelay $0x4  }
0x2f3: {  	v18 =	vsub.s32 v18, v50  }
0x2f4: {  	v61 =	vshll.u32 v18, $0x7  }
0x2f5: {  	vm13 =	vlt.u32 v18, $0xC8;
	v18 =	vor.u32 v13, v61  }
0x2f6: {  	v18 =	vsel vm13, v18, v13  }
0x2f7: {  	v62 =	vadd.s32 v14, v19;
	_ =	sdelay $0x3  }
0x2f8: {  	[tilespmem:v18+s16+$0x0] =	vst.idx.msk vm13, v3  }
0x2f9: {  	v18 =	vld.idx.msk [tilespmem:v62+s2+$0x0], $0xffff;
	_ =	sdelay $0x4  }
0x2fa: {  	v18 =	vsub.s32 v18, v50  }
0x2fb: {  	v63 =	vshll.u32 v18, $0x7  }
0x2fc: {  	vm14 =	vlt.u32 v18, $0xC8;
	v18 =	vor.u32 v15, v63  }
0x2fd: {  	v18 =	vsel vm14, v18, v15  }
0x2fe: {  	v19 =	vadd.s32 v16, v19;
	_ =	sdelay $0x3  }
0x2ff: {  	[tilespmem:v18+s16+$0x0] =	vst.idx.msk vm14, v3  }
0x300: {  	v18 =	vld.idx.msk [tilespmem:v19+s2+$0x0], $0xffff;
	_ =	sdelay $0x4  }
0x301: {  	v18 =	vsub.s32 v18, v50  }
0x302: {  	v19 =	vshll.u32 v18, $0x7  }
0x303: {  	vm15 =	vlt.u32 v18, $0xC8;
	v18 =	vor.u32 v17, v19  }
0x304: {  	v18 =	vsel vm15, v18, v17;
	_ =	sdelay $0x1  }
0x305: {  	p0 =	sne.s32 s23, $0x4F3347  }
.Ltmp4:
0x306: {  	s22 =	sadd.s32 $0x33334, s22;
	(pc) =	sbr.rel @p0 .LBB2_10-.Ltmp4, $4  }
0x307: {  	s26 =	sadd.s32 $0x33334, s26;
	s28 =	sadd.s32 $0x33334, s28;
	s25 =	sadd.s32 $0x33334, s25  }
0x308: {  	s29 =	sadd.s32 $0x33334, s29;
	s24 =	sadd.s32 $0x33334, s24;
	s30 =	sadd.s32 $0x33334, s30;
	[tilespmem:v18+s16+$0x0] =	vst.idx.msk vm15, v3  }
0x309: {  	[hbm4b:s9+s12] =	stream.strided.scatter [tilespmem:s16], [sflag:$0x4], $0x6400, s13, s12, $0x38;
	[tilespmem:$0x1D000] =	vst v63  }
0x30a: {  	s23 =	sadd.s32 $0x33334, s23;
	s31 =	sadd.s32 $0x320, s31;
	s9 =	sadd.s32 $0x64000, s9  }
0x30b: {  	_ =	swait.ge [sflag:s17], $0x6400  }
0x30c: {  	[sflag:s17] =	ssyncset.done $0x0  }
0x30d: {  	[sflag:s17] =	ssyncadd.s32 $0xFFFF9C00  }
0x30e: {  	_ =	swait.ge [sflag:s18], $0x6400  }
0x30f: {  	[sflag:s18] =	ssyncset.done $0x0  }
0x310: {  	s21 =	sadd.s32 $0x1, s21;
	[sflag:s18] =	ssyncadd.s32 $0xFFFF9C00  }
0x311: {  	p0 =	sne.s32 s21, s8;
	_ =	swait.ge [sflag:s19], $0x6400  }
.Ltmp5:
0x312: {  	[sflag:s19] =	ssyncset.done $0x0;
	(pc) =	sbr.rel @p0 .LBB2_1-.Ltmp5, $4  }
0x313: {  	[sflag:s19] =	ssyncadd.s32 $0xFFFF9C00  }
0x314: {  	_ =	swait.ge [sflag:s20], $0x6400  }
0x315: {  	[sflag:s20] =	ssyncset.done $0x0  }
0x316: {  	[sflag:s20] =	ssyncadd.s32 $0xFFFF9C00  }
0x317: {  	_ =	sfence.sel $0x180000  }
0x318: {  	[bflag:$0x0] =	sbarrier.arrive $0xFFFF  }
0x319: {  	_ =	strace $0x90000047  }
0x31a: {  	s0 =	stileid.u32;
	[bflag:$0x2] =	sbarrier.arrive $0xFFFF  }
0x31b: {  	p0 =	sne.s32 s0, $0x0;
	s0 =	rddreg [dreg:$0x2]  }
0x31c: {  	s0 =	sadd.s32 @!p0 $0x100000, s0  }
0x31d: {  	[sflag:s0] =	ssyncadd.tile.s32 @!p0 $0x1;
	_ =	shalt  }
.Lfunc_end2:
_tile_overlayer_lowered:
.L_overlay_start_2:
0x31e: {  	(tag) =	ssettag $0x2  }
0x31f: {  	s0 =	rddreg [dreg:$0x0];
	s2 =	stileid.u32  }
0x320: {  	s1 =	rddreg [dreg:$0x1];
	p0 =	sne.s32 s2, $0x0  }
0x321: {  	s3 =	rddreg [dreg:$0x2];
	[bflag:$0x3] =	sbarrier.arrive $0xFFFF;
	s2 =	simm.s32 @!p0 $0x1C05  }
0x322: {  	[timem:s3], [sflag:s2] =	dma.local @!p0 [hbm:s0], s1  }
0x323: {  	s0 =	simm.s32 @!p0 $0x5  }
0x324: {  	_ =	swait.ge @!p0 [sflag:s0], s1  }
0x325: {  	s1 =	ssub.s32 @!p0 $0x0, s1;
	[sflag:s0] =	ssyncset.done @!p0 $0x0  }
0x326: {  	[sflag:s0] =	ssyncadd.s32 @!p0 s1  }
0x327: {  	[bflag:$0x3] =	sbarrier.arrive $0xFFFF  }
0x328: {  	_ =	shalt  }

</sc_bundles>
